<compile_context>
chip_gen: v7x
topology: tpu7x:2x2x1
jax: 0.10.2.dev20260603
libtpu: 0.0.44.dev20260713+nightly
codegen_flags: <defaults>
</compile_context>

<pallas_src>
import functools

import jax
import jax.numpy as jnp
from jax import lax
from jax.experimental import pallas as pl
from jax.experimental.pallas import tpu as pltpu
from jax.experimental.pallas import tpu_sc as plsc

N = 10000
D = 128
B = 64
E = 320000

NC = 2
NS = 16
CHUNK = 128
NCHUNKS = 2560
EPAD = NCHUNKS * CHUNK
CPT0 = 144
CPT1 = 16
HCH = 16
NPH0 = CPT0 // HCH
NPH1 = CPT1 // HCH
NROW = 10240
RPT = NROW // NS
DUMMY = N

ROWS_BLK = 1000
NBLK = N // ROWS_BLK

S1 = float(2 ** 19)
S2 = float(2 ** 17)


def _sc_segsum_body(table, srcs, dsts, out, acc, src_v, dst_v, rows,
                    sem0, sem1, ssem0, ssem1):
    cid = lax.axis_index("c")
    sid = lax.axis_index("s")
    base = jnp.where(cid == 0, sid * CPT0, NS * CPT0 + sid * CPT1)
    nphase = jnp.where(cid == 0, NPH0, NPH1)
    r0 = sid * RPT

    zeros16 = jnp.zeros((16,), jnp.int32)

    @pl.loop(0, CHUNK)
    def _zrow(i):
        @pl.loop(0, D // 16)
        def _zcol(k):
            rows[0, i, pl.ds(k * 16, 16)] = zeros16

    @pl.loop(0, RPT // CHUNK)
    def _zacc(t):
        pltpu.sync_copy(rows.at[0], acc.at[pl.ds(r0 + t * CHUNK, CHUNK)])

    plsc.subcore_barrier()

    @pl.loop(0, nphase)
    def _phase(p):
        cb = base + p * HCH
        pltpu.sync_copy(srcs.at[pl.ds(cb, HCH)], src_v)
        pltpu.sync_copy(dsts.at[pl.ds(cb, HCH)], dst_v)

        pltpu.async_copy(table.at[src_v.at[0]], rows.at[0], sem0)
        pltpu.async_copy(table.at[src_v.at[1]], rows.at[1], sem1)

        @pl.loop(0, HCH - 2, step=2)
        def _step(j):
            pltpu.make_async_copy(table.at[src_v.at[0]], rows.at[0],
                                  sem0).wait()
            pltpu.async_copy(rows.at[0], acc.at[dst_v.at[j]], ssem0,
                             add=True)
            pltpu.make_async_copy(table.at[src_v.at[1]], rows.at[1],
                                  sem1).wait()
            pltpu.async_copy(rows.at[1], acc.at[dst_v.at[j + 1]], ssem1,
                             add=True)
            pltpu.make_async_copy(rows.at[0], acc.at[dst_v.at[0]],
                                  ssem0).wait()
            pltpu.async_copy(table.at[src_v.at[j + 2]], rows.at[0], sem0)
            pltpu.make_async_copy(rows.at[1], acc.at[dst_v.at[0]],
                                  ssem1).wait()
            pltpu.async_copy(table.at[src_v.at[j + 3]], rows.at[1], sem1)

        pltpu.make_async_copy(table.at[src_v.at[0]], rows.at[0], sem0).wait()
        pltpu.async_copy(rows.at[0], acc.at[dst_v.at[HCH - 2]], ssem0,
                         add=True)
        pltpu.make_async_copy(table.at[src_v.at[1]], rows.at[1], sem1).wait()
        pltpu.async_copy(rows.at[1], acc.at[dst_v.at[HCH - 1]], ssem1,
                         add=True)
        pltpu.make_async_copy(rows.at[0], acc.at[dst_v.at[0]], ssem0).wait()
        pltpu.make_async_copy(rows.at[1], acc.at[dst_v.at[0]], ssem1).wait()

    plsc.subcore_barrier()
    pltpu.sync_copy(acc.at[pl.ds(r0, RPT)], out.at[cid, pl.ds(r0, RPT)])


@functools.cache
def _get_segsum():
  return pl.kernel(
    _sc_segsum_body,
    out_type=jax.ShapeDtypeStruct((NC, NROW, D), jnp.int32),
    mesh=plsc.VectorSubcoreMesh(core_axis_name="c", subcore_axis_name="s",
                                num_cores=NC, num_subcores=NS),
    scratch_types=[
        pltpu.VMEM_SHARED((NROW, D), jnp.int32),
        pltpu.VMEM((HCH, CHUNK), jnp.int32),
        pltpu.VMEM((HCH, CHUNK), jnp.int32),
        pltpu.VMEM((2, CHUNK, D), jnp.int32),
        pltpu.SemaphoreType.DMA,
        pltpu.SemaphoreType.DMA,
        pltpu.SemaphoreType.DMA,
        pltpu.SemaphoreType.DMA,
    ],
  )


def _mlp1_body(p_ref, x_ref, w1_ref, b1_ref, w2_ref, b2_ref, o_ref, oi_ref):
    agg = ((p_ref[0] + p_ref[1]).astype(jnp.float32) * (1.0 / S1)
           + x_ref[...])
    h1 = jnp.maximum(
        jnp.dot(agg, w1_ref[...].T, preferred_element_type=jnp.float32)
        + b1_ref[...], 0.0)
    h = (jnp.dot(h1, w2_ref[...].T, preferred_element_type=jnp.float32)
         + b2_ref[...])
    o_ref[...] = h
    oi_ref[...] = jnp.round(h * S2).astype(jnp.int32)


def _mlp2_body(p_ref, h_ref, xb_ref, w1_ref, b1_ref, w2_ref, b2_ref,
               wr1_ref, br1_ref, wr2_ref, br2_ref, o_ref, sums, counts):
    i = pl.program_id(0)
    agg = ((p_ref[0] + p_ref[1]).astype(jnp.float32) * (1.0 / S2)
           + h_ref[...])
    t = jnp.maximum(
        jnp.dot(agg, w1_ref[...].T, preferred_element_type=jnp.float32)
        + b1_ref[...], 0.0)
    hb = (jnp.dot(t, w2_ref[...].T, preferred_element_type=jnp.float32)
          + b2_ref[...])

    seg = xb_ref[0]
    ids = lax.broadcasted_iota(jnp.int32, (B, ROWS_BLK), 0)
    onehot = jnp.where(seg == ids, 1.0, 0.0)

    @pl.when(i == 0)
    def _init():
        sums[...] = jnp.zeros_like(sums)
        counts[...] = jnp.zeros_like(counts)

    sums[...] += jnp.dot(onehot, hb, preferred_element_type=jnp.float32)
    cnt = jnp.sum(onehot, axis=1, keepdims=True)
    counts[...] += jnp.broadcast_to(cnt, (B, 128))

    @pl.when(i == pl.num_programs(0) - 1)
    def _finish():
        mean = sums[...] / jnp.maximum(counts[...], 1.0)
        r = jnp.maximum(
            jnp.dot(mean, wr1_ref[...].T, preferred_element_type=jnp.float32)
            + br1_ref[...], 0.0)
        pred = jnp.dot(r, wr2_ref[...].T,
                       preferred_element_type=jnp.float32)
        o_ref[...] = jnp.broadcast_to(pred, (B, 128)) + br2_ref[...]


_W_SPEC = pl.BlockSpec((D, D), lambda i: (0, 0))
_B_SPEC = pl.BlockSpec((1, D), lambda i: (0, 0))

_mlp1 = pl.pallas_call(
    _mlp1_body,
    grid=(NBLK,),
    in_specs=[
        pl.BlockSpec((NC, ROWS_BLK, D), lambda i: (0, i, 0)),
        pl.BlockSpec((ROWS_BLK, D), lambda i: (i, 0)),
        _W_SPEC, _B_SPEC, _W_SPEC, _B_SPEC,
    ],
    out_specs=[pl.BlockSpec((ROWS_BLK, D), lambda i: (i, 0)),
               pl.BlockSpec((ROWS_BLK, D), lambda i: (i, 0))],
    out_shape=[jax.ShapeDtypeStruct((N, D), jnp.float32),
               jax.ShapeDtypeStruct((N, D), jnp.int32)],
)

_mlp2 = pl.pallas_call(
    _mlp2_body,
    grid=(NBLK,),
    in_specs=[
        pl.BlockSpec((NC, ROWS_BLK, D), lambda i: (0, i, 0)),
        pl.BlockSpec((ROWS_BLK, D), lambda i: (i, 0)),
        pl.BlockSpec((1, 1, ROWS_BLK), lambda i: (i, 0, 0)),
        _W_SPEC, _B_SPEC, _W_SPEC, _B_SPEC,
        _W_SPEC, _B_SPEC,
        pl.BlockSpec((1, D), lambda i: (0, 0)),
        pl.BlockSpec((1, D), lambda i: (0, 0)),
    ],
    out_specs=pl.BlockSpec((B, 128), lambda i: (0, 0)),
    out_shape=jax.ShapeDtypeStruct((B, 128), jnp.float32),
    scratch_shapes=[
        pltpu.VMEM((B, 128), jnp.float32),
        pltpu.VMEM((B, 128), jnp.float32),
    ],
)


@jax.jit
def kernel(x, edge_index, pos, x_batch,
           W1a, b1a, W2a, b2a, W1b, b1b, W2b, b2b,
           Wr1, br1, Wr2, br2):
    del pos
    pad = EPAD - E
    srcs = jnp.concatenate(
        [edge_index[0], jnp.zeros((pad,), jnp.int32)]).reshape(NCHUNKS, CHUNK)
    dsts = jnp.concatenate(
        [edge_index[1], jnp.full((pad,), DUMMY, jnp.int32)]).reshape(
            NCHUNKS, CHUNK)
    perm = jnp.argsort(dsts, axis=1)
    dsts = jnp.take_along_axis(dsts, perm, axis=1)
    srcs = jnp.take_along_axis(srcs, perm, axis=1)
    lane = jnp.arange(CHUNK, dtype=jnp.int32)
    deal = (lane % 4) * 32 + lane // 4
    dsts = dsts[:, deal]
    srcs = srcs[:, deal]

    b1a2 = b1a.reshape(1, D)
    b2a2 = b2a.reshape(1, D)
    b1b2 = b1b.reshape(1, D)
    b2b2 = b2b.reshape(1, D)
    br12 = br1.reshape(1, D)
    br22 = jnp.broadcast_to(br2.reshape(1, 1), (1, D))
    xb = x_batch.reshape(NBLK, 1, ROWS_BLK)

    segsum = _get_segsum()
    x_i = jnp.round(x * S1).astype(jnp.int32)
    p1 = segsum(x_i, srcs, dsts)
    h, h_i = _mlp1(p1, x, W1a, b1a2, W2a, b2a2)
    p2 = segsum(h_i, srcs, dsts)
    out = _mlp2(p2, h, xb, W1b, b1b2, W2b, b2b2,
                Wr1, br12, Wr2, br22)
    return out[:, :1]

# --- scband reference (transcript-rebuilt; emitter-appended) ---
"""Pipeline reference for scband-tree-regressor-20572893348711 (READ-ONLY COPY).

The authoritative reference and input builder live on the scoring server;
editing this copy changes nothing except your own understanding.
"""

import jax, jax.numpy as jnp
import numpy as np

N = 10000
E = 320000
D = 128
H = 128
OUT = 1
B = 64


def setup_inputs(seed: int = 0) -> dict:
    key = jax.random.key(seed)
    ks = jax.random.split(key, 20)
    x = jax.random.normal(ks[0], (N, D), dtype=jnp.float32)
    edge_index = jax.random.randint(ks[1], (2, E), 0, N, dtype=jnp.int32)
    pos = jax.random.uniform(ks[2], (N, 1), dtype=jnp.float32)
    x_batch = jnp.sort(jax.random.randint(ks[3], (N,), 0, B, dtype=jnp.int32))
    s1 = 1.0 / np.sqrt(D)
    s2 = 1.0 / np.sqrt(H)
    # conv layer 1 MLP: Lin(D,H), ReLU, Lin(H,H)
    W1a = jax.random.normal(ks[4], (H, D), dtype=jnp.float32) * s1
    b1a = jnp.zeros((H,), dtype=jnp.float32)
    W2a = jax.random.normal(ks[5], (H, H), dtype=jnp.float32) * s2
    b2a = jnp.zeros((H,), dtype=jnp.float32)
    # conv layer 2 MLP: Lin(H,H), ReLU, Lin(H,H)
    W1b = jax.random.normal(ks[6], (H, H), dtype=jnp.float32) * s2
    b1b = jnp.zeros((H,), dtype=jnp.float32)
    W2b = jax.random.normal(ks[7], (H, H), dtype=jnp.float32) * s2
    b2b = jnp.zeros((H,), dtype=jnp.float32)
    # regressor: Lin(H, H), ReLU, Lin(H, OUT)
    Wr1 = jax.random.normal(ks[8], (H, H), dtype=jnp.float32) * s2
    br1 = jnp.zeros((H,), dtype=jnp.float32)
    Wr2 = jax.random.normal(ks[9], (OUT, H), dtype=jnp.float32) * s2
    br2 = jnp.zeros((OUT,), dtype=jnp.float32)
    return {"x": x, "edge_index": edge_index, "pos": pos, "x_batch": x_batch,
            "W1a": W1a, "b1a": b1a, "W2a": W2a, "b2a": b2a,
            "W1b": W1b, "b1b": b1b, "W2b": W2b, "b2b": b2b,
            "Wr1": Wr1, "br1": br1, "Wr2": Wr2, "br2": br2}


def reference(x, edge_index, pos, x_batch,
              W1a, b1a, W2a, b2a, W1b, b1b, W2b, b2b,
              Wr1, br1, Wr2, br2):
    # cut=0 -> single order covering all nodes; full edge set used.
    # loop_flag=True -> append self loops before propagate (default aggr='add').
    loop = jnp.arange(N, dtype=edge_index.dtype)
    src = jnp.concatenate([edge_index[0], loop])
    dst = jnp.concatenate([edge_index[1], loop])

    def conv(h, W1, b1, W2, b2):
        agg = jax.ops.segment_sum(h[src], dst, num_segments=N)
        h1 = jnp.maximum(agg @ W1.T + b1, 0.0)
        return h1 @ W2.T + b2

    h = conv(x, W1a, b1a, W2a, b2a)
    h = conv(h, W1b, b1b, W2b, b2b)

    # scatter_mean over graph ids
    sums = jax.ops.segment_sum(h, x_batch, num_segments=B)
    counts = jax.ops.segment_sum(jnp.ones((N,), dtype=h.dtype), x_batch, num_segments=B)
    tree_out = sums / jnp.clip(counts, 1.0)[:, None]

    # regressor (global_feat is None)
    r = jnp.maximum(tree_out @ Wr1.T + br1, 0.0)
    tree_pred = r @ Wr2.T + br2
    return tree_pred

if __name__ == "__main__":
    import jax
    _d = setup_inputs()
    print(jax.jit(kernel)(*tuple(_d.values())))

</pallas_src>

<mosaic_0001>
#map = affine_map<(d0, d1) -> (0, 0)>
#map1 = affine_map<(d0, d1) -> (0, 0, 0)>
module attributes {stable_mosaic.version = 14 : i64} {
  func.func @_sc_segsum_body(%arg0: i32, %arg1: i32, %arg2: memref<10000x128xi32, #tpu.memory_space<hbm>>, %arg3: memref<2560x128xi32, #tpu.memory_space<hbm>>, %arg4: memref<2560x128xi32, #tpu.memory_space<hbm>>, %arg5: memref<2x10240x128xi32, #tpu.memory_space<hbm>>, %arg6: memref<10240x128xi32, #tpu.memory_space<vmem_shared>>, %arg7: memref<16x128xi32, #tpu.memory_space<vmem>>, %arg8: memref<16x128xi32, #tpu.memory_space<vmem>>, %arg9: memref<2x128x128xi32, #tpu.memory_space<vmem>>, %arg10: memref<!tpu.dma_semaphore, #tpu.memory_space<semaphore_mem>>, %arg11: memref<!tpu.dma_semaphore, #tpu.memory_space<semaphore_mem>>, %arg12: memref<!tpu.dma_semaphore, #tpu.memory_space<semaphore_mem>>, %arg13: memref<!tpu.dma_semaphore, #tpu.memory_space<semaphore_mem>>) attributes {dimension_semantics = [#tpu.dimension_semantics<core_parallel>, #tpu.dimension_semantics<subcore_parallel>], iteration_bounds = array<i64: 2, 16>, scalar_prefetch = 0 : i64, scratch_operands = 8 : i64, tpu.core_type = #tpu.core_type<sc_vector_subcore>, window_params = [{transform_indices = #map}, {transform_indices = #map}, {transform_indices = #map}, {transform_indices = #map1}]} {
    %eq3A = arith.constant 0 : i32
    %eq3A_0 = arith.cmpi eq, %arg0, %eq3A : i32
    %mul3A = arith.constant 144 : i32
    %mul3A_1 = arith.muli %arg1, %mul3A : i32
    %mul3A_2 = arith.constant 16 : i32
    %mul3A_3 = arith.muli %arg1, %mul3A_2 : i32
    %add3A = arith.constant 2304 : i32
    %add3A_4 = arith.addi %add3A, %mul3A_3 : i32
    %select_n3A = arith.select %eq3A_0, %mul3A_1, %add3A_4 : i32
    %eq3A_5 = arith.constant 0 : i32
    %eq3A_6 = arith.cmpi eq, %arg0, %eq3A_5 : i32
    %jit3A = arith.constant 9 : i32
    %jit3A_7 = arith.constant 1 : i32
    %select_n3A_8 = arith.select %eq3A_6, %jit3A, %jit3A_7 : i32
    %mul3A_9 = arith.constant 640 : i32
    %mul3A_10 = arith.muli %arg1, %mul3A_9 : i32
    %broadcast_in_dim3A = arith.constant 0 : i32
    %broadcast_in_dim3A_11 = vector.broadcast %broadcast_in_dim3A : i32 to vector<16xi32>
    %scan3A = arith.constant 0 : i32
    %scan3A_12 = arith.constant 128 : i32
    %scan3A_13 = arith.addi %scan3A, %scan3A_12 : i32
    %scan3A_14 = arith.constant 1 : i32
    scf.for %scan3A_38 = %scan3A to %scan3A_13 step %scan3A_14  : i32 {
      %mul3A_39 = arith.constant 1 : i32
      %mul3A_40 = arith.muli %scan3A_38, %mul3A_39 : i32
      %add3A_41 = arith.constant 0 : i32
      %add3A_42 = arith.addi %add3A_41, %mul3A_40 : i32
      %scan3A_43 = arith.constant 0 : i32
      %scan3A_44 = arith.constant 8 : i32
      %scan3A_45 = arith.addi %scan3A_43, %scan3A_44 : i32
      %scan3A_46 = arith.constant 1 : i32
      scf.for %scan3A_48 = %scan3A_43 to %scan3A_45 step %scan3A_46  : i32 {
        %mul3A_49 = arith.constant 1 : i32
        %mul3A_50 = arith.muli %scan3A_48, %mul3A_49 : i32
        %add3A_51 = arith.constant 0 : i32
        %add3A_52 = arith.addi %add3A_51, %mul3A_50 : i32
        %mul3A_53 = arith.constant 16 : i32
        %mul3A_54 = arith.muli %add3A_52, %mul3A_53 : i32
        %swap3A = arith.constant 0 : i32
        %swap3A_55 = arith.index_cast %swap3A : i32 to index
        %swap3A_56 = arith.index_cast %add3A_42 : i32 to index
        %swap3A_57 = arith.index_cast %mul3A_54 : i32 to index
        %swap3A_58 = tpu.vector_load %arg9[%swap3A_55, %swap3A_56, %swap3A_57] {strides = array<i32>} : memref<2x128x128xi32, #tpu.memory_space<vmem>>, vector<1x1x16xi32>,
        %swap3A_59 = vector.shape_cast %swap3A_58 : vector<1x1x16xi32> to vector<16xi32>
        %swap3A_60 = vector.shape_cast %broadcast_in_dim3A_11 : vector<16xi32> to vector<1x1x16xi32>
        tpu.vector_store %arg9[%swap3A_55, %swap3A_56, %swap3A_57], %swap3A_60 {strides = array<i32>} : memref<2x128x128xi32, #tpu.memory_space<vmem>>, vector<1x1x16xi32>,
      }
      %scan3A_47 = arith.constant 8 : i32
    }
    %scan3A_15 = arith.constant 128 : i32
    %scan3A_16 = arith.constant 0 : i32
    %scan3A_17 = arith.constant 5 : i32
    %scan3A_18 = arith.addi %scan3A_16, %scan3A_17 : i32
    %scan3A_19 = arith.constant 1 : i32
    scf.for %scan3A_38 = %scan3A_16 to %scan3A_18 step %scan3A_19  : i32 {
      %mul3A_39 = arith.constant 1 : i32
      %mul3A_40 = arith.muli %scan3A_38, %mul3A_39 : i32
      %add3A_41 = arith.constant 0 : i32
      %add3A_42 = arith.addi %add3A_41, %mul3A_40 : i32
      %mul3A_43 = arith.constant 128 : i32
      %mul3A_44 = arith.muli %add3A_42, %mul3A_43 : i32
      %add3A_45 = arith.addi %mul3A_10, %mul3A_44 : i32
      %run_scoped3A = arith.constant 0 : i32
      "tpu.region"() ({
        %run_scoped3A_46 = tpu.sem_alloc : memref<!tpu.dma_semaphore, #tpu.memory_space<semaphore_mem>>
        %dma_start3A = arith.constant 0 : i32
        %dma_start3A_47 = arith.constant 0 : i32
        %dma_start3A_48 = tpu.memref_slice %arg9[%run_scoped3A, %dma_start3A, %dma_start3A_47] : memref<2x128x128xi32, #tpu.memory_space<vmem>> -> memref<1x128x128xi32, #tpu.memory_space<vmem>>
        %dma_start3A_49 = tpu.memref_squeeze %dma_start3A_48 : memref<1x128x128xi32, #tpu.memory_space<vmem>> -> memref<128x128xi32, #tpu.memory_space<vmem>>
        %dma_start3A_50 = arith.constant 0 : i32
        %dma_start3A_51 = tpu.memref_slice %arg6[%add3A_45, %dma_start3A_50] : memref<10240x128xi32, #tpu.memory_space<vmem_shared>> -> memref<128x128xi32, #tpu.memory_space<vmem_shared>>
        %dma_start3A_52 = arith.constant 0 : i32
        %dma_start3A_53 = tpu.memref_slice %arg6[%add3A_45, %dma_start3A_52] : memref<10240x128xi32, #tpu.memory_space<vmem_shared>> -> memref<128x128xi32, #tpu.memory_space<vmem_shared>>
        %dma_start3A_54 = arith.constant 0 : i32
        %dma_start3A_55 = arith.constant 0 : i32
        %dma_start3A_56 = tpu.memref_slice %arg9[%run_scoped3A, %dma_start3A_54, %dma_start3A_55] : memref<2x128x128xi32, #tpu.memory_space<vmem>> -> memref<1x128x128xi32, #tpu.memory_space<vmem>>
        %dma_start3A_57 = tpu.memref_squeeze %dma_start3A_56 : memref<1x128x128xi32, #tpu.memory_space<vmem>> -> memref<128x128xi32, #tpu.memory_space<vmem>>
        tpu.enqueue_dma source(%dma_start3A_57 : memref<128x128xi32, #tpu.memory_space<vmem>>) target(%dma_start3A_53 : memref<128x128xi32, #tpu.memory_space<vmem_shared>>) target_semaphore(%run_scoped3A_46 : memref<!tpu.dma_semaphore, #tpu.memory_space<semaphore_mem>>)
        %dma_wait3A = arith.constant 0 : i32
        %dma_wait3A_58 = arith.constant 0 : i32
        %dma_wait3A_59 = tpu.memref_slice %arg9[%run_scoped3A, %dma_wait3A, %dma_wait3A_58] : memref<2x128x128xi32, #tpu.memory_space<vmem>> -> memref<1x128x128xi32, #tpu.memory_space<vmem>>
        %dma_wait3A_60 = tpu.memref_squeeze %dma_wait3A_59 : memref<1x128x128xi32, #tpu.memory_space<vmem>> -> memref<128x128xi32, #tpu.memory_space<vmem>>
        %dma_wait3A_61 = arith.constant 0 : i32
        %dma_wait3A_62 = tpu.memref_slice %arg6[%add3A_45, %dma_wait3A_61] : memref<10240x128xi32, #tpu.memory_space<vmem_shared>> -> memref<128x128xi32, #tpu.memory_space<vmem_shared>>
        %dma_wait3A_63 = arith.constant 0 : i32
        %dma_wait3A_64 = tpu.memref_slice %arg6[%add3A_45, %dma_wait3A_63] : memref<10240x128xi32, #tpu.memory_space<vmem_shared>> -> memref<128x128xi32, #tpu.memory_space<vmem_shared>>
        %dma_wait3A_65 = arith.constant 0 : i32
        %dma_wait3A_66 = arith.constant 0 : i32
        %dma_wait3A_67 = tpu.memref_slice %arg9[%run_scoped3A, %dma_wait3A_65, %dma_wait3A_66] : memref<2x128x128xi32, #tpu.memory_space<vmem>> -> memref<1x128x128xi32, #tpu.memory_space<vmem>>
        %dma_wait3A_68 = tpu.memref_squeeze %dma_wait3A_67 : memref<1x128x128xi32, #tpu.memory_space<vmem>> -> memref<128x128xi32, #tpu.memory_space<vmem>>
        tpu.wait_dma2 semaphore(%run_scoped3A_46 : memref<!tpu.dma_semaphore, #tpu.memory_space<semaphore_mem>>) src(%dma_wait3A_68 : memref<128x128xi32, #tpu.memory_space<vmem>>) dst(%dma_wait3A_64 : memref<128x128xi32, #tpu.memory_space<vmem_shared>>)
        tpu.yield
      }) : () -> ()
    }
    %scan3A_20 = arith.constant 5 : i32
    %barrier3A = arith.constant 0 : index
    tpu.barrier barrier_id(%barrier3A)
    %sub3A = arith.constant 0 : i32
    %sub3A_21 = arith.subi %select_n3A_8, %sub3A : i32
    %sub3A_22 = arith.constant 1 : i32
    %sub3A_23 = arith.constant 1 : i32
    %sub3A_24 = arith.subi %sub3A_22, %sub3A_23 : i32
    %add3A_25 = arith.addi %sub3A_21, %sub3A_24 : i32
    %div3A = arith.constant 1 : i32
    %div3A_26 = arith.divsi %add3A_25, %div3A : i32
    %while3A = arith.constant 1 : i32
    %while3A_27 = arith.constant 0 : i32
    %while3A_28 = arith.constant 0 : i32
    %while3A_29 = arith.subi %div3A_26, %while3A_28 : i32
    %while3A_30 = arith.addi %while3A_28, %while3A_29 : i32
    %while3A_31 = arith.constant 1 : i32
    %while3A_32 = arith.divsi %while3A_29, %while3A_31 : i32
    %while3A_33 = arith.muli %while3A_32, %while3A_31 : i32
    %while3A_34 = arith.addi %while3A_28, %while3A_33 : i32
    %while3A_35 = arith.constant 1 : i32
    scf.for %while3A_38 = %while3A_28 to %while3A_34 step %while3A_35  : i32 {
      %mul3A_39 = arith.muli %while3A_38, %while3A : i32
      %add3A_40 = arith.addi %while3A_27, %mul3A_39 : i32
      %mul3A_41 = arith.constant 16 : i32
      %mul3A_42 = arith.muli %add3A_40, %mul3A_41 : i32
      %add3A_43 = arith.addi %select_n3A, %mul3A_42 : i32
      "tpu.region"() ({
        %run_scoped3A = tpu.sem_alloc : memref<!tpu.dma_semaphore, #tpu.memory_space<semaphore_mem>>
        %dma_start3A_143 = arith.constant 0 : i32
        %dma_start3A_144 = tpu.memref_slice %arg3[%add3A_43, %dma_start3A_143] : memref<2560x128xi32, #tpu.memory_space<hbm>> -> memref<16x128xi32, #tpu.memory_space<hbm>>
        %dma_start3A_145 = arith.constant 0 : i32
        %dma_start3A_146 = tpu.memref_slice %arg3[%add3A_43, %dma_start3A_145] : memref<2560x128xi32, #tpu.memory_space<hbm>> -> memref<16x128xi32, #tpu.memory_space<hbm>>
        tpu.enqueue_dma source(%dma_start3A_146 : memref<16x128xi32, #tpu.memory_space<hbm>>) target(%arg7 : memref<16x128xi32, #tpu.memory_space<vmem>>) target_semaphore(%run_scoped3A : memref<!tpu.dma_semaphore, #tpu.memory_space<semaphore_mem>>)
        %dma_wait3A_147 = arith.constant 0 : i32
        %dma_wait3A_148 = tpu.memref_slice %arg3[%add3A_43, %dma_wait3A_147] : memref<2560x128xi32, #tpu.memory_space<hbm>> -> memref<16x128xi32, #tpu.memory_space<hbm>>
        %dma_wait3A_149 = arith.constant 0 : i32
        %dma_wait3A_150 = tpu.memref_slice %arg3[%add3A_43, %dma_wait3A_149] : memref<2560x128xi32, #tpu.memory_space<hbm>> -> memref<16x128xi32, #tpu.memory_space<hbm>>
        tpu.wait_dma2 semaphore(%run_scoped3A : memref<!tpu.dma_semaphore, #tpu.memory_space<semaphore_mem>>) src(%dma_wait3A_150 : memref<16x128xi32, #tpu.memory_space<hbm>>) dst(%arg7 : memref<16x128xi32, #tpu.memory_space<vmem>>)
        tpu.yield
      }) : () -> ()
      "tpu.region"() ({
        %run_scoped3A = tpu.sem_alloc : memref<!tpu.dma_semaphore, #tpu.memory_space<semaphore_mem>>
        %dma_start3A_143 = arith.constant 0 : i32
        %dma_start3A_144 = tpu.memref_slice %arg4[%add3A_43, %dma_start3A_143] : memref<2560x128xi32, #tpu.memory_space<hbm>> -> memref<16x128xi32, #tpu.memory_space<hbm>>
        %dma_start3A_145 = arith.constant 0 : i32
        %dma_start3A_146 = tpu.memref_slice %arg4[%add3A_43, %dma_start3A_145] : memref<2560x128xi32, #tpu.memory_space<hbm>> -> memref<16x128xi32, #tpu.memory_space<hbm>>
        tpu.enqueue_dma source(%dma_start3A_146 : memref<16x128xi32, #tpu.memory_space<hbm>>) target(%arg8 : memref<16x128xi32, #tpu.memory_space<vmem>>) target_semaphore(%run_scoped3A : memref<!tpu.dma_semaphore, #tpu.memory_space<semaphore_mem>>)
        %dma_wait3A_147 = arith.constant 0 : i32
        %dma_wait3A_148 = tpu.memref_slice %arg4[%add3A_43, %dma_wait3A_147] : memref<2560x128xi32, #tpu.memory_space<hbm>> -> memref<16x128xi32, #tpu.memory_space<hbm>>
        %dma_wait3A_149 = arith.constant 0 : i32
        %dma_wait3A_150 = tpu.memref_slice %arg4[%add3A_43, %dma_wait3A_149] : memref<2560x128xi32, #tpu.memory_space<hbm>> -> memref<16x128xi32, #tpu.memory_space<hbm>>
        tpu.wait_dma2 semaphore(%run_scoped3A : memref<!tpu.dma_semaphore, #tpu.memory_space<semaphore_mem>>) src(%dma_wait3A_150 : memref<16x128xi32, #tpu.memory_space<hbm>>) dst(%arg8 : memref<16x128xi32, #tpu.memory_space<vmem>>)
        tpu.yield
      }) : () -> ()
      %dma_start3A = arith.constant 0 : i32
      %dma_start3A_44 = arith.constant 0 : i32
      %dma_start3A_45 = arith.constant 0 : i32
      %dma_start3A_46 = arith.constant 0 : i32
      %dma_start3A_47 = tpu.memref_slice %arg9[%dma_start3A_44, %dma_start3A_45, %dma_start3A_46] : memref<2x128x128xi32, #tpu.memory_space<vmem>> -> memref<1x128x128xi32, #tpu.memory_space<vmem>>
      %dma_start3A_48 = tpu.memref_squeeze %dma_start3A_47 : memref<1x128x128xi32, #tpu.memory_space<vmem>> -> memref<128x128xi32, #tpu.memory_space<vmem>>
      %dma_start3A_49 = arith.constant 0 : i32
      %dma_start3A_50 = tpu.memref_slice %arg7[%dma_start3A, %dma_start3A_49] : memref<16x128xi32, #tpu.memory_space<vmem>> -> memref<1x128xi32, #tpu.memory_space<vmem>>
      %dma_start3A_51 = tpu.memref_squeeze %dma_start3A_50 : memref<1x128xi32, #tpu.memory_space<vmem>> -> memref<128xi32, #tpu.memory_space<vmem>>
      %dma_start3A_52 = arith.constant 0 : i32
      %dma_start3A_53 = arith.constant 0 : i32
      %dma_start3A_54 = tpu.memref_slice %arg2[%dma_start3A_52, %dma_start3A_53] : memref<10000x128xi32, #tpu.memory_space<hbm>> -> memref<10000x128xi32, #tpu.memory_space<hbm>>
      tpu.enqueue_indirect_dma source(%dma_start3A_54 : memref<10000x128xi32, #tpu.memory_space<hbm>>) target(%dma_start3A_48 : memref<128x128xi32, #tpu.memory_space<vmem>>) offsets(%dma_start3A_51 : memref<128xi32, #tpu.memory_space<vmem>>) semaphore(%arg10 : memref<!tpu.dma_semaphore, #tpu.memory_space<semaphore_mem>>)
      %dma_start3A_55 = arith.constant 1 : i32
      %dma_start3A_56 = arith.constant 1 : i32
      %dma_start3A_57 = arith.constant 0 : i32
      %dma_start3A_58 = arith.constant 0 : i32
      %dma_start3A_59 = tpu.memref_slice %arg9[%dma_start3A_56, %dma_start3A_57, %dma_start3A_58] : memref<2x128x128xi32, #tpu.memory_space<vmem>> -> memref<1x128x128xi32, #tpu.memory_space<vmem>>
      %dma_start3A_60 = tpu.memref_squeeze %dma_start3A_59 : memref<1x128x128xi32, #tpu.memory_space<vmem>> -> memref<128x128xi32, #tpu.memory_space<vmem>>
      %dma_start3A_61 = arith.constant 0 : i32
      %dma_start3A_62 = tpu.memref_slice %arg7[%dma_start3A_55, %dma_start3A_61] : memref<16x128xi32, #tpu.memory_space<vmem>> -> memref<1x128xi32, #tpu.memory_space<vmem>>
      %dma_start3A_63 = tpu.memref_squeeze %dma_start3A_62 : memref<1x128xi32, #tpu.memory_space<vmem>> -> memref<128xi32, #tpu.memory_space<vmem>>
      %dma_start3A_64 = arith.constant 0 : i32
      %dma_start3A_65 = arith.constant 0 : i32
      %dma_start3A_66 = tpu.memref_slice %arg2[%dma_start3A_64, %dma_start3A_65] : memref<10000x128xi32, #tpu.memory_space<hbm>> -> memref<10000x128xi32, #tpu.memory_space<hbm>>
      tpu.enqueue_indirect_dma source(%dma_start3A_66 : memref<10000x128xi32, #tpu.memory_space<hbm>>) target(%dma_start3A_60 : memref<128x128xi32, #tpu.memory_space<vmem>>) offsets(%dma_start3A_63 : memref<128xi32, #tpu.memory_space<vmem>>) semaphore(%arg11 : memref<!tpu.dma_semaphore, #tpu.memory_space<semaphore_mem>>)
      %scan3A_67 = arith.constant 0 : i32
      %scan3A_68 = arith.constant 7 : i32
      %scan3A_69 = arith.addi %scan3A_67, %scan3A_68 : i32
      %scan3A_70 = arith.constant 1 : i32
      scf.for %scan3A_143 = %scan3A_67 to %scan3A_69 step %scan3A_70  : i32 {
        %mul3A_144 = arith.constant 2 : i32
        %mul3A_145 = arith.muli %scan3A_143, %mul3A_144 : i32
        %add3A_146 = arith.constant 0 : i32
        %add3A_147 = arith.addi %add3A_146, %mul3A_145 : i32
        %dma_wait3A_148 = arith.constant 0 : i32
        %dma_wait3A_149 = arith.constant 0 : i32
        %dma_wait3A_150 = arith.constant 0 : i32
        %dma_wait3A_151 = arith.constant 0 : i32
        %dma_wait3A_152 = tpu.memref_slice %arg9[%dma_wait3A_149, %dma_wait3A_150, %dma_wait3A_151] : memref<2x128x128xi32, #tpu.memory_space<vmem>> -> memref<1x128x128xi32, #tpu.memory_space<vmem>>
        %dma_wait3A_153 = tpu.memref_squeeze %dma_wait3A_152 : memref<1x128x128xi32, #tpu.memory_space<vmem>> -> memref<128x128xi32, #tpu.memory_space<vmem>>
        %dma_wait3A_154 = arith.constant 0 : i32
        %dma_wait3A_155 = tpu.memref_slice %arg7[%dma_wait3A_148, %dma_wait3A_154] : memref<16x128xi32, #tpu.memory_space<vmem>> -> memref<1x128xi32, #tpu.memory_space<vmem>>
        %dma_wait3A_156 = tpu.memref_squeeze %dma_wait3A_155 : memref<1x128xi32, #tpu.memory_space<vmem>> -> memref<128xi32, #tpu.memory_space<vmem>>
        %dma_wait3A_157 = arith.constant 0 : i32
        %dma_wait3A_158 = arith.constant 0 : i32
        %dma_wait3A_159 = tpu.memref_slice %arg2[%dma_wait3A_157, %dma_wait3A_158] : memref<10000x128xi32, #tpu.memory_space<hbm>> -> memref<10000x128xi32, #tpu.memory_space<hbm>>
        tpu.wait_indirect_dma semaphore(%arg10 : memref<!tpu.dma_semaphore, #tpu.memory_space<semaphore_mem>>) src(%dma_wait3A_159 : memref<10000x128xi32, #tpu.memory_space<hbm>>) dst(%dma_wait3A_153 : memref<128x128xi32, #tpu.memory_space<vmem>>)
        %dma_start3A_160 = arith.constant 0 : i32
        %dma_start3A_161 = arith.constant 0 : i32
        %dma_start3A_162 = arith.constant 0 : i32
        %dma_start3A_163 = tpu.memref_slice %arg9[%dma_start3A_160, %dma_start3A_161, %dma_start3A_162] : memref<2x128x128xi32, #tpu.memory_space<vmem>> -> memref<1x128x128xi32, #tpu.memory_space<vmem>>
        %dma_start3A_164 = tpu.memref_squeeze %dma_start3A_163 : memref<1x128x128xi32, #tpu.memory_space<vmem>> -> memref<128x128xi32, #tpu.memory_space<vmem>>
        %dma_start3A_165 = arith.constant 0 : i32
        %dma_start3A_166 = tpu.memref_slice %arg8[%add3A_147, %dma_start3A_165] : memref<16x128xi32, #tpu.memory_space<vmem>> -> memref<1x128xi32, #tpu.memory_space<vmem>>
        %dma_start3A_167 = tpu.memref_squeeze %dma_start3A_166 : memref<1x128xi32, #tpu.memory_space<vmem>> -> memref<128xi32, #tpu.memory_space<vmem>>
        %dma_start3A_168 = arith.constant 0 : i32
        %dma_start3A_169 = arith.constant 0 : i32
        %dma_start3A_170 = tpu.memref_slice %arg6[%dma_start3A_168, %dma_start3A_169] : memref<10240x128xi32, #tpu.memory_space<vmem_shared>> -> memref<10240x128xi32, #tpu.memory_space<vmem_shared>>
        tpu.enqueue_indirect_dma source(%dma_start3A_164 : memref<128x128xi32, #tpu.memory_space<vmem>>) target(%dma_start3A_170 : memref<10240x128xi32, #tpu.memory_space<vmem_shared>>) offsets(%dma_start3A_167 : memref<128xi32, #tpu.memory_space<vmem>>) semaphore(%arg12 : memref<!tpu.dma_semaphore, #tpu.memory_space<semaphore_mem>>) {add = true}
        %dma_wait3A_171 = arith.constant 1 : i32
        %dma_wait3A_172 = arith.constant 1 : i32
        %dma_wait3A_173 = arith.constant 0 : i32
        %dma_wait3A_174 = arith.constant 0 : i32
        %dma_wait3A_175 = tpu.memref_slice %arg9[%dma_wait3A_172, %dma_wait3A_173, %dma_wait3A_174] : memref<2x128x128xi32, #tpu.memory_space<vmem>> -> memref<1x128x128xi32, #tpu.memory_space<vmem>>
        %dma_wait3A_176 = tpu.memref_squeeze %dma_wait3A_175 : memref<1x128x128xi32, #tpu.memory_space<vmem>> -> memref<128x128xi32, #tpu.memory_space<vmem>>
        %dma_wait3A_177 = arith.constant 0 : i32
        %dma_wait3A_178 = tpu.memref_slice %arg7[%dma_wait3A_171, %dma_wait3A_177] : memref<16x128xi32, #tpu.memory_space<vmem>> -> memref<1x128xi32, #tpu.memory_space<vmem>>
        %dma_wait3A_179 = tpu.memref_squeeze %dma_wait3A_178 : memref<1x128xi32, #tpu.memory_space<vmem>> -> memref<128xi32, #tpu.memory_space<vmem>>
        %dma_wait3A_180 = arith.constant 0 : i32
        %dma_wait3A_181 = arith.constant 0 : i32
        %dma_wait3A_182 = tpu.memref_slice %arg2[%dma_wait3A_180, %dma_wait3A_181] : memref<10000x128xi32, #tpu.memory_space<hbm>> -> memref<10000x128xi32, #tpu.memory_space<hbm>>
        tpu.wait_indirect_dma semaphore(%arg11 : memref<!tpu.dma_semaphore, #tpu.memory_space<semaphore_mem>>) src(%dma_wait3A_182 : memref<10000x128xi32, #tpu.memory_space<hbm>>) dst(%dma_wait3A_176 : memref<128x128xi32, #tpu.memory_space<vmem>>)
        %add3A_183 = arith.constant 1 : i32
        %add3A_184 = arith.addi %add3A_147, %add3A_183 : i32
        %dma_start3A_185 = arith.constant 1 : i32
        %dma_start3A_186 = arith.constant 0 : i32
        %dma_start3A_187 = arith.constant 0 : i32
        %dma_start3A_188 = tpu.memref_slice %arg9[%dma_start3A_185, %dma_start3A_186, %dma_start3A_187] : memref<2x128x128xi32, #tpu.memory_space<vmem>> -> memref<1x128x128xi32, #tpu.memory_space<vmem>>
        %dma_start3A_189 = tpu.memref_squeeze %dma_start3A_188 : memref<1x128x128xi32, #tpu.memory_space<vmem>> -> memref<128x128xi32, #tpu.memory_space<vmem>>
        %dma_start3A_190 = arith.constant 0 : i32
        %dma_start3A_191 = tpu.memref_slice %arg8[%add3A_184, %dma_start3A_190] : memref<16x128xi32, #tpu.memory_space<vmem>> -> memref<1x128xi32, #tpu.memory_space<vmem>>
        %dma_start3A_192 = tpu.memref_squeeze %dma_start3A_191 : memref<1x128xi32, #tpu.memory_space<vmem>> -> memref<128xi32, #tpu.memory_space<vmem>>
        %dma_start3A_193 = arith.constant 0 : i32
        %dma_start3A_194 = arith.constant 0 : i32
        %dma_start3A_195 = tpu.memref_slice %arg6[%dma_start3A_193, %dma_start3A_194] : memref<10240x128xi32, #tpu.memory_space<vmem_shared>> -> memref<10240x128xi32, #tpu.memory_space<vmem_shared>>
        tpu.enqueue_indirect_dma source(%dma_start3A_189 : memref<128x128xi32, #tpu.memory_space<vmem>>) target(%dma_start3A_195 : memref<10240x128xi32, #tpu.memory_space<vmem_shared>>) offsets(%dma_start3A_192 : memref<128xi32, #tpu.memory_space<vmem>>) semaphore(%arg13 : memref<!tpu.dma_semaphore, #tpu.memory_space<semaphore_mem>>) {add = true}
        %dma_wait3A_196 = arith.constant 0 : i32
        %dma_wait3A_197 = arith.constant 0 : i32
        %dma_wait3A_198 = arith.constant 0 : i32
        %dma_wait3A_199 = arith.constant 0 : i32
        %dma_wait3A_200 = tpu.memref_slice %arg9[%dma_wait3A_196, %dma_wait3A_198, %dma_wait3A_199] : memref<2x128x128xi32, #tpu.memory_space<vmem>> -> memref<1x128x128xi32, #tpu.memory_space<vmem>>
        %dma_wait3A_201 = tpu.memref_squeeze %dma_wait3A_200 : memref<1x128x128xi32, #tpu.memory_space<vmem>> -> memref<128x128xi32, #tpu.memory_space<vmem>>
        %dma_wait3A_202 = arith.constant 0 : i32
        %dma_wait3A_203 = tpu.memref_slice %arg8[%dma_wait3A_197, %dma_wait3A_202] : memref<16x128xi32, #tpu.memory_space<vmem>> -> memref<1x128xi32, #tpu.memory_space<vmem>>
        %dma_wait3A_204 = tpu.memref_squeeze %dma_wait3A_203 : memref<1x128xi32, #tpu.memory_space<vmem>> -> memref<128xi32, #tpu.memory_space<vmem>>
        %dma_wait3A_205 = arith.constant 0 : i32
        %dma_wait3A_206 = arith.constant 0 : i32
        %dma_wait3A_207 = tpu.memref_slice %arg6[%dma_wait3A_205, %dma_wait3A_206] : memref<10240x128xi32, #tpu.memory_space<vmem_shared>> -> memref<10240x128xi32, #tpu.memory_space<vmem_shared>>
        tpu.wait_indirect_dma semaphore(%arg12 : memref<!tpu.dma_semaphore, #tpu.memory_space<semaphore_mem>>) src(%dma_wait3A_201 : memref<128x128xi32, #tpu.memory_space<vmem>>) dst(%dma_wait3A_207 : memref<10240x128xi32, #tpu.memory_space<vmem_shared>>)
        %add3A_208 = arith.constant 2 : i32
        %add3A_209 = arith.addi %add3A_147, %add3A_208 : i32
        %dma_start3A_210 = arith.constant 0 : i32
        %dma_start3A_211 = arith.constant 0 : i32
        %dma_start3A_212 = arith.constant 0 : i32
        %dma_start3A_213 = tpu.memref_slice %arg9[%dma_start3A_210, %dma_start3A_211, %dma_start3A_212] : memref<2x128x128xi32, #tpu.memory_space<vmem>> -> memref<1x128x128xi32, #tpu.memory_space<vmem>>
        %dma_start3A_214 = tpu.memref_squeeze %dma_start3A_213 : memref<1x128x128xi32, #tpu.memory_space<vmem>> -> memref<128x128xi32, #tpu.memory_space<vmem>>
        %dma_start3A_215 = arith.constant 0 : i32
        %dma_start3A_216 = tpu.memref_slice %arg7[%add3A_209, %dma_start3A_215] : memref<16x128xi32, #tpu.memory_space<vmem>> -> memref<1x128xi32, #tpu.memory_space<vmem>>
        %dma_start3A_217 = tpu.memref_squeeze %dma_start3A_216 : memref<1x128xi32, #tpu.memory_space<vmem>> -> memref<128xi32, #tpu.memory_space<vmem>>
        %dma_start3A_218 = arith.constant 0 : i32
        %dma_start3A_219 = arith.constant 0 : i32
        %dma_start3A_220 = tpu.memref_slice %arg2[%dma_start3A_218, %dma_start3A_219] : memref<10000x128xi32, #tpu.memory_space<hbm>> -> memref<10000x128xi32, #tpu.memory_space<hbm>>
        tpu.enqueue_indirect_dma source(%dma_start3A_220 : memref<10000x128xi32, #tpu.memory_space<hbm>>) target(%dma_start3A_214 : memref<128x128xi32, #tpu.memory_space<vmem>>) offsets(%dma_start3A_217 : memref<128xi32, #tpu.memory_space<vmem>>) semaphore(%arg10 : memref<!tpu.dma_semaphore, #tpu.memory_space<semaphore_mem>>)
        %dma_wait3A_221 = arith.constant 1 : i32
        %dma_wait3A_222 = arith.constant 0 : i32
        %dma_wait3A_223 = arith.constant 0 : i32
        %dma_wait3A_224 = arith.constant 0 : i32
        %dma_wait3A_225 = tpu.memref_slice %arg9[%dma_wait3A_221, %dma_wait3A_223, %dma_wait3A_224] : memref<2x128x128xi32, #tpu.memory_space<vmem>> -> memref<1x128x128xi32, #tpu.memory_space<vmem>>
        %dma_wait3A_226 = tpu.memref_squeeze %dma_wait3A_225 : memref<1x128x128xi32, #tpu.memory_space<vmem>> -> memref<128x128xi32, #tpu.memory_space<vmem>>
        %dma_wait3A_227 = arith.constant 0 : i32
        %dma_wait3A_228 = tpu.memref_slice %arg8[%dma_wait3A_222, %dma_wait3A_227] : memref<16x128xi32, #tpu.memory_space<vmem>> -> memref<1x128xi32, #tpu.memory_space<vmem>>
        %dma_wait3A_229 = tpu.memref_squeeze %dma_wait3A_228 : memref<1x128xi32, #tpu.memory_space<vmem>> -> memref<128xi32, #tpu.memory_space<vmem>>
        %dma_wait3A_230 = arith.constant 0 : i32
        %dma_wait3A_231 = arith.constant 0 : i32
        %dma_wait3A_232 = tpu.memref_slice %arg6[%dma_wait3A_230, %dma_wait3A_231] : memref<10240x128xi32, #tpu.memory_space<vmem_shared>> -> memref<10240x128xi32, #tpu.memory_space<vmem_shared>>
        tpu.wait_indirect_dma semaphore(%arg13 : memref<!tpu.dma_semaphore, #tpu.memory_space<semaphore_mem>>) src(%dma_wait3A_226 : memref<128x128xi32, #tpu.memory_space<vmem>>) dst(%dma_wait3A_232 : memref<10240x128xi32, #tpu.memory_space<vmem_shared>>)
        %add3A_233 = arith.constant 3 : i32
        %add3A_234 = arith.addi %add3A_147, %add3A_233 : i32
        %dma_start3A_235 = arith.constant 1 : i32
        %dma_start3A_236 = arith.constant 0 : i32
        %dma_start3A_237 = arith.constant 0 : i32
        %dma_start3A_238 = tpu.memref_slice %arg9[%dma_start3A_235, %dma_start3A_236, %dma_start3A_237] : memref<2x128x128xi32, #tpu.memory_space<vmem>> -> memref<1x128x128xi32, #tpu.memory_space<vmem>>
        %dma_start3A_239 = tpu.memref_squeeze %dma_start3A_238 : memref<1x128x128xi32, #tpu.memory_space<vmem>> -> memref<128x128xi32, #tpu.memory_space<vmem>>
        %dma_start3A_240 = arith.constant 0 : i32
        %dma_start3A_241 = tpu.memref_slice %arg7[%add3A_234, %dma_start3A_240] : memref<16x128xi32, #tpu.memory_space<vmem>> -> memref<1x128xi32, #tpu.memory_space<vmem>>
        %dma_start3A_242 = tpu.memref_squeeze %dma_start3A_241 : memref<1x128xi32, #tpu.memory_space<vmem>> -> memref<128xi32, #tpu.memory_space<vmem>>
        %dma_start3A_243 = arith.constant 0 : i32
        %dma_start3A_244 = arith.constant 0 : i32
        %dma_start3A_245 = tpu.memref_slice %arg2[%dma_start3A_243, %dma_start3A_244] : memref<10000x128xi32, #tpu.memory_space<hbm>> -> memref<10000x128xi32, #tpu.memory_space<hbm>>
        tpu.enqueue_indirect_dma source(%dma_start3A_245 : memref<10000x128xi32, #tpu.memory_space<hbm>>) target(%dma_start3A_239 : memref<128x128xi32, #tpu.memory_space<vmem>>) offsets(%dma_start3A_242 : memref<128xi32, #tpu.memory_space<vmem>>) semaphore(%arg11 : memref<!tpu.dma_semaphore, #tpu.memory_space<semaphore_mem>>)
      }
      %scan3A_71 = arith.constant 7 : i32
      %dma_wait3A = arith.constant 0 : i32
      %dma_wait3A_72 = arith.constant 0 : i32
      %dma_wait3A_73 = arith.constant 0 : i32
      %dma_wait3A_74 = arith.constant 0 : i32
      %dma_wait3A_75 = tpu.memref_slice %arg9[%dma_wait3A_72, %dma_wait3A_73, %dma_wait3A_74] : memref<2x128x128xi32, #tpu.memory_space<vmem>> -> memref<1x128x128xi32, #tpu.memory_space<vmem>>
      %dma_wait3A_76 = tpu.memref_squeeze %dma_wait3A_75 : memref<1x128x128xi32, #tpu.memory_space<vmem>> -> memref<128x128xi32, #tpu.memory_space<vmem>>
      %dma_wait3A_77 = arith.constant 0 : i32
      %dma_wait3A_78 = tpu.memref_slice %arg7[%dma_wait3A, %dma_wait3A_77] : memref<16x128xi32, #tpu.memory_space<vmem>> -> memref<1x128xi32, #tpu.memory_space<vmem>>
      %dma_wait3A_79 = tpu.memref_squeeze %dma_wait3A_78 : memref<1x128xi32, #tpu.memory_space<vmem>> -> memref<128xi32, #tpu.memory_space<vmem>>
      %dma_wait3A_80 = arith.constant 0 : i32
      %dma_wait3A_81 = arith.constant 0 : i32
      %dma_wait3A_82 = tpu.memref_slice %arg2[%dma_wait3A_80, %dma_wait3A_81] : memref<10000x128xi32, #tpu.memory_space<hbm>> -> memref<10000x128xi32, #tpu.memory_space<hbm>>
      tpu.wait_indirect_dma semaphore(%arg10 : memref<!tpu.dma_semaphore, #tpu.memory_space<semaphore_mem>>) src(%dma_wait3A_82 : memref<10000x128xi32, #tpu.memory_space<hbm>>) dst(%dma_wait3A_76 : memref<128x128xi32, #tpu.memory_space<vmem>>)
      %dma_start3A_83 = arith.constant 0 : i32
      %dma_start3A_84 = arith.constant 14 : i32
      %dma_start3A_85 = arith.constant 0 : i32
      %dma_start3A_86 = arith.constant 0 : i32
      %dma_start3A_87 = tpu.memref_slice %arg9[%dma_start3A_83, %dma_start3A_85, %dma_start3A_86] : memref<2x128x128xi32, #tpu.memory_space<vmem>> -> memref<1x128x128xi32, #tpu.memory_space<vmem>>
      %dma_start3A_88 = tpu.memref_squeeze %dma_start3A_87 : memref<1x128x128xi32, #tpu.memory_space<vmem>> -> memref<128x128xi32, #tpu.memory_space<vmem>>
      %dma_start3A_89 = arith.constant 0 : i32
      %dma_start3A_90 = tpu.memref_slice %arg8[%dma_start3A_84, %dma_start3A_89] : memref<16x128xi32, #tpu.memory_space<vmem>> -> memref<1x128xi32, #tpu.memory_space<vmem>>
      %dma_start3A_91 = tpu.memref_squeeze %dma_start3A_90 : memref<1x128xi32, #tpu.memory_space<vmem>> -> memref<128xi32, #tpu.memory_space<vmem>>
      %dma_start3A_92 = arith.constant 0 : i32
      %dma_start3A_93 = arith.constant 0 : i32
      %dma_start3A_94 = tpu.memref_slice %arg6[%dma_start3A_92, %dma_start3A_93] : memref<10240x128xi32, #tpu.memory_space<vmem_shared>> -> memref<10240x128xi32, #tpu.memory_space<vmem_shared>>
      tpu.enqueue_indirect_dma source(%dma_start3A_88 : memref<128x128xi32, #tpu.memory_space<vmem>>) target(%dma_start3A_94 : memref<10240x128xi32, #tpu.memory_space<vmem_shared>>) offsets(%dma_start3A_91 : memref<128xi32, #tpu.memory_space<vmem>>) semaphore(%arg12 : memref<!tpu.dma_semaphore, #tpu.memory_space<semaphore_mem>>) {add = true}
      %dma_wait3A_95 = arith.constant 1 : i32
      %dma_wait3A_96 = arith.constant 1 : i32
      %dma_wait3A_97 = arith.constant 0 : i32
      %dma_wait3A_98 = arith.constant 0 : i32
      %dma_wait3A_99 = tpu.memref_slice %arg9[%dma_wait3A_96, %dma_wait3A_97, %dma_wait3A_98] : memref<2x128x128xi32, #tpu.memory_space<vmem>> -> memref<1x128x128xi32, #tpu.memory_space<vmem>>
      %dma_wait3A_100 = tpu.memref_squeeze %dma_wait3A_99 : memref<1x128x128xi32, #tpu.memory_space<vmem>> -> memref<128x128xi32, #tpu.memory_space<vmem>>
      %dma_wait3A_101 = arith.constant 0 : i32
      %dma_wait3A_102 = tpu.memref_slice %arg7[%dma_wait3A_95, %dma_wait3A_101] : memref<16x128xi32, #tpu.memory_space<vmem>> -> memref<1x128xi32, #tpu.memory_space<vmem>>
      %dma_wait3A_103 = tpu.memref_squeeze %dma_wait3A_102 : memref<1x128xi32, #tpu.memory_space<vmem>> -> memref<128xi32, #tpu.memory_space<vmem>>
      %dma_wait3A_104 = arith.constant 0 : i32
      %dma_wait3A_105 = arith.constant 0 : i32
      %dma_wait3A_106 = tpu.memref_slice %arg2[%dma_wait3A_104, %dma_wait3A_105] : memref<10000x128xi32, #tpu.memory_space<hbm>> -> memref<10000x128xi32, #tpu.memory_space<hbm>>
      tpu.wait_indirect_dma semaphore(%arg11 : memref<!tpu.dma_semaphore, #tpu.memory_space<semaphore_mem>>) src(%dma_wait3A_106 : memref<10000x128xi32, #tpu.memory_space<hbm>>) dst(%dma_wait3A_100 : memref<128x128xi32, #tpu.memory_space<vmem>>)
      %dma_start3A_107 = arith.constant 1 : i32
      %dma_start3A_108 = arith.constant 15 : i32
      %dma_start3A_109 = arith.constant 0 : i32
      %dma_start3A_110 = arith.constant 0 : i32
      %dma_start3A_111 = tpu.memref_slice %arg9[%dma_start3A_107, %dma_start3A_109, %dma_start3A_110] : memref<2x128x128xi32, #tpu.memory_space<vmem>> -> memref<1x128x128xi32, #tpu.memory_space<vmem>>
      %dma_start3A_112 = tpu.memref_squeeze %dma_start3A_111 : memref<1x128x128xi32, #tpu.memory_space<vmem>> -> memref<128x128xi32, #tpu.memory_space<vmem>>
      %dma_start3A_113 = arith.constant 0 : i32
      %dma_start3A_114 = tpu.memref_slice %arg8[%dma_start3A_108, %dma_start3A_113] : memref<16x128xi32, #tpu.memory_space<vmem>> -> memref<1x128xi32, #tpu.memory_space<vmem>>
      %dma_start3A_115 = tpu.memref_squeeze %dma_start3A_114 : memref<1x128xi32, #tpu.memory_space<vmem>> -> memref<128xi32, #tpu.memory_space<vmem>>
      %dma_start3A_116 = arith.constant 0 : i32
      %dma_start3A_117 = arith.constant 0 : i32
      %dma_start3A_118 = tpu.memref_slice %arg6[%dma_start3A_116, %dma_start3A_117] : memref<10240x128xi32, #tpu.memory_space<vmem_shared>> -> memref<10240x128xi32, #tpu.memory_space<vmem_shared>>
      tpu.enqueue_indirect_dma source(%dma_start3A_112 : memref<128x128xi32, #tpu.memory_space<vmem>>) target(%dma_start3A_118 : memref<10240x128xi32, #tpu.memory_space<vmem_shared>>) offsets(%dma_start3A_115 : memref<128xi32, #tpu.memory_space<vmem>>) semaphore(%arg13 : memref<!tpu.dma_semaphore, #tpu.memory_space<semaphore_mem>>) {add = true}
      %dma_wait3A_119 = arith.constant 0 : i32
      %dma_wait3A_120 = arith.constant 0 : i32
      %dma_wait3A_121 = arith.constant 0 : i32
      %dma_wait3A_122 = arith.constant 0 : i32
      %dma_wait3A_123 = tpu.memref_slice %arg9[%dma_wait3A_119, %dma_wait3A_121, %dma_wait3A_122] : memref<2x128x128xi32, #tpu.memory_space<vmem>> -> memref<1x128x128xi32, #tpu.memory_space<vmem>>
      %dma_wait3A_124 = tpu.memref_squeeze %dma_wait3A_123 : memref<1x128x128xi32, #tpu.memory_space<vmem>> -> memref<128x128xi32, #tpu.memory_space<vmem>>
      %dma_wait3A_125 = arith.constant 0 : i32
      %dma_wait3A_126 = tpu.memref_slice %arg8[%dma_wait3A_120, %dma_wait3A_125] : memref<16x128xi32, #tpu.memory_space<vmem>> -> memref<1x128xi32, #tpu.memory_space<vmem>>
      %dma_wait3A_127 = tpu.memref_squeeze %dma_wait3A_126 : memref<1x128xi32, #tpu.memory_space<vmem>> -> memref<128xi32, #tpu.memory_space<vmem>>
      %dma_wait3A_128 = arith.constant 0 : i32
      %dma_wait3A_129 = arith.constant 0 : i32
      %dma_wait3A_130 = tpu.memref_slice %arg6[%dma_wait3A_128, %dma_wait3A_129] : memref<10240x128xi32, #tpu.memory_space<vmem_shared>> -> memref<10240x128xi32, #tpu.memory_space<vmem_shared>>
      tpu.wait_indirect_dma semaphore(%arg12 : memref<!tpu.dma_semaphore, #tpu.memory_space<semaphore_mem>>) src(%dma_wait3A_124 : memref<128x128xi32, #tpu.memory_space<vmem>>) dst(%dma_wait3A_130 : memref<10240x128xi32, #tpu.memory_space<vmem_shared>>)
      %dma_wait3A_131 = arith.constant 1 : i32
      %dma_wait3A_132 = arith.constant 0 : i32
      %dma_wait3A_133 = arith.constant 0 : i32
      %dma_wait3A_134 = arith.constant 0 : i32
      %dma_wait3A_135 = tpu.memref_slice %arg9[%dma_wait3A_131, %dma_wait3A_133, %dma_wait3A_134] : memref<2x128x128xi32, #tpu.memory_space<vmem>> -> memref<1x128x128xi32, #tpu.memory_space<vmem>>
      %dma_wait3A_136 = tpu.memref_squeeze %dma_wait3A_135 : memref<1x128x128xi32, #tpu.memory_space<vmem>> -> memref<128x128xi32, #tpu.memory_space<vmem>>
      %dma_wait3A_137 = arith.constant 0 : i32
      %dma_wait3A_138 = tpu.memref_slice %arg8[%dma_wait3A_132, %dma_wait3A_137] : memref<16x128xi32, #tpu.memory_space<vmem>> -> memref<1x128xi32, #tpu.memory_space<vmem>>
      %dma_wait3A_139 = tpu.memref_squeeze %dma_wait3A_138 : memref<1x128xi32, #tpu.memory_space<vmem>> -> memref<128xi32, #tpu.memory_space<vmem>>
      %dma_wait3A_140 = arith.constant 0 : i32
      %dma_wait3A_141 = arith.constant 0 : i32
      %dma_wait3A_142 = tpu.memref_slice %arg6[%dma_wait3A_140, %dma_wait3A_141] : memref<10240x128xi32, #tpu.memory_space<vmem_shared>> -> memref<10240x128xi32, #tpu.memory_space<vmem_shared>>
      tpu.wait_indirect_dma semaphore(%arg13 : memref<!tpu.dma_semaphore, #tpu.memory_space<semaphore_mem>>) src(%dma_wait3A_136 : memref<128x128xi32, #tpu.memory_space<vmem>>) dst(%dma_wait3A_142 : memref<10240x128xi32, #tpu.memory_space<vmem_shared>>)
    }
    %while3A_36 = arith.constant 1 : i32
    scf.for %while3A_38 = %while3A_34 to %while3A_30 step %while3A_36  : i32 {
      %mul3A_39 = arith.muli %while3A_38, %while3A : i32
      %add3A_40 = arith.addi %while3A_27, %mul3A_39 : i32
      %mul3A_41 = arith.constant 16 : i32
      %mul3A_42 = arith.muli %add3A_40, %mul3A_41 : i32
      %add3A_43 = arith.addi %select_n3A, %mul3A_42 : i32
      "tpu.region"() ({
        %run_scoped3A = tpu.sem_alloc : memref<!tpu.dma_semaphore, #tpu.memory_space<semaphore_mem>>
        %dma_start3A_143 = arith.constant 0 : i32
        %dma_start3A_144 = tpu.memref_slice %arg3[%add3A_43, %dma_start3A_143] : memref<2560x128xi32, #tpu.memory_space<hbm>> -> memref<16x128xi32, #tpu.memory_space<hbm>>
        %dma_start3A_145 = arith.constant 0 : i32
        %dma_start3A_146 = tpu.memref_slice %arg3[%add3A_43, %dma_start3A_145] : memref<2560x128xi32, #tpu.memory_space<hbm>> -> memref<16x128xi32, #tpu.memory_space<hbm>>
        tpu.enqueue_dma source(%dma_start3A_146 : memref<16x128xi32, #tpu.memory_space<hbm>>) target(%arg7 : memref<16x128xi32, #tpu.memory_space<vmem>>) target_semaphore(%run_scoped3A : memref<!tpu.dma_semaphore, #tpu.memory_space<semaphore_mem>>)
        %dma_wait3A_147 = arith.constant 0 : i32
        %dma_wait3A_148 = tpu.memref_slice %arg3[%add3A_43, %dma_wait3A_147] : memref<2560x128xi32, #tpu.memory_space<hbm>> -> memref<16x128xi32, #tpu.memory_space<hbm>>
        %dma_wait3A_149 = arith.constant 0 : i32
        %dma_wait3A_150 = tpu.memref_slice %arg3[%add3A_43, %dma_wait3A_149] : memref<2560x128xi32, #tpu.memory_space<hbm>> -> memref<16x128xi32, #tpu.memory_space<hbm>>
        tpu.wait_dma2 semaphore(%run_scoped3A : memref<!tpu.dma_semaphore, #tpu.memory_space<semaphore_mem>>) src(%dma_wait3A_150 : memref<16x128xi32, #tpu.memory_space<hbm>>) dst(%arg7 : memref<16x128xi32, #tpu.memory_space<vmem>>)
        tpu.yield
      }) : () -> ()
      "tpu.region"() ({
        %run_scoped3A = tpu.sem_alloc : memref<!tpu.dma_semaphore, #tpu.memory_space<semaphore_mem>>
        %dma_start3A_143 = arith.constant 0 : i32
        %dma_start3A_144 = tpu.memref_slice %arg4[%add3A_43, %dma_start3A_143] : memref<2560x128xi32, #tpu.memory_space<hbm>> -> memref<16x128xi32, #tpu.memory_space<hbm>>
        %dma_start3A_145 = arith.constant 0 : i32
        %dma_start3A_146 = tpu.memref_slice %arg4[%add3A_43, %dma_start3A_145] : memref<2560x128xi32, #tpu.memory_space<hbm>> -> memref<16x128xi32, #tpu.memory_space<hbm>>
        tpu.enqueue_dma source(%dma_start3A_146 : memref<16x128xi32, #tpu.memory_space<hbm>>) target(%arg8 : memref<16x128xi32, #tpu.memory_space<vmem>>) target_semaphore(%run_scoped3A : memref<!tpu.dma_semaphore, #tpu.memory_space<semaphore_mem>>)
        %dma_wait3A_147 = arith.constant 0 : i32
        %dma_wait3A_148 = tpu.memref_slice %arg4[%add3A_43, %dma_wait3A_147] : memref<2560x128xi32, #tpu.memory_space<hbm>> -> memref<16x128xi32, #tpu.memory_space<hbm>>
        %dma_wait3A_149 = arith.constant 0 : i32
        %dma_wait3A_150 = tpu.memref_slice %arg4[%add3A_43, %dma_wait3A_149] : memref<2560x128xi32, #tpu.memory_space<hbm>> -> memref<16x128xi32, #tpu.memory_space<hbm>>
        tpu.wait_dma2 semaphore(%run_scoped3A : memref<!tpu.dma_semaphore, #tpu.memory_space<semaphore_mem>>) src(%dma_wait3A_150 : memref<16x128xi32, #tpu.memory_space<hbm>>) dst(%arg8 : memref<16x128xi32, #tpu.memory_space<vmem>>)
        tpu.yield
      }) : () -> ()
      %dma_start3A = arith.constant 0 : i32
      %dma_start3A_44 = arith.constant 0 : i32
      %dma_start3A_45 = arith.constant 0 : i32
      %dma_start3A_46 = arith.constant 0 : i32
      %dma_start3A_47 = tpu.memref_slice %arg9[%dma_start3A_44, %dma_start3A_45, %dma_start3A_46] : memref<2x128x128xi32, #tpu.memory_space<vmem>> -> memref<1x128x128xi32, #tpu.memory_space<vmem>>
      %dma_start3A_48 = tpu.memref_squeeze %dma_start3A_47 : memref<1x128x128xi32, #tpu.memory_space<vmem>> -> memref<128x128xi32, #tpu.memory_space<vmem>>
      %dma_start3A_49 = arith.constant 0 : i32
      %dma_start3A_50 = tpu.memref_slice %arg7[%dma_start3A, %dma_start3A_49] : memref<16x128xi32, #tpu.memory_space<vmem>> -> memref<1x128xi32, #tpu.memory_space<vmem>>
      %dma_start3A_51 = tpu.memref_squeeze %dma_start3A_50 : memref<1x128xi32, #tpu.memory_space<vmem>> -> memref<128xi32, #tpu.memory_space<vmem>>
      %dma_start3A_52 = arith.constant 0 : i32
      %dma_start3A_53 = arith.constant 0 : i32
      %dma_start3A_54 = tpu.memref_slice %arg2[%dma_start3A_52, %dma_start3A_53] : memref<10000x128xi32, #tpu.memory_space<hbm>> -> memref<10000x128xi32, #tpu.memory_space<hbm>>
      tpu.enqueue_indirect_dma source(%dma_start3A_54 : memref<10000x128xi32, #tpu.memory_space<hbm>>) target(%dma_start3A_48 : memref<128x128xi32, #tpu.memory_space<vmem>>) offsets(%dma_start3A_51 : memref<128xi32, #tpu.memory_space<vmem>>) semaphore(%arg10 : memref<!tpu.dma_semaphore, #tpu.memory_space<semaphore_mem>>)
      %dma_start3A_55 = arith.constant 1 : i32
      %dma_start3A_56 = arith.constant 1 : i32
      %dma_start3A_57 = arith.constant 0 : i32
      %dma_start3A_58 = arith.constant 0 : i32
      %dma_start3A_59 = tpu.memref_slice %arg9[%dma_start3A_56, %dma_start3A_57, %dma_start3A_58] : memref<2x128x128xi32, #tpu.memory_space<vmem>> -> memref<1x128x128xi32, #tpu.memory_space<vmem>>
      %dma_start3A_60 = tpu.memref_squeeze %dma_start3A_59 : memref<1x128x128xi32, #tpu.memory_space<vmem>> -> memref<128x128xi32, #tpu.memory_space<vmem>>
      %dma_start3A_61 = arith.constant 0 : i32
      %dma_start3A_62 = tpu.memref_slice %arg7[%dma_start3A_55, %dma_start3A_61] : memref<16x128xi32, #tpu.memory_space<vmem>> -> memref<1x128xi32, #tpu.memory_space<vmem>>
      %dma_start3A_63 = tpu.memref_squeeze %dma_start3A_62 : memref<1x128xi32, #tpu.memory_space<vmem>> -> memref<128xi32, #tpu.memory_space<vmem>>
      %dma_start3A_64 = arith.constant 0 : i32
      %dma_start3A_65 = arith.constant 0 : i32
      %dma_start3A_66 = tpu.memref_slice %arg2[%dma_start3A_64, %dma_start3A_65] : memref<10000x128xi32, #tpu.memory_space<hbm>> -> memref<10000x128xi32, #tpu.memory_space<hbm>>
      tpu.enqueue_indirect_dma source(%dma_start3A_66 : memref<10000x128xi32, #tpu.memory_space<hbm>>) target(%dma_start3A_60 : memref<128x128xi32, #tpu.memory_space<vmem>>) offsets(%dma_start3A_63 : memref<128xi32, #tpu.memory_space<vmem>>) semaphore(%arg11 : memref<!tpu.dma_semaphore, #tpu.memory_space<semaphore_mem>>)
      %scan3A_67 = arith.constant 0 : i32
      %scan3A_68 = arith.constant 7 : i32
      %scan3A_69 = arith.addi %scan3A_67, %scan3A_68 : i32
      %scan3A_70 = arith.constant 1 : i32
      scf.for %scan3A_143 = %scan3A_67 to %scan3A_69 step %scan3A_70  : i32 {
        %mul3A_144 = arith.constant 2 : i32
        %mul3A_145 = arith.muli %scan3A_143, %mul3A_144 : i32
        %add3A_146 = arith.constant 0 : i32
        %add3A_147 = arith.addi %add3A_146, %mul3A_145 : i32
        %dma_wait3A_148 = arith.constant 0 : i32
        %dma_wait3A_149 = arith.constant 0 : i32
        %dma_wait3A_150 = arith.constant 0 : i32
        %dma_wait3A_151 = arith.constant 0 : i32
        %dma_wait3A_152 = tpu.memref_slice %arg9[%dma_wait3A_149, %dma_wait3A_150, %dma_wait3A_151] : memref<2x128x128xi32, #tpu.memory_space<vmem>> -> memref<1x128x128xi32, #tpu.memory_space<vmem>>
        %dma_wait3A_153 = tpu.memref_squeeze %dma_wait3A_152 : memref<1x128x128xi32, #tpu.memory_space<vmem>> -> memref<128x128xi32, #tpu.memory_space<vmem>>
        %dma_wait3A_154 = arith.constant 0 : i32
        %dma_wait3A_155 = tpu.memref_slice %arg7[%dma_wait3A_148, %dma_wait3A_154] : memref<16x128xi32, #tpu.memory_space<vmem>> -> memref<1x128xi32, #tpu.memory_space<vmem>>
        %dma_wait3A_156 = tpu.memref_squeeze %dma_wait3A_155 : memref<1x128xi32, #tpu.memory_space<vmem>> -> memref<128xi32, #tpu.memory_space<vmem>>
        %dma_wait3A_157 = arith.constant 0 : i32
        %dma_wait3A_158 = arith.constant 0 : i32
        %dma_wait3A_159 = tpu.memref_slice %arg2[%dma_wait3A_157, %dma_wait3A_158] : memref<10000x128xi32, #tpu.memory_space<hbm>> -> memref<10000x128xi32, #tpu.memory_space<hbm>>
        tpu.wait_indirect_dma semaphore(%arg10 : memref<!tpu.dma_semaphore, #tpu.memory_space<semaphore_mem>>) src(%dma_wait3A_159 : memref<10000x128xi32, #tpu.memory_space<hbm>>) dst(%dma_wait3A_153 : memref<128x128xi32, #tpu.memory_space<vmem>>)
        %dma_start3A_160 = arith.constant 0 : i32
        %dma_start3A_161 = arith.constant 0 : i32
        %dma_start3A_162 = arith.constant 0 : i32
        %dma_start3A_163 = tpu.memref_slice %arg9[%dma_start3A_160, %dma_start3A_161, %dma_start3A_162] : memref<2x128x128xi32, #tpu.memory_space<vmem>> -> memref<1x128x128xi32, #tpu.memory_space<vmem>>
        %dma_start3A_164 = tpu.memref_squeeze %dma_start3A_163 : memref<1x128x128xi32, #tpu.memory_space<vmem>> -> memref<128x128xi32, #tpu.memory_space<vmem>>
        %dma_start3A_165 = arith.constant 0 : i32
        %dma_start3A_166 = tpu.memref_slice %arg8[%add3A_147, %dma_start3A_165] : memref<16x128xi32, #tpu.memory_space<vmem>> -> memref<1x128xi32, #tpu.memory_space<vmem>>
        %dma_start3A_167 = tpu.memref_squeeze %dma_start3A_166 : memref<1x128xi32, #tpu.memory_space<vmem>> -> memref<128xi32, #tpu.memory_space<vmem>>
        %dma_start3A_168 = arith.constant 0 : i32
        %dma_start3A_169 = arith.constant 0 : i32
        %dma_start3A_170 = tpu.memref_slice %arg6[%dma_start3A_168, %dma_start3A_169] : memref<10240x128xi32, #tpu.memory_space<vmem_shared>> -> memref<10240x128xi32, #tpu.memory_space<vmem_shared>>
        tpu.enqueue_indirect_dma source(%dma_start3A_164 : memref<128x128xi32, #tpu.memory_space<vmem>>) target(%dma_start3A_170 : memref<10240x128xi32, #tpu.memory_space<vmem_shared>>) offsets(%dma_start3A_167 : memref<128xi32, #tpu.memory_space<vmem>>) semaphore(%arg12 : memref<!tpu.dma_semaphore, #tpu.memory_space<semaphore_mem>>) {add = true}
        %dma_wait3A_171 = arith.constant 1 : i32
        %dma_wait3A_172 = arith.constant 1 : i32
        %dma_wait3A_173 = arith.constant 0 : i32
        %dma_wait3A_174 = arith.constant 0 : i32
        %dma_wait3A_175 = tpu.memref_slice %arg9[%dma_wait3A_172, %dma_wait3A_173, %dma_wait3A_174] : memref<2x128x128xi32, #tpu.memory_space<vmem>> -> memref<1x128x128xi32, #tpu.memory_space<vmem>>
        %dma_wait3A_176 = tpu.memref_squeeze %dma_wait3A_175 : memref<1x128x128xi32, #tpu.memory_space<vmem>> -> memref<128x128xi32, #tpu.memory_space<vmem>>
        %dma_wait3A_177 = arith.constant 0 : i32
        %dma_wait3A_178 = tpu.memref_slice %arg7[%dma_wait3A_171, %dma_wait3A_177] : memref<16x128xi32, #tpu.memory_space<vmem>> -> memref<1x128xi32, #tpu.memory_space<vmem>>
        %dma_wait3A_179 = tpu.memref_squeeze %dma_wait3A_178 : memref<1x128xi32, #tpu.memory_space<vmem>> -> memref<128xi32, #tpu.memory_space<vmem>>
        %dma_wait3A_180 = arith.constant 0 : i32
        %dma_wait3A_181 = arith.constant 0 : i32
        %dma_wait3A_182 = tpu.memref_slice %arg2[%dma_wait3A_180, %dma_wait3A_181] : memref<10000x128xi32, #tpu.memory_space<hbm>> -> memref<10000x128xi32, #tpu.memory_space<hbm>>
        tpu.wait_indirect_dma semaphore(%arg11 : memref<!tpu.dma_semaphore, #tpu.memory_space<semaphore_mem>>) src(%dma_wait3A_182 : memref<10000x128xi32, #tpu.memory_space<hbm>>) dst(%dma_wait3A_176 : memref<128x128xi32, #tpu.memory_space<vmem>>)
        %add3A_183 = arith.constant 1 : i32
        %add3A_184 = arith.addi %add3A_147, %add3A_183 : i32
        %dma_start3A_185 = arith.constant 1 : i32
        %dma_start3A_186 = arith.constant 0 : i32
        %dma_start3A_187 = arith.constant 0 : i32
        %dma_start3A_188 = tpu.memref_slice %arg9[%dma_start3A_185, %dma_start3A_186, %dma_start3A_187] : memref<2x128x128xi32, #tpu.memory_space<vmem>> -> memref<1x128x128xi32, #tpu.memory_space<vmem>>
        %dma_start3A_189 = tpu.memref_squeeze %dma_start3A_188 : memref<1x128x128xi32, #tpu.memory_space<vmem>> -> memref<128x128xi32, #tpu.memory_space<vmem>>
        %dma_start3A_190 = arith.constant 0 : i32
        %dma_start3A_191 = tpu.memref_slice %arg8[%add3A_184, %dma_start3A_190] : memref<16x128xi32, #tpu.memory_space<vmem>> -> memref<1x128xi32, #tpu.memory_space<vmem>>
        %dma_start3A_192 = tpu.memref_squeeze %dma_start3A_191 : memref<1x128xi32, #tpu.memory_space<vmem>> -> memref<128xi32, #tpu.memory_space<vmem>>
        %dma_start3A_193 = arith.constant 0 : i32
        %dma_start3A_194 = arith.constant 0 : i32
        %dma_start3A_195 = tpu.memref_slice %arg6[%dma_start3A_193, %dma_start3A_194] : memref<10240x128xi32, #tpu.memory_space<vmem_shared>> -> memref<10240x128xi32, #tpu.memory_space<vmem_shared>>
        tpu.enqueue_indirect_dma source(%dma_start3A_189 : memref<128x128xi32, #tpu.memory_space<vmem>>) target(%dma_start3A_195 : memref<10240x128xi32, #tpu.memory_space<vmem_shared>>) offsets(%dma_start3A_192 : memref<128xi32, #tpu.memory_space<vmem>>) semaphore(%arg13 : memref<!tpu.dma_semaphore, #tpu.memory_space<semaphore_mem>>) {add = true}
        %dma_wait3A_196 = arith.constant 0 : i32
        %dma_wait3A_197 = arith.constant 0 : i32
        %dma_wait3A_198 = arith.constant 0 : i32
        %dma_wait3A_199 = arith.constant 0 : i32
        %dma_wait3A_200 = tpu.memref_slice %arg9[%dma_wait3A_196, %dma_wait3A_198, %dma_wait3A_199] : memref<2x128x128xi32, #tpu.memory_space<vmem>> -> memref<1x128x128xi32, #tpu.memory_space<vmem>>
        %dma_wait3A_201 = tpu.memref_squeeze %dma_wait3A_200 : memref<1x128x128xi32, #tpu.memory_space<vmem>> -> memref<128x128xi32, #tpu.memory_space<vmem>>
        %dma_wait3A_202 = arith.constant 0 : i32
        %dma_wait3A_203 = tpu.memref_slice %arg8[%dma_wait3A_197, %dma_wait3A_202] : memref<16x128xi32, #tpu.memory_space<vmem>> -> memref<1x128xi32, #tpu.memory_space<vmem>>
        %dma_wait3A_204 = tpu.memref_squeeze %dma_wait3A_203 : memref<1x128xi32, #tpu.memory_space<vmem>> -> memref<128xi32, #tpu.memory_space<vmem>>
        %dma_wait3A_205 = arith.constant 0 : i32
        %dma_wait3A_206 = arith.constant 0 : i32
        %dma_wait3A_207 = tpu.memref_slice %arg6[%dma_wait3A_205, %dma_wait3A_206] : memref<10240x128xi32, #tpu.memory_space<vmem_shared>> -> memref<10240x128xi32, #tpu.memory_space<vmem_shared>>
        tpu.wait_indirect_dma semaphore(%arg12 : memref<!tpu.dma_semaphore, #tpu.memory_space<semaphore_mem>>) src(%dma_wait3A_201 : memref<128x128xi32, #tpu.memory_space<vmem>>) dst(%dma_wait3A_207 : memref<10240x128xi32, #tpu.memory_space<vmem_shared>>)
        %add3A_208 = arith.constant 2 : i32
        %add3A_209 = arith.addi %add3A_147, %add3A_208 : i32
        %dma_start3A_210 = arith.constant 0 : i32
        %dma_start3A_211 = arith.constant 0 : i32
        %dma_start3A_212 = arith.constant 0 : i32
        %dma_start3A_213 = tpu.memref_slice %arg9[%dma_start3A_210, %dma_start3A_211, %dma_start3A_212] : memref<2x128x128xi32, #tpu.memory_space<vmem>> -> memref<1x128x128xi32, #tpu.memory_space<vmem>>
        %dma_start3A_214 = tpu.memref_squeeze %dma_start3A_213 : memref<1x128x128xi32, #tpu.memory_space<vmem>> -> memref<128x128xi32, #tpu.memory_space<vmem>>
        %dma_start3A_215 = arith.constant 0 : i32
        %dma_start3A_216 = tpu.memref_slice %arg7[%add3A_209, %dma_start3A_215] : memref<16x128xi32, #tpu.memory_space<vmem>> -> memref<1x128xi32, #tpu.memory_space<vmem>>
        %dma_start3A_217 = tpu.memref_squeeze %dma_start3A_216 : memref<1x128xi32, #tpu.memory_space<vmem>> -> memref<128xi32, #tpu.memory_space<vmem>>
        %dma_start3A_218 = arith.constant 0 : i32
        %dma_start3A_219 = arith.constant 0 : i32
        %dma_start3A_220 = tpu.memref_slice %arg2[%dma_start3A_218, %dma_start3A_219] : memref<10000x128xi32, #tpu.memory_space<hbm>> -> memref<10000x128xi32, #tpu.memory_space<hbm>>
        tpu.enqueue_indirect_dma source(%dma_start3A_220 : memref<10000x128xi32, #tpu.memory_space<hbm>>) target(%dma_start3A_214 : memref<128x128xi32, #tpu.memory_space<vmem>>) offsets(%dma_start3A_217 : memref<128xi32, #tpu.memory_space<vmem>>) semaphore(%arg10 : memref<!tpu.dma_semaphore, #tpu.memory_space<semaphore_mem>>)
        %dma_wait3A_221 = arith.constant 1 : i32
        %dma_wait3A_222 = arith.constant 0 : i32
        %dma_wait3A_223 = arith.constant 0 : i32
        %dma_wait3A_224 = arith.constant 0 : i32
        %dma_wait3A_225 = tpu.memref_slice %arg9[%dma_wait3A_221, %dma_wait3A_223, %dma_wait3A_224] : memref<2x128x128xi32, #tpu.memory_space<vmem>> -> memref<1x128x128xi32, #tpu.memory_space<vmem>>
        %dma_wait3A_226 = tpu.memref_squeeze %dma_wait3A_225 : memref<1x128x128xi32, #tpu.memory_space<vmem>> -> memref<128x128xi32, #tpu.memory_space<vmem>>
        %dma_wait3A_227 = arith.constant 0 : i32
        %dma_wait3A_228 = tpu.memref_slice %arg8[%dma_wait3A_222, %dma_wait3A_227] : memref<16x128xi32, #tpu.memory_space<vmem>> -> memref<1x128xi32, #tpu.memory_space<vmem>>
        %dma_wait3A_229 = tpu.memref_squeeze %dma_wait3A_228 : memref<1x128xi32, #tpu.memory_space<vmem>> -> memref<128xi32, #tpu.memory_space<vmem>>
        %dma_wait3A_230 = arith.constant 0 : i32
        %dma_wait3A_231 = arith.constant 0 : i32
        %dma_wait3A_232 = tpu.memref_slice %arg6[%dma_wait3A_230, %dma_wait3A_231] : memref<10240x128xi32, #tpu.memory_space<vmem_shared>> -> memref<10240x128xi32, #tpu.memory_space<vmem_shared>>
        tpu.wait_indirect_dma semaphore(%arg13 : memref<!tpu.dma_semaphore, #tpu.memory_space<semaphore_mem>>) src(%dma_wait3A_226 : memref<128x128xi32, #tpu.memory_space<vmem>>) dst(%dma_wait3A_232 : memref<10240x128xi32, #tpu.memory_space<vmem_shared>>)
        %add3A_233 = arith.constant 3 : i32
        %add3A_234 = arith.addi %add3A_147, %add3A_233 : i32
        %dma_start3A_235 = arith.constant 1 : i32
        %dma_start3A_236 = arith.constant 0 : i32
        %dma_start3A_237 = arith.constant 0 : i32
        %dma_start3A_238 = tpu.memref_slice %arg9[%dma_start3A_235, %dma_start3A_236, %dma_start3A_237] : memref<2x128x128xi32, #tpu.memory_space<vmem>> -> memref<1x128x128xi32, #tpu.memory_space<vmem>>
        %dma_start3A_239 = tpu.memref_squeeze %dma_start3A_238 : memref<1x128x128xi32, #tpu.memory_space<vmem>> -> memref<128x128xi32, #tpu.memory_space<vmem>>
        %dma_start3A_240 = arith.constant 0 : i32
        %dma_start3A_241 = tpu.memref_slice %arg7[%add3A_234, %dma_start3A_240] : memref<16x128xi32, #tpu.memory_space<vmem>> -> memref<1x128xi32, #tpu.memory_space<vmem>>
        %dma_start3A_242 = tpu.memref_squeeze %dma_start3A_241 : memref<1x128xi32, #tpu.memory_space<vmem>> -> memref<128xi32, #tpu.memory_space<vmem>>
        %dma_start3A_243 = arith.constant 0 : i32
        %dma_start3A_244 = arith.constant 0 : i32
        %dma_start3A_245 = tpu.memref_slice %arg2[%dma_start3A_243, %dma_start3A_244] : memref<10000x128xi32, #tpu.memory_space<hbm>> -> memref<10000x128xi32, #tpu.memory_space<hbm>>
        tpu.enqueue_indirect_dma source(%dma_start3A_245 : memref<10000x128xi32, #tpu.memory_space<hbm>>) target(%dma_start3A_239 : memref<128x128xi32, #tpu.memory_space<vmem>>) offsets(%dma_start3A_242 : memref<128xi32, #tpu.memory_space<vmem>>) semaphore(%arg11 : memref<!tpu.dma_semaphore, #tpu.memory_space<semaphore_mem>>)
      }
      %scan3A_71 = arith.constant 7 : i32
      %dma_wait3A = arith.constant 0 : i32
      %dma_wait3A_72 = arith.constant 0 : i32
      %dma_wait3A_73 = arith.constant 0 : i32
      %dma_wait3A_74 = arith.constant 0 : i32
      %dma_wait3A_75 = tpu.memref_slice %arg9[%dma_wait3A_72, %dma_wait3A_73, %dma_wait3A_74] : memref<2x128x128xi32, #tpu.memory_space<vmem>> -> memref<1x128x128xi32, #tpu.memory_space<vmem>>
      %dma_wait3A_76 = tpu.memref_squeeze %dma_wait3A_75 : memref<1x128x128xi32, #tpu.memory_space<vmem>> -> memref<128x128xi32, #tpu.memory_space<vmem>>
      %dma_wait3A_77 = arith.constant 0 : i32
      %dma_wait3A_78 = tpu.memref_slice %arg7[%dma_wait3A, %dma_wait3A_77] : memref<16x128xi32, #tpu.memory_space<vmem>> -> memref<1x128xi32, #tpu.memory_space<vmem>>
      %dma_wait3A_79 = tpu.memref_squeeze %dma_wait3A_78 : memref<1x128xi32, #tpu.memory_space<vmem>> -> memref<128xi32, #tpu.memory_space<vmem>>
      %dma_wait3A_80 = arith.constant 0 : i32
      %dma_wait3A_81 = arith.constant 0 : i32
      %dma_wait3A_82 = tpu.memref_slice %arg2[%dma_wait3A_80, %dma_wait3A_81] : memref<10000x128xi32, #tpu.memory_space<hbm>> -> memref<10000x128xi32, #tpu.memory_space<hbm>>
      tpu.wait_indirect_dma semaphore(%arg10 : memref<!tpu.dma_semaphore, #tpu.memory_space<semaphore_mem>>) src(%dma_wait3A_82 : memref<10000x128xi32, #tpu.memory_space<hbm>>) dst(%dma_wait3A_76 : memref<128x128xi32, #tpu.memory_space<vmem>>)
      %dma_start3A_83 = arith.constant 0 : i32
      %dma_start3A_84 = arith.constant 14 : i32
      %dma_start3A_85 = arith.constant 0 : i32
      %dma_start3A_86 = arith.constant 0 : i32
      %dma_start3A_87 = tpu.memref_slice %arg9[%dma_start3A_83, %dma_start3A_85, %dma_start3A_86] : memref<2x128x128xi32, #tpu.memory_space<vmem>> -> memref<1x128x128xi32, #tpu.memory_space<vmem>>
      %dma_start3A_88 = tpu.memref_squeeze %dma_start3A_87 : memref<1x128x128xi32, #tpu.memory_space<vmem>> -> memref<128x128xi32, #tpu.memory_space<vmem>>
      %dma_start3A_89 = arith.constant 0 : i32
      %dma_start3A_90 = tpu.memref_slice %arg8[%dma_start3A_84, %dma_start3A_89] : memref<16x128xi32, #tpu.memory_space<vmem>> -> memref<1x128xi32, #tpu.memory_space<vmem>>
      %dma_start3A_91 = tpu.memref_squeeze %dma_start3A_90 : memref<1x128xi32, #tpu.memory_space<vmem>> -> memref<128xi32, #tpu.memory_space<vmem>>
      %dma_start3A_92 = arith.constant 0 : i32
      %dma_start3A_93 = arith.constant 0 : i32
      %dma_start3A_94 = tpu.memref_slice %arg6[%dma_start3A_92, %dma_start3A_93] : memref<10240x128xi32, #tpu.memory_space<vmem_shared>> -> memref<10240x128xi32, #tpu.memory_space<vmem_shared>>
      tpu.enqueue_indirect_dma source(%dma_start3A_88 : memref<128x128xi32, #tpu.memory_space<vmem>>) target(%dma_start3A_94 : memref<10240x128xi32, #tpu.memory_space<vmem_shared>>) offsets(%dma_start3A_91 : memref<128xi32, #tpu.memory_space<vmem>>) semaphore(%arg12 : memref<!tpu.dma_semaphore, #tpu.memory_space<semaphore_mem>>) {add = true}
      %dma_wait3A_95 = arith.constant 1 : i32
      %dma_wait3A_96 = arith.constant 1 : i32
      %dma_wait3A_97 = arith.constant 0 : i32
      %dma_wait3A_98 = arith.constant 0 : i32
      %dma_wait3A_99 = tpu.memref_slice %arg9[%dma_wait3A_96, %dma_wait3A_97, %dma_wait3A_98] : memref<2x128x128xi32, #tpu.memory_space<vmem>> -> memref<1x128x128xi32, #tpu.memory_space<vmem>>
      %dma_wait3A_100 = tpu.memref_squeeze %dma_wait3A_99 : memref<1x128x128xi32, #tpu.memory_space<vmem>> -> memref<128x128xi32, #tpu.memory_space<vmem>>
      %dma_wait3A_101 = arith.constant 0 : i32
      %dma_wait3A_102 = tpu.memref_slice %arg7[%dma_wait3A_95, %dma_wait3A_101] : memref<16x128xi32, #tpu.memory_space<vmem>> -> memref<1x128xi32, #tpu.memory_space<vmem>>
      %dma_wait3A_103 = tpu.memref_squeeze %dma_wait3A_102 : memref<1x128xi32, #tpu.memory_space<vmem>> -> memref<128xi32, #tpu.memory_space<vmem>>
      %dma_wait3A_104 = arith.constant 0 : i32
      %dma_wait3A_105 = arith.constant 0 : i32
      %dma_wait3A_106 = tpu.memref_slice %arg2[%dma_wait3A_104, %dma_wait3A_105] : memref<10000x128xi32, #tpu.memory_space<hbm>> -> memref<10000x128xi32, #tpu.memory_space<hbm>>
      tpu.wait_indirect_dma semaphore(%arg11 : memref<!tpu.dma_semaphore, #tpu.memory_space<semaphore_mem>>) src(%dma_wait3A_106 : memref<10000x128xi32, #tpu.memory_space<hbm>>) dst(%dma_wait3A_100 : memref<128x128xi32, #tpu.memory_space<vmem>>)
      %dma_start3A_107 = arith.constant 1 : i32
      %dma_start3A_108 = arith.constant 15 : i32
      %dma_start3A_109 = arith.constant 0 : i32
      %dma_start3A_110 = arith.constant 0 : i32
      %dma_start3A_111 = tpu.memref_slice %arg9[%dma_start3A_107, %dma_start3A_109, %dma_start3A_110] : memref<2x128x128xi32, #tpu.memory_space<vmem>> -> memref<1x128x128xi32, #tpu.memory_space<vmem>>
      %dma_start3A_112 = tpu.memref_squeeze %dma_start3A_111 : memref<1x128x128xi32, #tpu.memory_space<vmem>> -> memref<128x128xi32, #tpu.memory_space<vmem>>
      %dma_start3A_113 = arith.constant 0 : i32
      %dma_start3A_114 = tpu.memref_slice %arg8[%dma_start3A_108, %dma_start3A_113] : memref<16x128xi32, #tpu.memory_space<vmem>> -> memref<1x128xi32, #tpu.memory_space<vmem>>
      %dma_start3A_115 = tpu.memref_squeeze %dma_start3A_114 : memref<1x128xi32, #tpu.memory_space<vmem>> -> memref<128xi32, #tpu.memory_space<vmem>>
      %dma_start3A_116 = arith.constant 0 : i32
      %dma_start3A_117 = arith.constant 0 : i32
      %dma_start3A_118 = tpu.memref_slice %arg6[%dma_start3A_116, %dma_start3A_117] : memref<10240x128xi32, #tpu.memory_space<vmem_shared>> -> memref<10240x128xi32, #tpu.memory_space<vmem_shared>>
      tpu.enqueue_indirect_dma source(%dma_start3A_112 : memref<128x128xi32, #tpu.memory_space<vmem>>) target(%dma_start3A_118 : memref<10240x128xi32, #tpu.memory_space<vmem_shared>>) offsets(%dma_start3A_115 : memref<128xi32, #tpu.memory_space<vmem>>) semaphore(%arg13 : memref<!tpu.dma_semaphore, #tpu.memory_space<semaphore_mem>>) {add = true}
      %dma_wait3A_119 = arith.constant 0 : i32
      %dma_wait3A_120 = arith.constant 0 : i32
      %dma_wait3A_121 = arith.constant 0 : i32
      %dma_wait3A_122 = arith.constant 0 : i32
      %dma_wait3A_123 = tpu.memref_slice %arg9[%dma_wait3A_119, %dma_wait3A_121, %dma_wait3A_122] : memref<2x128x128xi32, #tpu.memory_space<vmem>> -> memref<1x128x128xi32, #tpu.memory_space<vmem>>
      %dma_wait3A_124 = tpu.memref_squeeze %dma_wait3A_123 : memref<1x128x128xi32, #tpu.memory_space<vmem>> -> memref<128x128xi32, #tpu.memory_space<vmem>>
      %dma_wait3A_125 = arith.constant 0 : i32
      %dma_wait3A_126 = tpu.memref_slice %arg8[%dma_wait3A_120, %dma_wait3A_125] : memref<16x128xi32, #tpu.memory_space<vmem>> -> memref<1x128xi32, #tpu.memory_space<vmem>>
      %dma_wait3A_127 = tpu.memref_squeeze %dma_wait3A_126 : memref<1x128xi32, #tpu.memory_space<vmem>> -> memref<128xi32, #tpu.memory_space<vmem>>
      %dma_wait3A_128 = arith.constant 0 : i32
      %dma_wait3A_129 = arith.constant 0 : i32
      %dma_wait3A_130 = tpu.memref_slice %arg6[%dma_wait3A_128, %dma_wait3A_129] : memref<10240x128xi32, #tpu.memory_space<vmem_shared>> -> memref<10240x128xi32, #tpu.memory_space<vmem_shared>>
      tpu.wait_indirect_dma semaphore(%arg12 : memref<!tpu.dma_semaphore, #tpu.memory_space<semaphore_mem>>) src(%dma_wait3A_124 : memref<128x128xi32, #tpu.memory_space<vmem>>) dst(%dma_wait3A_130 : memref<10240x128xi32, #tpu.memory_space<vmem_shared>>)
      %dma_wait3A_131 = arith.constant 1 : i32
      %dma_wait3A_132 = arith.constant 0 : i32
      %dma_wait3A_133 = arith.constant 0 : i32
      %dma_wait3A_134 = arith.constant 0 : i32
      %dma_wait3A_135 = tpu.memref_slice %arg9[%dma_wait3A_131, %dma_wait3A_133, %dma_wait3A_134] : memref<2x128x128xi32, #tpu.memory_space<vmem>> -> memref<1x128x128xi32, #tpu.memory_space<vmem>>
      %dma_wait3A_136 = tpu.memref_squeeze %dma_wait3A_135 : memref<1x128x128xi32, #tpu.memory_space<vmem>> -> memref<128x128xi32, #tpu.memory_space<vmem>>
      %dma_wait3A_137 = arith.constant 0 : i32
      %dma_wait3A_138 = tpu.memref_slice %arg8[%dma_wait3A_132, %dma_wait3A_137] : memref<16x128xi32, #tpu.memory_space<vmem>> -> memref<1x128xi32, #tpu.memory_space<vmem>>
      %dma_wait3A_139 = tpu.memref_squeeze %dma_wait3A_138 : memref<1x128xi32, #tpu.memory_space<vmem>> -> memref<128xi32, #tpu.memory_space<vmem>>
      %dma_wait3A_140 = arith.constant 0 : i32
      %dma_wait3A_141 = arith.constant 0 : i32
      %dma_wait3A_142 = tpu.memref_slice %arg6[%dma_wait3A_140, %dma_wait3A_141] : memref<10240x128xi32, #tpu.memory_space<vmem_shared>> -> memref<10240x128xi32, #tpu.memory_space<vmem_shared>>
      tpu.wait_indirect_dma semaphore(%arg13 : memref<!tpu.dma_semaphore, #tpu.memory_space<semaphore_mem>>) src(%dma_wait3A_136 : memref<128x128xi32, #tpu.memory_space<vmem>>) dst(%dma_wait3A_142 : memref<10240x128xi32, #tpu.memory_space<vmem_shared>>)
    }
    %barrier3A_37 = arith.constant 0 : index
    tpu.barrier barrier_id(%barrier3A_37)
    "tpu.region"() ({
      %run_scoped3A = tpu.sem_alloc : memref<!tpu.dma_semaphore, #tpu.memory_space<semaphore_mem>>
      %dma_start3A = arith.constant 0 : i32
      %dma_start3A_38 = tpu.memref_slice %arg5[%arg0, %mul3A_10, %dma_start3A] : memref<2x10240x128xi32, #tpu.memory_space<hbm>> -> memref<1x640x128xi32, #tpu.memory_space<hbm>>
      %dma_start3A_39 = tpu.memref_squeeze %dma_start3A_38 : memref<1x640x128xi32, #tpu.memory_space<hbm>> -> memref<640x128xi32, #tpu.memory_space<hbm>>
      %dma_start3A_40 = arith.constant 0 : i32
      %dma_start3A_41 = tpu.memref_slice %arg6[%mul3A_10, %dma_start3A_40] : memref<10240x128xi32, #tpu.memory_space<vmem_shared>> -> memref<640x128xi32, #tpu.memory_space<vmem_shared>>
      tpu.enqueue_dma source(%dma_start3A_41 : memref<640x128xi32, #tpu.memory_space<vmem_shared>>) target(%dma_start3A_39 : memref<640x128xi32, #tpu.memory_space<hbm>>) target_semaphore(%run_scoped3A : memref<!tpu.dma_semaphore, #tpu.memory_space<semaphore_mem>>)
      %dma_wait3A = arith.constant 0 : i32
      %dma_wait3A_42 = tpu.memref_slice %arg5[%arg0, %mul3A_10, %dma_wait3A] : memref<2x10240x128xi32, #tpu.memory_space<hbm>> -> memref<1x640x128xi32, #tpu.memory_space<hbm>>
      %dma_wait3A_43 = tpu.memref_squeeze %dma_wait3A_42 : memref<1x640x128xi32, #tpu.memory_space<hbm>> -> memref<640x128xi32, #tpu.memory_space<hbm>>
      %dma_wait3A_44 = arith.constant 0 : i32
      %dma_wait3A_45 = tpu.memref_slice %arg6[%mul3A_10, %dma_wait3A_44] : memref<10240x128xi32, #tpu.memory_space<vmem_shared>> -> memref<640x128xi32, #tpu.memory_space<vmem_shared>>
      tpu.wait_dma2 semaphore(%run_scoped3A : memref<!tpu.dma_semaphore, #tpu.memory_space<semaphore_mem>>) src(%dma_wait3A_45 : memref<640x128xi32, #tpu.memory_space<vmem_shared>>) dst(%dma_wait3A_43 : memref<640x128xi32, #tpu.memory_space<hbm>>)
      tpu.yield
    }) : () -> ()
    return
  }
}

#map = affine_map<(d0, d1) -> (0, 0)>
#map1 = affine_map<(d0, d1) -> (0, 0, 0)>
module attributes {stable_mosaic.version = 14 : i64} {
  func.func @_sc_segsum_body(%arg0: i32, %arg1: i32, %arg2: memref<10000x128xi32, #tpu.memory_space<hbm>>, %arg3: memref<2560x128xi32, #tpu.memory_space<hbm>>, %arg4: memref<2560x128xi32, #tpu.memory_space<hbm>>, %arg5: memref<2x10240x128xi32, #tpu.memory_space<hbm>>, %arg6: memref<10240x128xi32, #tpu.memory_space<vmem_shared>>, %arg7: memref<16x128xi32, #tpu.memory_space<vmem>>, %arg8: memref<16x128xi32, #tpu.memory_space<vmem>>, %arg9: memref<2x128x128xi32, #tpu.memory_space<vmem>>, %arg10: memref<!tpu.dma_semaphore, #tpu.memory_space<semaphore_mem>>, %arg11: memref<!tpu.dma_semaphore, #tpu.memory_space<semaphore_mem>>, %arg12: memref<!tpu.dma_semaphore, #tpu.memory_space<semaphore_mem>>, %arg13: memref<!tpu.dma_semaphore, #tpu.memory_space<semaphore_mem>>) attributes {dimension_semantics = [#tpu.dimension_semantics<core_parallel>, #tpu.dimension_semantics<subcore_parallel>], iteration_bounds = array<i64: 2, 16>, scalar_prefetch = 0 : i64, scratch_operands = 8 : i64, tpu.core_type = #tpu.core_type<sc_vector_subcore>, window_params = [{transform_indices = #map}, {transform_indices = #map}, {transform_indices = #map}, {transform_indices = #map1}]} {
    %eq3A = arith.constant 0 : i32
    %eq3A_0 = arith.cmpi eq, %arg0, %eq3A : i32
    %mul3A = arith.constant 144 : i32
    %mul3A_1 = arith.muli %arg1, %mul3A : i32
    %mul3A_2 = arith.constant 16 : i32
    %mul3A_3 = arith.muli %arg1, %mul3A_2 : i32
    %add3A = arith.constant 2304 : i32
    %add3A_4 = arith.addi %add3A, %mul3A_3 : i32
    %select_n3A = arith.select %eq3A_0, %mul3A_1, %add3A_4 : i32
    %eq3A_5 = arith.constant 0 : i32
    %eq3A_6 = arith.cmpi eq, %arg0, %eq3A_5 : i32
    %jit3A = arith.constant 9 : i32
    %jit3A_7 = arith.constant 1 : i32
    %select_n3A_8 = arith.select %eq3A_6, %jit3A, %jit3A_7 : i32
    %mul3A_9 = arith.constant 640 : i32
    %mul3A_10 = arith.muli %arg1, %mul3A_9 : i32
    %broadcast_in_dim3A = arith.constant 0 : i32
    %broadcast_in_dim3A_11 = vector.broadcast %broadcast_in_dim3A : i32 to vector<16xi32>
    %scan3A = arith.constant 0 : i32
    %scan3A_12 = arith.constant 128 : i32
    %scan3A_13 = arith.addi %scan3A, %scan3A_12 : i32
    %scan3A_14 = arith.constant 1 : i32
    scf.for %scan3A_38 = %scan3A to %scan3A_13 step %scan3A_14  : i32 {
      %mul3A_39 = arith.constant 1 : i32
      %mul3A_40 = arith.muli %scan3A_38, %mul3A_39 : i32
      %add3A_41 = arith.constant 0 : i32
      %add3A_42 = arith.addi %add3A_41, %mul3A_40 : i32
      %scan3A_43 = arith.constant 0 : i32
      %scan3A_44 = arith.constant 8 : i32
      %scan3A_45 = arith.addi %scan3A_43, %scan3A_44 : i32
      %scan3A_46 = arith.constant 1 : i32
      scf.for %scan3A_48 = %scan3A_43 to %scan3A_45 step %scan3A_46  : i32 {
        %mul3A_49 = arith.constant 1 : i32
        %mul3A_50 = arith.muli %scan3A_48, %mul3A_49 : i32
        %add3A_51 = arith.constant 0 : i32
        %add3A_52 = arith.addi %add3A_51, %mul3A_50 : i32
        %mul3A_53 = arith.constant 16 : i32
        %mul3A_54 = arith.muli %add3A_52, %mul3A_53 : i32
        %swap3A = arith.constant 0 : i32
        %swap3A_55 = arith.index_cast %swap3A : i32 to index
        %swap3A_56 = arith.index_cast %add3A_42 : i32 to index
        %swap3A_57 = arith.index_cast %mul3A_54 : i32 to index
        %swap3A_58 = tpu.vector_load %arg9[%swap3A_55, %swap3A_56, %swap3A_57] {strides = array<i32>} : memref<2x128x128xi32, #tpu.memory_space<vmem>>, vector<1x1x16xi32>,
        %swap3A_59 = vector.shape_cast %swap3A_58 : vector<1x1x16xi32> to vector<16xi32>
        %swap3A_60 = vector.shape_cast %broadcast_in_dim3A_11 : vector<16xi32> to vector<1x1x16xi32>
        tpu.vector_store %arg9[%swap3A_55, %swap3A_56, %swap3A_57], %swap3A_60 {strides = array<i32>} : memref<2x128x128xi32, #tpu.memory_space<vmem>>, vector<1x1x16xi32>,
      }
      %scan3A_47 = arith.constant 8 : i32
    }
    %scan3A_15 = arith.constant 128 : i32
    %scan3A_16 = arith.constant 0 : i32
    %scan3A_17 = arith.constant 5 : i32
    %scan3A_18 = arith.addi %scan3A_16, %scan3A_17 : i32
    %scan3A_19 = arith.constant 1 : i32
    scf.for %scan3A_38 = %scan3A_16 to %scan3A_18 step %scan3A_19  : i32 {
      %mul3A_39 = arith.constant 1 : i32
      %mul3A_40 = arith.muli %scan3A_38, %mul3A_39 : i32
      %add3A_41 = arith.constant 0 : i32
      %add3A_42 = arith.addi %add3A_41, %mul3A_40 : i32
      %mul3A_43 = arith.constant 128 : i32
      %mul3A_44 = arith.muli %add3A_42, %mul3A_43 : i32
      %add3A_45 = arith.addi %mul3A_10, %mul3A_44 : i32
      %run_scoped3A = arith.constant 0 : i32
      "tpu.region"() ({
        %run_scoped3A_46 = tpu.sem_alloc : memref<!tpu.dma_semaphore, #tpu.memory_space<semaphore_mem>>
        %dma_start3A = arith.constant 0 : i32
        %dma_start3A_47 = arith.constant 0 : i32
        %dma_start3A_48 = tpu.memref_slice %arg9[%run_scoped3A, %dma_start3A, %dma_start3A_47] : memref<2x128x128xi32, #tpu.memory_space<vmem>> -> memref<1x128x128xi32, #tpu.memory_space<vmem>>
        %dma_start3A_49 = tpu.memref_squeeze %dma_start3A_48 : memref<1x128x128xi32, #tpu.memory_space<vmem>> -> memref<128x128xi32, #tpu.memory_space<vmem>>
        %dma_start3A_50 = arith.constant 0 : i32
        %dma_start3A_51 = tpu.memref_slice %arg6[%add3A_45, %dma_start3A_50] : memref<10240x128xi32, #tpu.memory_space<vmem_shared>> -> memref<128x128xi32, #tpu.memory_space<vmem_shared>>
        %dma_start3A_52 = arith.constant 0 : i32
        %dma_start3A_53 = tpu.memref_slice %arg6[%add3A_45, %dma_start3A_52] : memref<10240x128xi32, #tpu.memory_space<vmem_shared>> -> memref<128x128xi32, #tpu.memory_space<vmem_shared>>
        %dma_start3A_54 = arith.constant 0 : i32
        %dma_start3A_55 = arith.constant 0 : i32
        %dma_start3A_56 = tpu.memref_slice %arg9[%run_scoped3A, %dma_start3A_54, %dma_start3A_55] : memref<2x128x128xi32, #tpu.memory_space<vmem>> -> memref<1x128x128xi32, #tpu.memory_space<vmem>>
        %dma_start3A_57 = tpu.memref_squeeze %dma_start3A_56 : memref<1x128x128xi32, #tpu.memory_space<vmem>> -> memref<128x128xi32, #tpu.memory_space<vmem>>
        tpu.enqueue_dma source(%dma_start3A_57 : memref<128x128xi32, #tpu.memory_space<vmem>>) target(%dma_start3A_53 : memref<128x128xi32, #tpu.memory_space<vmem_shared>>) target_semaphore(%run_scoped3A_46 : memref<!tpu.dma_semaphore, #tpu.memory_space<semaphore_mem>>)
        %dma_wait3A = arith.constant 0 : i32
        %dma_wait3A_58 = arith.constant 0 : i32
        %dma_wait3A_59 = tpu.memref_slice %arg9[%run_scoped3A, %dma_wait3A, %dma_wait3A_58] : memref<2x128x128xi32, #tpu.memory_space<vmem>> -> memref<1x128x128xi32, #tpu.memory_space<vmem>>
        %dma_wait3A_60 = tpu.memref_squeeze %dma_wait3A_59 : memref<1x128x128xi32, #tpu.memory_space<vmem>> -> memref<128x128xi32, #tpu.memory_space<vmem>>
        %dma_wait3A_61 = arith.constant 0 : i32
        %dma_wait3A_62 = tpu.memref_slice %arg6[%add3A_45, %dma_wait3A_61] : memref<10240x128xi32, #tpu.memory_space<vmem_shared>> -> memref<128x128xi32, #tpu.memory_space<vmem_shared>>
        %dma_wait3A_63 = arith.constant 0 : i32
        %dma_wait3A_64 = tpu.memref_slice %arg6[%add3A_45, %dma_wait3A_63] : memref<10240x128xi32, #tpu.memory_space<vmem_shared>> -> memref<128x128xi32, #tpu.memory_space<vmem_shared>>
        %dma_wait3A_65 = arith.constant 0 : i32
        %dma_wait3A_66 = arith.constant 0 : i32
        %dma_wait3A_67 = tpu.memref_slice %arg9[%run_scoped3A, %dma_wait3A_65, %dma_wait3A_66] : memref<2x128x128xi32, #tpu.memory_space<vmem>> -> memref<1x128x128xi32, #tpu.memory_space<vmem>>
        %dma_wait3A_68 = tpu.memref_squeeze %dma_wait3A_67 : memref<1x128x128xi32, #tpu.memory_space<vmem>> -> memref<128x128xi32, #tpu.memory_space<vmem>>
        tpu.wait_dma2 semaphore(%run_scoped3A_46 : memref<!tpu.dma_semaphore, #tpu.memory_space<semaphore_mem>>) src(%dma_wait3A_68 : memref<128x128xi32, #tpu.memory_space<vmem>>) dst(%dma_wait3A_64 : memref<128x128xi32, #tpu.memory_space<vmem_shared>>)
        tpu.yield
      }) : () -> ()
    }
    %scan3A_20 = arith.constant 5 : i32
    %barrier3A = arith.constant 0 : index
    tpu.barrier barrier_id(%barrier3A)
    %sub3A = arith.constant 0 : i32
    %sub3A_21 = arith.subi %select_n3A_8, %sub3A : i32
    %sub3A_22 = arith.constant 1 : i32
    %sub3A_23 = arith.constant 1 : i32
    %sub3A_24 = arith.subi %sub3A_22, %sub3A_23 : i32
    %add3A_25 = arith.addi %sub3A_21, %sub3A_24 : i32
    %div3A = arith.constant 1 : i32
    %div3A_26 = arith.divsi %add3A_25, %div3A : i32
    %while3A = arith.constant 1 : i32
    %while3A_27 = arith.constant 0 : i32
    %while3A_28 = arith.constant 0 : i32
    %while3A_29 = arith.subi %div3A_26, %while3A_28 : i32
    %while3A_30 = arith.addi %while3A_28, %while3A_29 : i32
    %while3A_31 = arith.constant 1 : i32
    %while3A_32 = arith.divsi %while3A_29, %while3A_31 : i32
    %while3A_33 = arith.muli %while3A_32, %while3A_31 : i32
    %while3A_34 = arith.addi %while3A_28, %while3A_33 : i32
    %while3A_35 = arith.constant 1 : i32
    scf.for %while3A_38 = %while3A_28 to %while3A_34 step %while3A_35  : i32 {
      %mul3A_39 = arith.muli %while3A_38, %while3A : i32
      %add3A_40 = arith.addi %while3A_27, %mul3A_39 : i32
      %mul3A_41 = arith.constant 16 : i32
      %mul3A_42 = arith.muli %add3A_40, %mul3A_41 : i32
      %add3A_43 = arith.addi %select_n3A, %mul3A_42 : i32
      "tpu.region"() ({
        %run_scoped3A = tpu.sem_alloc : memref<!tpu.dma_semaphore, #tpu.memory_space<semaphore_mem>>
        %dma_start3A_143 = arith.constant 0 : i32
        %dma_start3A_144 = tpu.memref_slice %arg3[%add3A_43, %dma_start3A_143] : memref<2560x128xi32, #tpu.memory_space<hbm>> -> memref<16x128xi32, #tpu.memory_space<hbm>>
        %dma_start3A_145 = arith.constant 0 : i32
        %dma_start3A_146 = tpu.memref_slice %arg3[%add3A_43, %dma_start3A_145] : memref<2560x128xi32, #tpu.memory_space<hbm>> -> memref<16x128xi32, #tpu.memory_space<hbm>>
        tpu.enqueue_dma source(%dma_start3A_146 : memref<16x128xi32, #tpu.memory_space<hbm>>) target(%arg7 : memref<16x128xi32, #tpu.memory_space<vmem>>) target_semaphore(%run_scoped3A : memref<!tpu.dma_semaphore, #tpu.memory_space<semaphore_mem>>)
        %dma_wait3A_147 = arith.constant 0 : i32
        %dma_wait3A_148 = tpu.memref_slice %arg3[%add3A_43, %dma_wait3A_147] : memref<2560x128xi32, #tpu.memory_space<hbm>> -> memref<16x128xi32, #tpu.memory_space<hbm>>
        %dma_wait3A_149 = arith.constant 0 : i32
        %dma_wait3A_150 = tpu.memref_slice %arg3[%add3A_43, %dma_wait3A_149] : memref<2560x128xi32, #tpu.memory_space<hbm>> -> memref<16x128xi32, #tpu.memory_space<hbm>>
        tpu.wait_dma2 semaphore(%run_scoped3A : memref<!tpu.dma_semaphore, #tpu.memory_space<semaphore_mem>>) src(%dma_wait3A_150 : memref<16x128xi32, #tpu.memory_space<hbm>>) dst(%arg7 : memref<16x128xi32, #tpu.memory_space<vmem>>)
        tpu.yield
      }) : () -> ()
      "tpu.region"() ({
        %run_scoped3A = tpu.sem_alloc : memref<!tpu.dma_semaphore, #tpu.memory_space<semaphore_mem>>
        %dma_start3A_143 = arith.constant 0 : i32
        %dma_start3A_144 = tpu.memref_slice %arg4[%add3A_43, %dma_start3A_143] : memref<2560x128xi32, #tpu.memory_space<hbm>> -> memref<16x128xi32, #tpu.memory_space<hbm>>
        %dma_start3A_145 = arith.constant 0 : i32
        %dma_start3A_146 = tpu.memref_slice %arg4[%add3A_43, %dma_start3A_145] : memref<2560x128xi32, #tpu.memory_space<hbm>> -> memref<16x128xi32, #tpu.memory_space<hbm>>
        tpu.enqueue_dma source(%dma_start3A_146 : memref<16x128xi32, #tpu.memory_space<hbm>>) target(%arg8 : memref<16x128xi32, #tpu.memory_space<vmem>>) target_semaphore(%run_scoped3A : memref<!tpu.dma_semaphore, #tpu.memory_space<semaphore_mem>>)
        %dma_wait3A_147 = arith.constant 0 : i32
        %dma_wait3A_148 = tpu.memref_slice %arg4[%add3A_43, %dma_wait3A_147] : memref<2560x128xi32, #tpu.memory_space<hbm>> -> memref<16x128xi32, #tpu.memory_space<hbm>>
        %dma_wait3A_149 = arith.constant 0 : i32
        %dma_wait3A_150 = tpu.memref_slice %arg4[%add3A_43, %dma_wait3A_149] : memref<2560x128xi32, #tpu.memory_space<hbm>> -> memref<16x128xi32, #tpu.memory_space<hbm>>
        tpu.wait_dma2 semaphore(%run_scoped3A : memref<!tpu.dma_semaphore, #tpu.memory_space<semaphore_mem>>) src(%dma_wait3A_150 : memref<16x128xi32, #tpu.memory_space<hbm>>) dst(%arg8 : memref<16x128xi32, #tpu.memory_space<vmem>>)
        tpu.yield
      }) : () -> ()
      %dma_start3A = arith.constant 0 : i32
      %dma_start3A_44 = arith.constant 0 : i32
      %dma_start3A_45 = arith.constant 0 : i32
      %dma_start3A_46 = arith.constant 0 : i32
      %dma_start3A_47 = tpu.memref_slice %arg9[%dma_start3A_44, %dma_start3A_45, %dma_start3A_46] : memref<2x128x128xi32, #tpu.memory_space<vmem>> -> memref<1x128x128xi32, #tpu.memory_space<vmem>>
      %dma_start3A_48 = tpu.memref_squeeze %dma_start3A_47 : memref<1x128x128xi32, #tpu.memory_space<vmem>> -> memref<128x128xi32, #tpu.memory_space<vmem>>
      %dma_start3A_49 = arith.constant 0 : i32
      %dma_start3A_50 = tpu.memref_slice %arg7[%dma_start3A, %dma_start3A_49] : memref<16x128xi32, #tpu.memory_space<vmem>> -> memref<1x128xi32, #tpu.memory_space<vmem>>
      %dma_start3A_51 = tpu.memref_squeeze %dma_start3A_50 : memref<1x128xi32, #tpu.memory_space<vmem>> -> memref<128xi32, #tpu.memory_space<vmem>>
      %dma_start3A_52 = arith.constant 0 : i32
      %dma_start3A_53 = arith.constant 0 : i32
      %dma_start3A_54 = tpu.memref_slice %arg2[%dma_start3A_52, %dma_start3A_53] : memref<10000x128xi32, #tpu.memory_space<hbm>> -> memref<10000x128xi32, #tpu.memory_space<hbm>>
      tpu.enqueue_indirect_dma source(%dma_start3A_54 : memref<10000x128xi32, #tpu.memory_space<hbm>>) target(%dma_start3A_48 : memref<128x128xi32, #tpu.memory_space<vmem>>) offsets(%dma_start3A_51 : memref<128xi32, #tpu.memory_space<vmem>>) semaphore(%arg10 : memref<!tpu.dma_semaphore, #tpu.memory_space<semaphore_mem>>)
      %dma_start3A_55 = arith.constant 1 : i32
      %dma_start3A_56 = arith.constant 1 : i32
      %dma_start3A_57 = arith.constant 0 : i32
      %dma_start3A_58 = arith.constant 0 : i32
      %dma_start3A_59 = tpu.memref_slice %arg9[%dma_start3A_56, %dma_start3A_57, %dma_start3A_58] : memref<2x128x128xi32, #tpu.memory_space<vmem>> -> memref<1x128x128xi32, #tpu.memory_space<vmem>>
      %dma_start3A_60 = tpu.memref_squeeze %dma_start3A_59 : memref<1x128x128xi32, #tpu.memory_space<vmem>> -> memref<128x128xi32, #tpu.memory_space<vmem>>
      %dma_start3A_61 = arith.constant 0 : i32
      %dma_start3A_62 = tpu.memref_slice %arg7[%dma_start3A_55, %dma_start3A_61] : memref<16x128xi32, #tpu.memory_space<vmem>> -> memref<1x128xi32, #tpu.memory_space<vmem>>
      %dma_start3A_63 = tpu.memref_squeeze %dma_start3A_62 : memref<1x128xi32, #tpu.memory_space<vmem>> -> memref<128xi32, #tpu.memory_space<vmem>>
      %dma_start3A_64 = arith.constant 0 : i32
      %dma_start3A_65 = arith.constant 0 : i32
      %dma_start3A_66 = tpu.memref_slice %arg2[%dma_start3A_64, %dma_start3A_65] : memref<10000x128xi32, #tpu.memory_space<hbm>> -> memref<10000x128xi32, #tpu.memory_space<hbm>>
      tpu.enqueue_indirect_dma source(%dma_start3A_66 : memref<10000x128xi32, #tpu.memory_space<hbm>>) target(%dma_start3A_60 : memref<128x128xi32, #tpu.memory_space<vmem>>) offsets(%dma_start3A_63 : memref<128xi32, #tpu.memory_space<vmem>>) semaphore(%arg11 : memref<!tpu.dma_semaphore, #tpu.memory_space<semaphore_mem>>)
      %scan3A_67 = arith.constant 0 : i32
      %scan3A_68 = arith.constant 7 : i32
      %scan3A_69 = arith.addi %scan3A_67, %scan3A_68 : i32
      %scan3A_70 = arith.constant 1 : i32
      scf.for %scan3A_143 = %scan3A_67 to %scan3A_69 step %scan3A_70  : i32 {
        %mul3A_144 = arith.constant 2 : i32
        %mul3A_145 = arith.muli %scan3A_143, %mul3A_144 : i32
        %add3A_146 = arith.constant 0 : i32
        %add3A_147 = arith.addi %add3A_146, %mul3A_145 : i32
        %dma_wait3A_148 = arith.constant 0 : i32
        %dma_wait3A_149 = arith.constant 0 : i32
        %dma_wait3A_150 = arith.constant 0 : i32
        %dma_wait3A_151 = arith.constant 0 : i32
        %dma_wait3A_152 = tpu.memref_slice %arg9[%dma_wait3A_149, %dma_wait3A_150, %dma_wait3A_151] : memref<2x128x128xi32, #tpu.memory_space<vmem>> -> memref<1x128x128xi32, #tpu.memory_space<vmem>>
        %dma_wait3A_153 = tpu.memref_squeeze %dma_wait3A_152 : memref<1x128x128xi32, #tpu.memory_space<vmem>> -> memref<128x128xi32, #tpu.memory_space<vmem>>
        %dma_wait3A_154 = arith.constant 0 : i32
        %dma_wait3A_155 = tpu.memref_slice %arg7[%dma_wait3A_148, %dma_wait3A_154] : memref<16x128xi32, #tpu.memory_space<vmem>> -> memref<1x128xi32, #tpu.memory_space<vmem>>
        %dma_wait3A_156 = tpu.memref_squeeze %dma_wait3A_155 : memref<1x128xi32, #tpu.memory_space<vmem>> -> memref<128xi32, #tpu.memory_space<vmem>>
        %dma_wait3A_157 = arith.constant 0 : i32
        %dma_wait3A_158 = arith.constant 0 : i32
        %dma_wait3A_159 = tpu.memref_slice %arg2[%dma_wait3A_157, %dma_wait3A_158] : memref<10000x128xi32, #tpu.memory_space<hbm>> -> memref<10000x128xi32, #tpu.memory_space<hbm>>
        tpu.wait_indirect_dma semaphore(%arg10 : memref<!tpu.dma_semaphore, #tpu.memory_space<semaphore_mem>>) src(%dma_wait3A_159 : memref<10000x128xi32, #tpu.memory_space<hbm>>) dst(%dma_wait3A_153 : memref<128x128xi32, #tpu.memory_space<vmem>>)
        %dma_start3A_160 = arith.constant 0 : i32
        %dma_start3A_161 = arith.constant 0 : i32
        %dma_start3A_162 = arith.constant 0 : i32
        %dma_start3A_163 = tpu.memref_slice %arg9[%dma_start3A_160, %dma_start3A_161, %dma_start3A_162] : memref<2x128x128xi32, #tpu.memory_space<vmem>> -> memref<1x128x128xi32, #tpu.memory_space<vmem>>
        %dma_start3A_164 = tpu.memref_squeeze %dma_start3A_163 : memref<1x128x128xi32, #tpu.memory_space<vmem>> -> memref<128x128xi32, #tpu.memory_space<vmem>>
        %dma_start3A_165 = arith.constant 0 : i32
        %dma_start3A_166 = tpu.memref_slice %arg8[%add3A_147, %dma_start3A_165] : memref<16x128xi32, #tpu.memory_space<vmem>> -> memref<1x128xi32, #tpu.memory_space<vmem>>
        %dma_start3A_167 = tpu.memref_squeeze %dma_start3A_166 : memref<1x128xi32, #tpu.memory_space<vmem>> -> memref<128xi32, #tpu.memory_space<vmem>>
        %dma_start3A_168 = arith.constant 0 : i32
        %dma_start3A_169 = arith.constant 0 : i32
        %dma_start3A_170 = tpu.memref_slice %arg6[%dma_start3A_168, %dma_start3A_169] : memref<10240x128xi32, #tpu.memory_space<vmem_shared>> -> memref<10240x128xi32, #tpu.memory_space<vmem_shared>>
        tpu.enqueue_indirect_dma source(%dma_start3A_164 : memref<128x128xi32, #tpu.memory_space<vmem>>) target(%dma_start3A_170 : memref<10240x128xi32, #tpu.memory_space<vmem_shared>>) offsets(%dma_start3A_167 : memref<128xi32, #tpu.memory_space<vmem>>) semaphore(%arg12 : memref<!tpu.dma_semaphore, #tpu.memory_space<semaphore_mem>>) {add = true}
        %dma_wait3A_171 = arith.constant 1 : i32
        %dma_wait3A_172 = arith.constant 1 : i32
        %dma_wait3A_173 = arith.constant 0 : i32
        %dma_wait3A_174 = arith.constant 0 : i32
        %dma_wait3A_175 = tpu.memref_slice %arg9[%dma_wait3A_172, %dma_wait3A_173, %dma_wait3A_174] : memref<2x128x128xi32, #tpu.memory_space<vmem>> -> memref<1x128x128xi32, #tpu.memory_space<vmem>>
        %dma_wait3A_176 = tpu.memref_squeeze %dma_wait3A_175 : memref<1x128x128xi32, #tpu.memory_space<vmem>> -> memref<128x128xi32, #tpu.memory_space<vmem>>
        %dma_wait3A_177 = arith.constant 0 : i32
        %dma_wait3A_178 = tpu.memref_slice %arg7[%dma_wait3A_171, %dma_wait3A_177] : memref<16x128xi32, #tpu.memory_space<vmem>> -> memref<1x128xi32, #tpu.memory_space<vmem>>
        %dma_wait3A_179 = tpu.memref_squeeze %dma_wait3A_178 : memref<1x128xi32, #tpu.memory_space<vmem>> -> memref<128xi32, #tpu.memory_space<vmem>>
        %dma_wait3A_180 = arith.constant 0 : i32
        %dma_wait3A_181 = arith.constant 0 : i32
        %dma_wait3A_182 = tpu.memref_slice %arg2[%dma_wait3A_180, %dma_wait3A_181] : memref<10000x128xi32, #tpu.memory_space<hbm>> -> memref<10000x128xi32, #tpu.memory_space<hbm>>
        tpu.wait_indirect_dma semaphore(%arg11 : memref<!tpu.dma_semaphore, #tpu.memory_space<semaphore_mem>>) src(%dma_wait3A_182 : memref<10000x128xi32, #tpu.memory_space<hbm>>) dst(%dma_wait3A_176 : memref<128x128xi32, #tpu.memory_space<vmem>>)
        %add3A_183 = arith.constant 1 : i32
        %add3A_184 = arith.addi %add3A_147, %add3A_183 : i32
        %dma_start3A_185 = arith.constant 1 : i32
        %dma_start3A_186 = arith.constant 0 : i32
        %dma_start3A_187 = arith.constant 0 : i32
        %dma_start3A_188 = tpu.memref_slice %arg9[%dma_start3A_185, %dma_start3A_186, %dma_start3A_187] : memref<2x128x128xi32, #tpu.memory_space<vmem>> -> memref<1x128x128xi32, #tpu.memory_space<vmem>>
        %dma_start3A_189 = tpu.memref_squeeze %dma_start3A_188 : memref<1x128x128xi32, #tpu.memory_space<vmem>> -> memref<128x128xi32, #tpu.memory_space<vmem>>
        %dma_start3A_190 = arith.constant 0 : i32
        %dma_start3A_191 = tpu.memref_slice %arg8[%add3A_184, %dma_start3A_190] : memref<16x128xi32, #tpu.memory_space<vmem>> -> memref<1x128xi32, #tpu.memory_space<vmem>>
        %dma_start3A_192 = tpu.memref_squeeze %dma_start3A_191 : memref<1x128xi32, #tpu.memory_space<vmem>> -> memref<128xi32, #tpu.memory_space<vmem>>
        %dma_start3A_193 = arith.constant 0 : i32
        %dma_start3A_194 = arith.constant 0 : i32
        %dma_start3A_195 = tpu.memref_slice %arg6[%dma_start3A_193, %dma_start3A_194] : memref<10240x128xi32, #tpu.memory_space<vmem_shared>> -> memref<10240x128xi32, #tpu.memory_space<vmem_shared>>
        tpu.enqueue_indirect_dma source(%dma_start3A_189 : memref<128x128xi32, #tpu.memory_space<vmem>>) target(%dma_start3A_195 : memref<10240x128xi32, #tpu.memory_space<vmem_shared>>) offsets(%dma_start3A_192 : memref<128xi32, #tpu.memory_space<vmem>>) semaphore(%arg13 : memref<!tpu.dma_semaphore, #tpu.memory_space<semaphore_mem>>) {add = true}
        %dma_wait3A_196 = arith.constant 0 : i32
        %dma_wait3A_197 = arith.constant 0 : i32
        %dma_wait3A_198 = arith.constant 0 : i32
        %dma_wait3A_199 = arith.constant 0 : i32
        %dma_wait3A_200 = tpu.memref_slice %arg9[%dma_wait3A_196, %dma_wait3A_198, %dma_wait3A_199] : memref<2x128x128xi32, #tpu.memory_space<vmem>> -> memref<1x128x128xi32, #tpu.memory_space<vmem>>
        %dma_wait3A_201 = tpu.memref_squeeze %dma_wait3A_200 : memref<1x128x128xi32, #tpu.memory_space<vmem>> -> memref<128x128xi32, #tpu.memory_space<vmem>>
        %dma_wait3A_202 = arith.constant 0 : i32
        %dma_wait3A_203 = tpu.memref_slice %arg8[%dma_wait3A_197, %dma_wait3A_202] : memref<16x128xi32, #tpu.memory_space<vmem>> -> memref<1x128xi32, #tpu.memory_space<vmem>>
        %dma_wait3A_204 = tpu.memref_squeeze %dma_wait3A_203 : memref<1x128xi32, #tpu.memory_space<vmem>> -> memref<128xi32, #tpu.memory_space<vmem>>
        %dma_wait3A_205 = arith.constant 0 : i32
        %dma_wait3A_206 = arith.constant 0 : i32
        %dma_wait3A_207 = tpu.memref_slice %arg6[%dma_wait3A_205, %dma_wait3A_206] : memref<10240x128xi32, #tpu.memory_space<vmem_shared>> -> memref<10240x128xi32, #tpu.memory_space<vmem_shared>>
        tpu.wait_indirect_dma semaphore(%arg12 : memref<!tpu.dma_semaphore, #tpu.memory_space<semaphore_mem>>) src(%dma_wait3A_201 : memref<128x128xi32, #tpu.memory_space<vmem>>) dst(%dma_wait3A_207 : memref<10240x128xi32, #tpu.memory_space<vmem_shared>>)
        %add3A_208 = arith.constant 2 : i32
        %add3A_209 = arith.addi %add3A_147, %add3A_208 : i32
        %dma_start3A_210 = arith.constant 0 : i32
        %dma_start3A_211 = arith.constant 0 : i32
        %dma_start3A_212 = arith.constant 0 : i32
        %dma_start3A_213 = tpu.memref_slice %arg9[%dma_start3A_210, %dma_start3A_211, %dma_start3A_212] : memref<2x128x128xi32, #tpu.memory_space<vmem>> -> memref<1x128x128xi32, #tpu.memory_space<vmem>>
        %dma_start3A_214 = tpu.memref_squeeze %dma_start3A_213 : memref<1x128x128xi32, #tpu.memory_space<vmem>> -> memref<128x128xi32, #tpu.memory_space<vmem>>
        %dma_start3A_215 = arith.constant 0 : i32
        %dma_start3A_216 = tpu.memref_slice %arg7[%add3A_209, %dma_start3A_215] : memref<16x128xi32, #tpu.memory_space<vmem>> -> memref<1x128xi32, #tpu.memory_space<vmem>>
        %dma_start3A_217 = tpu.memref_squeeze %dma_start3A_216 : memref<1x128xi32, #tpu.memory_space<vmem>> -> memref<128xi32, #tpu.memory_space<vmem>>
        %dma_start3A_218 = arith.constant 0 : i32
        %dma_start3A_219 = arith.constant 0 : i32
        %dma_start3A_220 = tpu.memref_slice %arg2[%dma_start3A_218, %dma_start3A_219] : memref<10000x128xi32, #tpu.memory_space<hbm>> -> memref<10000x128xi32, #tpu.memory_space<hbm>>
        tpu.enqueue_indirect_dma source(%dma_start3A_220 : memref<10000x128xi32, #tpu.memory_space<hbm>>) target(%dma_start3A_214 : memref<128x128xi32, #tpu.memory_space<vmem>>) offsets(%dma_start3A_217 : memref<128xi32, #tpu.memory_space<vmem>>) semaphore(%arg10 : memref<!tpu.dma_semaphore, #tpu.memory_space<semaphore_mem>>)
        %dma_wait3A_221 = arith.constant 1 : i32
        %dma_wait3A_222 = arith.constant 0 : i32
        %dma_wait3A_223 = arith.constant 0 : i32
        %dma_wait3A_224 = arith.constant 0 : i32
        %dma_wait3A_225 = tpu.memref_slice %arg9[%dma_wait3A_221, %dma_wait3A_223, %dma_wait3A_224] : memref<2x128x128xi32, #tpu.memory_space<vmem>> -> memref<1x128x128xi32, #tpu.memory_space<vmem>>
        %dma_wait3A_226 = tpu.memref_squeeze %dma_wait3A_225 : memref<1x128x128xi32, #tpu.memory_space<vmem>> -> memref<128x128xi32, #tpu.memory_space<vmem>>
        %dma_wait3A_227 = arith.constant 0 : i32
        %dma_wait3A_228 = tpu.memref_slice %arg8[%dma_wait3A_222, %dma_wait3A_227] : memref<16x128xi32, #tpu.memory_space<vmem>> -> memref<1x128xi32, #tpu.memory_space<vmem>>
        %dma_wait3A_229 = tpu.memref_squeeze %dma_wait3A_228 : memref<1x128xi32, #tpu.memory_space<vmem>> -> memref<128xi32, #tpu.memory_space<vmem>>
        %dma_wait3A_230 = arith.constant 0 : i32
        %dma_wait3A_231 = arith.constant 0 : i32
        %dma_wait3A_232 = tpu.memref_slice %arg6[%dma_wait3A_230, %dma_wait3A_231] : memref<10240x128xi32, #tpu.memory_space<vmem_shared>> -> memref<10240x128xi32, #tpu.memory_space<vmem_shared>>
        tpu.wait_indirect_dma semaphore(%arg13 : memref<!tpu.dma_semaphore, #tpu.memory_space<semaphore_mem>>) src(%dma_wait3A_226 : memref<128x128xi32, #tpu.memory_space<vmem>>) dst(%dma_wait3A_232 : memref<10240x128xi32, #tpu.memory_space<vmem_shared>>)
        %add3A_233 = arith.constant 3 : i32
        %add3A_234 = arith.addi %add3A_147, %add3A_233 : i32
        %dma_start3A_235 = arith.constant 1 : i32
        %dma_start3A_236 = arith.constant 0 : i32
        %dma_start3A_237 = arith.constant 0 : i32
        %dma_start3A_238 = tpu.memref_slice %arg9[%dma_start3A_235, %dma_start3A_236, %dma_start3A_237] : memref<2x128x128xi32, #tpu.memory_space<vmem>> -> memref<1x128x128xi32, #tpu.memory_space<vmem>>
        %dma_start3A_239 = tpu.memref_squeeze %dma_start3A_238 : memref<1x128x128xi32, #tpu.memory_space<vmem>> -> memref<128x128xi32, #tpu.memory_space<vmem>>
        %dma_start3A_240 = arith.constant 0 : i32
        %dma_start3A_241 = tpu.memref_slice %arg7[%add3A_234, %dma_start3A_240] : memref<16x128xi32, #tpu.memory_space<vmem>> -> memref<1x128xi32, #tpu.memory_space<vmem>>
        %dma_start3A_242 = tpu.memref_squeeze %dma_start3A_241 : memref<1x128xi32, #tpu.memory_space<vmem>> -> memref<128xi32, #tpu.memory_space<vmem>>
        %dma_start3A_243 = arith.constant 0 : i32
        %dma_start3A_244 = arith.constant 0 : i32
        %dma_start3A_245 = tpu.memref_slice %arg2[%dma_start3A_243, %dma_start3A_244] : memref<10000x128xi32, #tpu.memory_space<hbm>> -> memref<10000x128xi32, #tpu.memory_space<hbm>>
        tpu.enqueue_indirect_dma source(%dma_start3A_245 : memref<10000x128xi32, #tpu.memory_space<hbm>>) target(%dma_start3A_239 : memref<128x128xi32, #tpu.memory_space<vmem>>) offsets(%dma_start3A_242 : memref<128xi32, #tpu.memory_space<vmem>>) semaphore(%arg11 : memref<!tpu.dma_semaphore, #tpu.memory_space<semaphore_mem>>)
      }
      %scan3A_71 = arith.constant 7 : i32
      %dma_wait3A = arith.constant 0 : i32
      %dma_wait3A_72 = arith.constant 0 : i32
      %dma_wait3A_73 = arith.constant 0 : i32
      %dma_wait3A_74 = arith.constant 0 : i32
      %dma_wait3A_75 = tpu.memref_slice %arg9[%dma_wait3A_72, %dma_wait3A_73, %dma_wait3A_74] : memref<2x128x128xi32, #tpu.memory_space<vmem>> -> memref<1x128x128xi32, #tpu.memory_space<vmem>>
      %dma_wait3A_76 = tpu.memref_squeeze %dma_wait3A_75 : memref<1x128x128xi32, #tpu.memory_space<vmem>> -> memref<128x128xi32, #tpu.memory_space<vmem>>
      %dma_wait3A_77 = arith.constant 0 : i32
      %dma_wait3A_78 = tpu.memref_slice %arg7[%dma_wait3A, %dma_wait3A_77] : memref<16x128xi32, #tpu.memory_space<vmem>> -> memref<1x128xi32, #tpu.memory_space<vmem>>
      %dma_wait3A_79 = tpu.memref_squeeze %dma_wait3A_78 : memref<1x128xi32, #tpu.memory_space<vmem>> -> memref<128xi32, #tpu.memory_space<vmem>>
      %dma_wait3A_80 = arith.constant 0 : i32
      %dma_wait3A_81 = arith.constant 0 : i32
      %dma_wait3A_82 = tpu.memref_slice %arg2[%dma_wait3A_80, %dma_wait3A_81] : memref<10000x128xi32, #tpu.memory_space<hbm>> -> memref<10000x128xi32, #tpu.memory_space<hbm>>
      tpu.wait_indirect_dma semaphore(%arg10 : memref<!tpu.dma_semaphore, #tpu.memory_space<semaphore_mem>>) src(%dma_wait3A_82 : memref<10000x128xi32, #tpu.memory_space<hbm>>) dst(%dma_wait3A_76 : memref<128x128xi32, #tpu.memory_space<vmem>>)
      %dma_start3A_83 = arith.constant 0 : i32
      %dma_start3A_84 = arith.constant 14 : i32
      %dma_start3A_85 = arith.constant 0 : i32
      %dma_start3A_86 = arith.constant 0 : i32
      %dma_start3A_87 = tpu.memref_slice %arg9[%dma_start3A_83, %dma_start3A_85, %dma_start3A_86] : memref<2x128x128xi32, #tpu.memory_space<vmem>> -> memref<1x128x128xi32, #tpu.memory_space<vmem>>
      %dma_start3A_88 = tpu.memref_squeeze %dma_start3A_87 : memref<1x128x128xi32, #tpu.memory_space<vmem>> -> memref<128x128xi32, #tpu.memory_space<vmem>>
      %dma_start3A_89 = arith.constant 0 : i32
      %dma_start3A_90 = tpu.memref_slice %arg8[%dma_start3A_84, %dma_start3A_89] : memref<16x128xi32, #tpu.memory_space<vmem>> -> memref<1x128xi32, #tpu.memory_space<vmem>>
      %dma_start3A_91 = tpu.memref_squeeze %dma_start3A_90 : memref<1x128xi32, #tpu.memory_space<vmem>> -> memref<128xi32, #tpu.memory_space<vmem>>
      %dma_start3A_92 = arith.constant 0 : i32
      %dma_start3A_93 = arith.constant 0 : i32
      %dma_start3A_94 = tpu.memref_slice %arg6[%dma_start3A_92, %dma_start3A_93] : memref<10240x128xi32, #tpu.memory_space<vmem_shared>> -> memref<10240x128xi32, #tpu.memory_space<vmem_shared>>
      tpu.enqueue_indirect_dma source(%dma_start3A_88 : memref<128x128xi32, #tpu.memory_space<vmem>>) target(%dma_start3A_94 : memref<10240x128xi32, #tpu.memory_space<vmem_shared>>) offsets(%dma_start3A_91 : memref<128xi32, #tpu.memory_space<vmem>>) semaphore(%arg12 : memref<!tpu.dma_semaphore, #tpu.memory_space<semaphore_mem>>) {add = true}
      %dma_wait3A_95 = arith.constant 1 : i32
      %dma_wait3A_96 = arith.constant 1 : i32
      %dma_wait3A_97 = arith.constant 0 : i32
      %dma_wait3A_98 = arith.constant 0 : i32
      %dma_wait3A_99 = tpu.memref_slice %arg9[%dma_wait3A_96, %dma_wait3A_97, %dma_wait3A_98] : memref<2x128x128xi32, #tpu.memory_space<vmem>> -> memref<1x128x128xi32, #tpu.memory_space<vmem>>
      %dma_wait3A_100 = tpu.memref_squeeze %dma_wait3A_99 : memref<1x128x128xi32, #tpu.memory_space<vmem>> -> memref<128x128xi32, #tpu.memory_space<vmem>>
      %dma_wait3A_101 = arith.constant 0 : i32
      %dma_wait3A_102 = tpu.memref_slice %arg7[%dma_wait3A_95, %dma_wait3A_101] : memref<16x128xi32, #tpu.memory_space<vmem>> -> memref<1x128xi32, #tpu.memory_space<vmem>>
      %dma_wait3A_103 = tpu.memref_squeeze %dma_wait3A_102 : memref<1x128xi32, #tpu.memory_space<vmem>> -> memref<128xi32, #tpu.memory_space<vmem>>
      %dma_wait3A_104 = arith.constant 0 : i32
      %dma_wait3A_105 = arith.constant 0 : i32
      %dma_wait3A_106 = tpu.memref_slice %arg2[%dma_wait3A_104, %dma_wait3A_105] : memref<10000x128xi32, #tpu.memory_space<hbm>> -> memref<10000x128xi32, #tpu.memory_space<hbm>>
      tpu.wait_indirect_dma semaphore(%arg11 : memref<!tpu.dma_semaphore, #tpu.memory_space<semaphore_mem>>) src(%dma_wait3A_106 : memref<10000x128xi32, #tpu.memory_space<hbm>>) dst(%dma_wait3A_100 : memref<128x128xi32, #tpu.memory_space<vmem>>)
      %dma_start3A_107 = arith.constant 1 : i32
      %dma_start3A_108 = arith.constant 15 : i32
      %dma_start3A_109 = arith.constant 0 : i32
      %dma_start3A_110 = arith.constant 0 : i32
      %dma_start3A_111 = tpu.memref_slice %arg9[%dma_start3A_107, %dma_start3A_109, %dma_start3A_110] : memref<2x128x128xi32, #tpu.memory_space<vmem>> -> memref<1x128x128xi32, #tpu.memory_space<vmem>>
      %dma_start3A_112 = tpu.memref_squeeze %dma_start3A_111 : memref<1x128x128xi32, #tpu.memory_space<vmem>> -> memref<128x128xi32, #tpu.memory_space<vmem>>
      %dma_start3A_113 = arith.constant 0 : i32
      %dma_start3A_114 = tpu.memref_slice %arg8[%dma_start3A_108, %dma_start3A_113] : memref<16x128xi32, #tpu.memory_space<vmem>> -> memref<1x128xi32, #tpu.memory_space<vmem>>
      %dma_start3A_115 = tpu.memref_squeeze %dma_start3A_114 : memref<1x128xi32, #tpu.memory_space<vmem>> -> memref<128xi32, #tpu.memory_space<vmem>>
      %dma_start3A_116 = arith.constant 0 : i32
      %dma_start3A_117 = arith.constant 0 : i32
      %dma_start3A_118 = tpu.memref_slice %arg6[%dma_start3A_116, %dma_start3A_117] : memref<10240x128xi32, #tpu.memory_space<vmem_shared>> -> memref<10240x128xi32, #tpu.memory_space<vmem_shared>>
      tpu.enqueue_indirect_dma source(%dma_start3A_112 : memref<128x128xi32, #tpu.memory_space<vmem>>) target(%dma_start3A_118 : memref<10240x128xi32, #tpu.memory_space<vmem_shared>>) offsets(%dma_start3A_115 : memref<128xi32, #tpu.memory_space<vmem>>) semaphore(%arg13 : memref<!tpu.dma_semaphore, #tpu.memory_space<semaphore_mem>>) {add = true}
      %dma_wait3A_119 = arith.constant 0 : i32
      %dma_wait3A_120 = arith.constant 0 : i32
      %dma_wait3A_121 = arith.constant 0 : i32
      %dma_wait3A_122 = arith.constant 0 : i32
      %dma_wait3A_123 = tpu.memref_slice %arg9[%dma_wait3A_119, %dma_wait3A_121, %dma_wait3A_122] : memref<2x128x128xi32, #tpu.memory_space<vmem>> -> memref<1x128x128xi32, #tpu.memory_space<vmem>>
      %dma_wait3A_124 = tpu.memref_squeeze %dma_wait3A_123 : memref<1x128x128xi32, #tpu.memory_space<vmem>> -> memref<128x128xi32, #tpu.memory_space<vmem>>
      %dma_wait3A_125 = arith.constant 0 : i32
      %dma_wait3A_126 = tpu.memref_slice %arg8[%dma_wait3A_120, %dma_wait3A_125] : memref<16x128xi32, #tpu.memory_space<vmem>> -> memref<1x128xi32, #tpu.memory_space<vmem>>
      %dma_wait3A_127 = tpu.memref_squeeze %dma_wait3A_126 : memref<1x128xi32, #tpu.memory_space<vmem>> -> memref<128xi32, #tpu.memory_space<vmem>>
      %dma_wait3A_128 = arith.constant 0 : i32
      %dma_wait3A_129 = arith.constant 0 : i32
      %dma_wait3A_130 = tpu.memref_slice %arg6[%dma_wait3A_128, %dma_wait3A_129] : memref<10240x128xi32, #tpu.memory_space<vmem_shared>> -> memref<10240x128xi32, #tpu.memory_space<vmem_shared>>
      tpu.wait_indirect_dma semaphore(%arg12 : memref<!tpu.dma_semaphore, #tpu.memory_space<semaphore_mem>>) src(%dma_wait3A_124 : memref<128x128xi32, #tpu.memory_space<vmem>>) dst(%dma_wait3A_130 : memref<10240x128xi32, #tpu.memory_space<vmem_shared>>)
      %dma_wait3A_131 = arith.constant 1 : i32
      %dma_wait3A_132 = arith.constant 0 : i32
      %dma_wait3A_133 = arith.constant 0 : i32
      %dma_wait3A_134 = arith.constant 0 : i32
      %dma_wait3A_135 = tpu.memref_slice %arg9[%dma_wait3A_131, %dma_wait3A_133, %dma_wait3A_134] : memref<2x128x128xi32, #tpu.memory_space<vmem>> -> memref<1x128x128xi32, #tpu.memory_space<vmem>>
      %dma_wait3A_136 = tpu.memref_squeeze %dma_wait3A_135 : memref<1x128x128xi32, #tpu.memory_space<vmem>> -> memref<128x128xi32, #tpu.memory_space<vmem>>
      %dma_wait3A_137 = arith.constant 0 : i32
      %dma_wait3A_138 = tpu.memref_slice %arg8[%dma_wait3A_132, %dma_wait3A_137] : memref<16x128xi32, #tpu.memory_space<vmem>> -> memref<1x128xi32, #tpu.memory_space<vmem>>
      %dma_wait3A_139 = tpu.memref_squeeze %dma_wait3A_138 : memref<1x128xi32, #tpu.memory_space<vmem>> -> memref<128xi32, #tpu.memory_space<vmem>>
      %dma_wait3A_140 = arith.constant 0 : i32
      %dma_wait3A_141 = arith.constant 0 : i32
      %dma_wait3A_142 = tpu.memref_slice %arg6[%dma_wait3A_140, %dma_wait3A_141] : memref<10240x128xi32, #tpu.memory_space<vmem_shared>> -> memref<10240x128xi32, #tpu.memory_space<vmem_shared>>
      tpu.wait_indirect_dma semaphore(%arg13 : memref<!tpu.dma_semaphore, #tpu.memory_space<semaphore_mem>>) src(%dma_wait3A_136 : memref<128x128xi32, #tpu.memory_space<vmem>>) dst(%dma_wait3A_142 : memref<10240x128xi32, #tpu.memory_space<vmem_shared>>)
    }
    %while3A_36 = arith.constant 1 : i32
    scf.for %while3A_38 = %while3A_34 to %while3A_30 step %while3A_36  : i32 {
      %mul3A_39 = arith.muli %while3A_38, %while3A : i32
      %add3A_40 = arith.addi %while3A_27, %mul3A_39 : i32
      %mul3A_41 = arith.constant 16 : i32
      %mul3A_42 = arith.muli %add3A_40, %mul3A_41 : i32
      %add3A_43 = arith.addi %select_n3A, %mul3A_42 : i32
      "tpu.region"() ({
        %run_scoped3A = tpu.sem_alloc : memref<!tpu.dma_semaphore, #tpu.memory_space<semaphore_mem>>
        %dma_start3A_143 = arith.constant 0 : i32
        %dma_start3A_144 = tpu.memref_slice %arg3[%add3A_43, %dma_start3A_143] : memref<2560x128xi32, #tpu.memory_space<hbm>> -> memref<16x128xi32, #tpu.memory_space<hbm>>
        %dma_start3A_145 = arith.constant 0 : i32
        %dma_start3A_146 = tpu.memref_slice %arg3[%add3A_43, %dma_start3A_145] : memref<2560x128xi32, #tpu.memory_space<hbm>> -> memref<16x128xi32, #tpu.memory_space<hbm>>
        tpu.enqueue_dma source(%dma_start3A_146 : memref<16x128xi32, #tpu.memory_space<hbm>>) target(%arg7 : memref<16x128xi32, #tpu.memory_space<vmem>>) target_semaphore(%run_scoped3A : memref<!tpu.dma_semaphore, #tpu.memory_space<semaphore_mem>>)
        %dma_wait3A_147 = arith.constant 0 : i32
        %dma_wait3A_148 = tpu.memref_slice %arg3[%add3A_43, %dma_wait3A_147] : memref<2560x128xi32, #tpu.memory_space<hbm>> -> memref<16x128xi32, #tpu.memory_space<hbm>>
        %dma_wait3A_149 = arith.constant 0 : i32
        %dma_wait3A_150 = tpu.memref_slice %arg3[%add3A_43, %dma_wait3A_149] : memref<2560x128xi32, #tpu.memory_space<hbm>> -> memref<16x128xi32, #tpu.memory_space<hbm>>
        tpu.wait_dma2 semaphore(%run_scoped3A : memref<!tpu.dma_semaphore, #tpu.memory_space<semaphore_mem>>) src(%dma_wait3A_150 : memref<16x128xi32, #tpu.memory_space<hbm>>) dst(%arg7 : memref<16x128xi32, #tpu.memory_space<vmem>>)
        tpu.yield
      }) : () -> ()
      "tpu.region"() ({
        %run_scoped3A = tpu.sem_alloc : memref<!tpu.dma_semaphore, #tpu.memory_space<semaphore_mem>>
        %dma_start3A_143 = arith.constant 0 : i32
        %dma_start3A_144 = tpu.memref_slice %arg4[%add3A_43, %dma_start3A_143] : memref<2560x128xi32, #tpu.memory_space<hbm>> -> memref<16x128xi32, #tpu.memory_space<hbm>>
        %dma_start3A_145 = arith.constant 0 : i32
        %dma_start3A_146 = tpu.memref_slice %arg4[%add3A_43, %dma_start3A_145] : memref<2560x128xi32, #tpu.memory_space<hbm>> -> memref<16x128xi32, #tpu.memory_space<hbm>>
        tpu.enqueue_dma source(%dma_start3A_146 : memref<16x128xi32, #tpu.memory_space<hbm>>) target(%arg8 : memref<16x128xi32, #tpu.memory_space<vmem>>) target_semaphore(%run_scoped3A : memref<!tpu.dma_semaphore, #tpu.memory_space<semaphore_mem>>)
        %dma_wait3A_147 = arith.constant 0 : i32
        %dma_wait3A_148 = tpu.memref_slice %arg4[%add3A_43, %dma_wait3A_147] : memref<2560x128xi32, #tpu.memory_space<hbm>> -> memref<16x128xi32, #tpu.memory_space<hbm>>
        %dma_wait3A_149 = arith.constant 0 : i32
        %dma_wait3A_150 = tpu.memref_slice %arg4[%add3A_43, %dma_wait3A_149] : memref<2560x128xi32, #tpu.memory_space<hbm>> -> memref<16x128xi32, #tpu.memory_space<hbm>>
        tpu.wait_dma2 semaphore(%run_scoped3A : memref<!tpu.dma_semaphore, #tpu.memory_space<semaphore_mem>>) src(%dma_wait3A_150 : memref<16x128xi32, #tpu.memory_space<hbm>>) dst(%arg8 : memref<16x128xi32, #tpu.memory_space<vmem>>)
        tpu.yield
      }) : () -> ()
      %dma_start3A = arith.constant 0 : i32
      %dma_start3A_44 = arith.constant 0 : i32
      %dma_start3A_45 = arith.constant 0 : i32
      %dma_start3A_46 = arith.constant 0 : i32
      %dma_start3A_47 = tpu.memref_slice %arg9[%dma_start3A_44, %dma_start3A_45, %dma_start3A_46] : memref<2x128x128xi32, #tpu.memory_space<vmem>> -> memref<1x128x128xi32, #tpu.memory_space<vmem>>
      %dma_start3A_48 = tpu.memref_squeeze %dma_start3A_47 : memref<1x128x128xi32, #tpu.memory_space<vmem>> -> memref<128x128xi32, #tpu.memory_space<vmem>>
      %dma_start3A_49 = arith.constant 0 : i32
      %dma_start3A_50 = tpu.memref_slice %arg7[%dma_start3A, %dma_start3A_49] : memref<16x128xi32, #tpu.memory_space<vmem>> -> memref<1x128xi32, #tpu.memory_space<vmem>>
      %dma_start3A_51 = tpu.memref_squeeze %dma_start3A_50 : memref<1x128xi32, #tpu.memory_space<vmem>> -> memref<128xi32, #tpu.memory_space<vmem>>
      %dma_start3A_52 = arith.constant 0 : i32
      %dma_start3A_53 = arith.constant 0 : i32
      %dma_start3A_54 = tpu.memref_slice %arg2[%dma_start3A_52, %dma_start3A_53] : memref<10000x128xi32, #tpu.memory_space<hbm>> -> memref<10000x128xi32, #tpu.memory_space<hbm>>
      tpu.enqueue_indirect_dma source(%dma_start3A_54 : memref<10000x128xi32, #tpu.memory_space<hbm>>) target(%dma_start3A_48 : memref<128x128xi32, #tpu.memory_space<vmem>>) offsets(%dma_start3A_51 : memref<128xi32, #tpu.memory_space<vmem>>) semaphore(%arg10 : memref<!tpu.dma_semaphore, #tpu.memory_space<semaphore_mem>>)
      %dma_start3A_55 = arith.constant 1 : i32
      %dma_start3A_56 = arith.constant 1 : i32
      %dma_start3A_57 = arith.constant 0 : i32
      %dma_start3A_58 = arith.constant 0 : i32
      %dma_start3A_59 = tpu.memref_slice %arg9[%dma_start3A_56, %dma_start3A_57, %dma_start3A_58] : memref<2x128x128xi32, #tpu.memory_space<vmem>> -> memref<1x128x128xi32, #tpu.memory_space<vmem>>
      %dma_start3A_60 = tpu.memref_squeeze %dma_start3A_59 : memref<1x128x128xi32, #tpu.memory_space<vmem>> -> memref<128x128xi32, #tpu.memory_space<vmem>>
      %dma_start3A_61 = arith.constant 0 : i32
      %dma_start3A_62 = tpu.memref_slice %arg7[%dma_start3A_55, %dma_start3A_61] : memref<16x128xi32, #tpu.memory_space<vmem>> -> memref<1x128xi32, #tpu.memory_space<vmem>>
      %dma_start3A_63 = tpu.memref_squeeze %dma_start3A_62 : memref<1x128xi32, #tpu.memory_space<vmem>> -> memref<128xi32, #tpu.memory_space<vmem>>
      %dma_start3A_64 = arith.constant 0 : i32
      %dma_start3A_65 = arith.constant 0 : i32
      %dma_start3A_66 = tpu.memref_slice %arg2[%dma_start3A_64, %dma_start3A_65] : memref<10000x128xi32, #tpu.memory_space<hbm>> -> memref<10000x128xi32, #tpu.memory_space<hbm>>
      tpu.enqueue_indirect_dma source(%dma_start3A_66 : memref<10000x128xi32, #tpu.memory_space<hbm>>) target(%dma_start3A_60 : memref<128x128xi32, #tpu.memory_space<vmem>>) offsets(%dma_start3A_63 : memref<128xi32, #tpu.memory_space<vmem>>) semaphore(%arg11 : memref<!tpu.dma_semaphore, #tpu.memory_space<semaphore_mem>>)
      %scan3A_67 = arith.constant 0 : i32
      %scan3A_68 = arith.constant 7 : i32
      %scan3A_69 = arith.addi %scan3A_67, %scan3A_68 : i32
      %scan3A_70 = arith.constant 1 : i32
      scf.for %scan3A_143 = %scan3A_67 to %scan3A_69 step %scan3A_70  : i32 {
        %mul3A_144 = arith.constant 2 : i32
        %mul3A_145 = arith.muli %scan3A_143, %mul3A_144 : i32
        %add3A_146 = arith.constant 0 : i32
        %add3A_147 = arith.addi %add3A_146, %mul3A_145 : i32
        %dma_wait3A_148 = arith.constant 0 : i32
        %dma_wait3A_149 = arith.constant 0 : i32
        %dma_wait3A_150 = arith.constant 0 : i32
        %dma_wait3A_151 = arith.constant 0 : i32
        %dma_wait3A_152 = tpu.memref_slice %arg9[%dma_wait3A_149, %dma_wait3A_150, %dma_wait3A_151] : memref<2x128x128xi32, #tpu.memory_space<vmem>> -> memref<1x128x128xi32, #tpu.memory_space<vmem>>
        %dma_wait3A_153 = tpu.memref_squeeze %dma_wait3A_152 : memref<1x128x128xi32, #tpu.memory_space<vmem>> -> memref<128x128xi32, #tpu.memory_space<vmem>>
        %dma_wait3A_154 = arith.constant 0 : i32
        %dma_wait3A_155 = tpu.memref_slice %arg7[%dma_wait3A_148, %dma_wait3A_154] : memref<16x128xi32, #tpu.memory_space<vmem>> -> memref<1x128xi32, #tpu.memory_space<vmem>>
        %dma_wait3A_156 = tpu.memref_squeeze %dma_wait3A_155 : memref<1x128xi32, #tpu.memory_space<vmem>> -> memref<128xi32, #tpu.memory_space<vmem>>
        %dma_wait3A_157 = arith.constant 0 : i32
        %dma_wait3A_158 = arith.constant 0 : i32
        %dma_wait3A_159 = tpu.memref_slice %arg2[%dma_wait3A_157, %dma_wait3A_158] : memref<10000x128xi32, #tpu.memory_space<hbm>> -> memref<10000x128xi32, #tpu.memory_space<hbm>>
        tpu.wait_indirect_dma semaphore(%arg10 : memref<!tpu.dma_semaphore, #tpu.memory_space<semaphore_mem>>) src(%dma_wait3A_159 : memref<10000x128xi32, #tpu.memory_space<hbm>>) dst(%dma_wait3A_153 : memref<128x128xi32, #tpu.memory_space<vmem>>)
        %dma_start3A_160 = arith.constant 0 : i32
        %dma_start3A_161 = arith.constant 0 : i32
        %dma_start3A_162 = arith.constant 0 : i32
        %dma_start3A_163 = tpu.memref_slice %arg9[%dma_start3A_160, %dma_start3A_161, %dma_start3A_162] : memref<2x128x128xi32, #tpu.memory_space<vmem>> -> memref<1x128x128xi32, #tpu.memory_space<vmem>>
        %dma_start3A_164 = tpu.memref_squeeze %dma_start3A_163 : memref<1x128x128xi32, #tpu.memory_space<vmem>> -> memref<128x128xi32, #tpu.memory_space<vmem>>
        %dma_start3A_165 = arith.constant 0 : i32
        %dma_start3A_166 = tpu.memref_slice %arg8[%add3A_147, %dma_start3A_165] : memref<16x128xi32, #tpu.memory_space<vmem>> -> memref<1x128xi32, #tpu.memory_space<vmem>>
        %dma_start3A_167 = tpu.memref_squeeze %dma_start3A_166 : memref<1x128xi32, #tpu.memory_space<vmem>> -> memref<128xi32, #tpu.memory_space<vmem>>
        %dma_start3A_168 = arith.constant 0 : i32
        %dma_start3A_169 = arith.constant 0 : i32
        %dma_start3A_170 = tpu.memref_slice %arg6[%dma_start3A_168, %dma_start3A_169] : memref<10240x128xi32, #tpu.memory_space<vmem_shared>> -> memref<10240x128xi32, #tpu.memory_space<vmem_shared>>
        tpu.enqueue_indirect_dma source(%dma_start3A_164 : memref<128x128xi32, #tpu.memory_space<vmem>>) target(%dma_start3A_170 : memref<10240x128xi32, #tpu.memory_space<vmem_shared>>) offsets(%dma_start3A_167 : memref<128xi32, #tpu.memory_space<vmem>>) semaphore(%arg12 : memref<!tpu.dma_semaphore, #tpu.memory_space<semaphore_mem>>) {add = true}
        %dma_wait3A_171 = arith.constant 1 : i32
        %dma_wait3A_172 = arith.constant 1 : i32
        %dma_wait3A_173 = arith.constant 0 : i32
        %dma_wait3A_174 = arith.constant 0 : i32
        %dma_wait3A_175 = tpu.memref_slice %arg9[%dma_wait3A_172, %dma_wait3A_173, %dma_wait3A_174] : memref<2x128x128xi32, #tpu.memory_space<vmem>> -> memref<1x128x128xi32, #tpu.memory_space<vmem>>
        %dma_wait3A_176 = tpu.memref_squeeze %dma_wait3A_175 : memref<1x128x128xi32, #tpu.memory_space<vmem>> -> memref<128x128xi32, #tpu.memory_space<vmem>>
        %dma_wait3A_177 = arith.constant 0 : i32
        %dma_wait3A_178 = tpu.memref_slice %arg7[%dma_wait3A_171, %dma_wait3A_177] : memref<16x128xi32, #tpu.memory_space<vmem>> -> memref<1x128xi32, #tpu.memory_space<vmem>>
        %dma_wait3A_179 = tpu.memref_squeeze %dma_wait3A_178 : memref<1x128xi32, #tpu.memory_space<vmem>> -> memref<128xi32, #tpu.memory_space<vmem>>
        %dma_wait3A_180 = arith.constant 0 : i32
        %dma_wait3A_181 = arith.constant 0 : i32
        %dma_wait3A_182 = tpu.memref_slice %arg2[%dma_wait3A_180, %dma_wait3A_181] : memref<10000x128xi32, #tpu.memory_space<hbm>> -> memref<10000x128xi32, #tpu.memory_space<hbm>>
        tpu.wait_indirect_dma semaphore(%arg11 : memref<!tpu.dma_semaphore, #tpu.memory_space<semaphore_mem>>) src(%dma_wait3A_182 : memref<10000x128xi32, #tpu.memory_space<hbm>>) dst(%dma_wait3A_176 : memref<128x128xi32, #tpu.memory_space<vmem>>)
        %add3A_183 = arith.constant 1 : i32
        %add3A_184 = arith.addi %add3A_147, %add3A_183 : i32
        %dma_start3A_185 = arith.constant 1 : i32
        %dma_start3A_186 = arith.constant 0 : i32
        %dma_start3A_187 = arith.constant 0 : i32
        %dma_start3A_188 = tpu.memref_slice %arg9[%dma_start3A_185, %dma_start3A_186, %dma_start3A_187] : memref<2x128x128xi32, #tpu.memory_space<vmem>> -> memref<1x128x128xi32, #tpu.memory_space<vmem>>
        %dma_start3A_189 = tpu.memref_squeeze %dma_start3A_188 : memref<1x128x128xi32, #tpu.memory_space<vmem>> -> memref<128x128xi32, #tpu.memory_space<vmem>>
        %dma_start3A_190 = arith.constant 0 : i32
        %dma_start3A_191 = tpu.memref_slice %arg8[%add3A_184, %dma_start3A_190] : memref<16x128xi32, #tpu.memory_space<vmem>> -> memref<1x128xi32, #tpu.memory_space<vmem>>
        %dma_start3A_192 = tpu.memref_squeeze %dma_start3A_191 : memref<1x128xi32, #tpu.memory_space<vmem>> -> memref<128xi32, #tpu.memory_space<vmem>>
        %dma_start3A_193 = arith.constant 0 : i32
        %dma_start3A_194 = arith.constant 0 : i32
        %dma_start3A_195 = tpu.memref_slice %arg6[%dma_start3A_193, %dma_start3A_194] : memref<10240x128xi32, #tpu.memory_space<vmem_shared>> -> memref<10240x128xi32, #tpu.memory_space<vmem_shared>>
        tpu.enqueue_indirect_dma source(%dma_start3A_189 : memref<128x128xi32, #tpu.memory_space<vmem>>) target(%dma_start3A_195 : memref<10240x128xi32, #tpu.memory_space<vmem_shared>>) offsets(%dma_start3A_192 : memref<128xi32, #tpu.memory_space<vmem>>) semaphore(%arg13 : memref<!tpu.dma_semaphore, #tpu.memory_space<semaphore_mem>>) {add = true}
        %dma_wait3A_196 = arith.constant 0 : i32
        %dma_wait3A_197 = arith.constant 0 : i32
        %dma_wait3A_198 = arith.constant 0 : i32
        %dma_wait3A_199 = arith.constant 0 : i32
        %dma_wait3A_200 = tpu.memref_slice %arg9[%dma_wait3A_196, %dma_wait3A_198, %dma_wait3A_199] : memref<2x128x128xi32, #tpu.memory_space<vmem>> -> memref<1x128x128xi32, #tpu.memory_space<vmem>>
        %dma_wait3A_201 = tpu.memref_squeeze %dma_wait3A_200 : memref<1x128x128xi32, #tpu.memory_space<vmem>> -> memref<128x128xi32, #tpu.memory_space<vmem>>
        %dma_wait3A_202 = arith.constant 0 : i32
        %dma_wait3A_203 = tpu.memref_slice %arg8[%dma_wait3A_197, %dma_wait3A_202] : memref<16x128xi32, #tpu.memory_space<vmem>> -> memref<1x128xi32, #tpu.memory_space<vmem>>
        %dma_wait3A_204 = tpu.memref_squeeze %dma_wait3A_203 : memref<1x128xi32, #tpu.memory_space<vmem>> -> memref<128xi32, #tpu.memory_space<vmem>>
        %dma_wait3A_205 = arith.constant 0 : i32
        %dma_wait3A_206 = arith.constant 0 : i32
        %dma_wait3A_207 = tpu.memref_slice %arg6[%dma_wait3A_205, %dma_wait3A_206] : memref<10240x128xi32, #tpu.memory_space<vmem_shared>> -> memref<10240x128xi32, #tpu.memory_space<vmem_shared>>
        tpu.wait_indirect_dma semaphore(%arg12 : memref<!tpu.dma_semaphore, #tpu.memory_space<semaphore_mem>>) src(%dma_wait3A_201 : memref<128x128xi32, #tpu.memory_space<vmem>>) dst(%dma_wait3A_207 : memref<10240x128xi32, #tpu.memory_space<vmem_shared>>)
        %add3A_208 = arith.constant 2 : i32
        %add3A_209 = arith.addi %add3A_147, %add3A_208 : i32
        %dma_start3A_210 = arith.constant 0 : i32
        %dma_start3A_211 = arith.constant 0 : i32
        %dma_start3A_212 = arith.constant 0 : i32
        %dma_start3A_213 = tpu.memref_slice %arg9[%dma_start3A_210, %dma_start3A_211, %dma_start3A_212] : memref<2x128x128xi32, #tpu.memory_space<vmem>> -> memref<1x128x128xi32, #tpu.memory_space<vmem>>
        %dma_start3A_214 = tpu.memref_squeeze %dma_start3A_213 : memref<1x128x128xi32, #tpu.memory_space<vmem>> -> memref<128x128xi32, #tpu.memory_space<vmem>>
        %dma_start3A_215 = arith.constant 0 : i32
        %dma_start3A_216 = tpu.memref_slice %arg7[%add3A_209, %dma_start3A_215] : memref<16x128xi32, #tpu.memory_space<vmem>> -> memref<1x128xi32, #tpu.memory_space<vmem>>
        %dma_start3A_217 = tpu.memref_squeeze %dma_start3A_216 : memref<1x128xi32, #tpu.memory_space<vmem>> -> memref<128xi32, #tpu.memory_space<vmem>>
        %dma_start3A_218 = arith.constant 0 : i32
        %dma_start3A_219 = arith.constant 0 : i32
        %dma_start3A_220 = tpu.memref_slice %arg2[%dma_start3A_218, %dma_start3A_219] : memref<10000x128xi32, #tpu.memory_space<hbm>> -> memref<10000x128xi32, #tpu.memory_space<hbm>>
        tpu.enqueue_indirect_dma source(%dma_start3A_220 : memref<10000x128xi32, #tpu.memory_space<hbm>>) target(%dma_start3A_214 : memref<128x128xi32, #tpu.memory_space<vmem>>) offsets(%dma_start3A_217 : memref<128xi32, #tpu.memory_space<vmem>>) semaphore(%arg10 : memref<!tpu.dma_semaphore, #tpu.memory_space<semaphore_mem>>)
        %dma_wait3A_221 = arith.constant 1 : i32
        %dma_wait3A_222 = arith.constant 0 : i32
        %dma_wait3A_223 = arith.constant 0 : i32
        %dma_wait3A_224 = arith.constant 0 : i32
        %dma_wait3A_225 = tpu.memref_slice %arg9[%dma_wait3A_221, %dma_wait3A_223, %dma_wait3A_224] : memref<2x128x128xi32, #tpu.memory_space<vmem>> -> memref<1x128x128xi32, #tpu.memory_space<vmem>>
        %dma_wait3A_226 = tpu.memref_squeeze %dma_wait3A_225 : memref<1x128x128xi32, #tpu.memory_space<vmem>> -> memref<128x128xi32, #tpu.memory_space<vmem>>
        %dma_wait3A_227 = arith.constant 0 : i32
        %dma_wait3A_228 = tpu.memref_slice %arg8[%dma_wait3A_222, %dma_wait3A_227] : memref<16x128xi32, #tpu.memory_space<vmem>> -> memref<1x128xi32, #tpu.memory_space<vmem>>
        %dma_wait3A_229 = tpu.memref_squeeze %dma_wait3A_228 : memref<1x128xi32, #tpu.memory_space<vmem>> -> memref<128xi32, #tpu.memory_space<vmem>>
        %dma_wait3A_230 = arith.constant 0 : i32
        %dma_wait3A_231 = arith.constant 0 : i32
        %dma_wait3A_232 = tpu.memref_slice %arg6[%dma_wait3A_230, %dma_wait3A_231] : memref<10240x128xi32, #tpu.memory_space<vmem_shared>> -> memref<10240x128xi32, #tpu.memory_space<vmem_shared>>
        tpu.wait_indirect_dma semaphore(%arg13 : memref<!tpu.dma_semaphore, #tpu.memory_space<semaphore_mem>>) src(%dma_wait3A_226 : memref<128x128xi32, #tpu.memory_space<vmem>>) dst(%dma_wait3A_232 : memref<10240x128xi32, #tpu.memory_space<vmem_shared>>)
        %add3A_233 = arith.constant 3 : i32
        %add3A_234 = arith.addi %add3A_147, %add3A_233 : i32
        %dma_start3A_235 = arith.constant 1 : i32
        %dma_start3A_236 = arith.constant 0 : i32
        %dma_start3A_237 = arith.constant 0 : i32
        %dma_start3A_238 = tpu.memref_slice %arg9[%dma_start3A_235, %dma_start3A_236, %dma_start3A_237] : memref<2x128x128xi32, #tpu.memory_space<vmem>> -> memref<1x128x128xi32, #tpu.memory_space<vmem>>
        %dma_start3A_239 = tpu.memref_squeeze %dma_start3A_238 : memref<1x128x128xi32, #tpu.memory_space<vmem>> -> memref<128x128xi32, #tpu.memory_space<vmem>>
        %dma_start3A_240 = arith.constant 0 : i32
        %dma_start3A_241 = tpu.memref_slice %arg7[%add3A_234, %dma_start3A_240] : memref<16x128xi32, #tpu.memory_space<vmem>> -> memref<1x128xi32, #tpu.memory_space<vmem>>
        %dma_start3A_242 = tpu.memref_squeeze %dma_start3A_241 : memref<1x128xi32, #tpu.memory_space<vmem>> -> memref<128xi32, #tpu.memory_space<vmem>>
        %dma_start3A_243 = arith.constant 0 : i32
        %dma_start3A_244 = arith.constant 0 : i32
        %dma_start3A_245 = tpu.memref_slice %arg2[%dma_start3A_243, %dma_start3A_244] : memref<10000x128xi32, #tpu.memory_space<hbm>> -> memref<10000x128xi32, #tpu.memory_space<hbm>>
        tpu.enqueue_indirect_dma source(%dma_start3A_245 : memref<10000x128xi32, #tpu.memory_space<hbm>>) target(%dma_start3A_239 : memref<128x128xi32, #tpu.memory_space<vmem>>) offsets(%dma_start3A_242 : memref<128xi32, #tpu.memory_space<vmem>>) semaphore(%arg11 : memref<!tpu.dma_semaphore, #tpu.memory_space<semaphore_mem>>)
      }
      %scan3A_71 = arith.constant 7 : i32
      %dma_wait3A = arith.constant 0 : i32
      %dma_wait3A_72 = arith.constant 0 : i32
      %dma_wait3A_73 = arith.constant 0 : i32
      %dma_wait3A_74 = arith.constant 0 : i32
      %dma_wait3A_75 = tpu.memref_slice %arg9[%dma_wait3A_72, %dma_wait3A_73, %dma_wait3A_74] : memref<2x128x128xi32, #tpu.memory_space<vmem>> -> memref<1x128x128xi32, #tpu.memory_space<vmem>>
      %dma_wait3A_76 = tpu.memref_squeeze %dma_wait3A_75 : memref<1x128x128xi32, #tpu.memory_space<vmem>> -> memref<128x128xi32, #tpu.memory_space<vmem>>
      %dma_wait3A_77 = arith.constant 0 : i32
      %dma_wait3A_78 = tpu.memref_slice %arg7[%dma_wait3A, %dma_wait3A_77] : memref<16x128xi32, #tpu.memory_space<vmem>> -> memref<1x128xi32, #tpu.memory_space<vmem>>
      %dma_wait3A_79 = tpu.memref_squeeze %dma_wait3A_78 : memref<1x128xi32, #tpu.memory_space<vmem>> -> memref<128xi32, #tpu.memory_space<vmem>>
      %dma_wait3A_80 = arith.constant 0 : i32
      %dma_wait3A_81 = arith.constant 0 : i32
      %dma_wait3A_82 = tpu.memref_slice %arg2[%dma_wait3A_80, %dma_wait3A_81] : memref<10000x128xi32, #tpu.memory_space<hbm>> -> memref<10000x128xi32, #tpu.memory_space<hbm>>
      tpu.wait_indirect_dma semaphore(%arg10 : memref<!tpu.dma_semaphore, #tpu.memory_space<semaphore_mem>>) src(%dma_wait3A_82 : memref<10000x128xi32, #tpu.memory_space<hbm>>) dst(%dma_wait3A_76 : memref<128x128xi32, #tpu.memory_space<vmem>>)
      %dma_start3A_83 = arith.constant 0 : i32
      %dma_start3A_84 = arith.constant 14 : i32
      %dma_start3A_85 = arith.constant 0 : i32
      %dma_start3A_86 = arith.constant 0 : i32
      %dma_start3A_87 = tpu.memref_slice %arg9[%dma_start3A_83, %dma_start3A_85, %dma_start3A_86] : memref<2x128x128xi32, #tpu.memory_space<vmem>> -> memref<1x128x128xi32, #tpu.memory_space<vmem>>
      %dma_start3A_88 = tpu.memref_squeeze %dma_start3A_87 : memref<1x128x128xi32, #tpu.memory_space<vmem>> -> memref<128x128xi32, #tpu.memory_space<vmem>>
      %dma_start3A_89 = arith.constant 0 : i32
      %dma_start3A_90 = tpu.memref_slice %arg8[%dma_start3A_84, %dma_start3A_89] : memref<16x128xi32, #tpu.memory_space<vmem>> -> memref<1x128xi32, #tpu.memory_space<vmem>>
      %dma_start3A_91 = tpu.memref_squeeze %dma_start3A_90 : memref<1x128xi32, #tpu.memory_space<vmem>> -> memref<128xi32, #tpu.memory_space<vmem>>
      %dma_start3A_92 = arith.constant 0 : i32
      %dma_start3A_93 = arith.constant 0 : i32
      %dma_start3A_94 = tpu.memref_slice %arg6[%dma_start3A_92, %dma_start3A_93] : memref<10240x128xi32, #tpu.memory_space<vmem_shared>> -> memref<10240x128xi32, #tpu.memory_space<vmem_shared>>
      tpu.enqueue_indirect_dma source(%dma_start3A_88 : memref<128x128xi32, #tpu.memory_space<vmem>>) target(%dma_start3A_94 : memref<10240x128xi32, #tpu.memory_space<vmem_shared>>) offsets(%dma_start3A_91 : memref<128xi32, #tpu.memory_space<vmem>>) semaphore(%arg12 : memref<!tpu.dma_semaphore, #tpu.memory_space<semaphore_mem>>) {add = true}
      %dma_wait3A_95 = arith.constant 1 : i32
      %dma_wait3A_96 = arith.constant 1 : i32
      %dma_wait3A_97 = arith.constant 0 : i32
      %dma_wait3A_98 = arith.constant 0 : i32
      %dma_wait3A_99 = tpu.memref_slice %arg9[%dma_wait3A_96, %dma_wait3A_97, %dma_wait3A_98] : memref<2x128x128xi32, #tpu.memory_space<vmem>> -> memref<1x128x128xi32, #tpu.memory_space<vmem>>
      %dma_wait3A_100 = tpu.memref_squeeze %dma_wait3A_99 : memref<1x128x128xi32, #tpu.memory_space<vmem>> -> memref<128x128xi32, #tpu.memory_space<vmem>>
      %dma_wait3A_101 = arith.constant 0 : i32
      %dma_wait3A_102 = tpu.memref_slice %arg7[%dma_wait3A_95, %dma_wait3A_101] : memref<16x128xi32, #tpu.memory_space<vmem>> -> memref<1x128xi32, #tpu.memory_space<vmem>>
      %dma_wait3A_103 = tpu.memref_squeeze %dma_wait3A_102 : memref<1x128xi32, #tpu.memory_space<vmem>> -> memref<128xi32, #tpu.memory_space<vmem>>
      %dma_wait3A_104 = arith.constant 0 : i32
      %dma_wait3A_105 = arith.constant 0 : i32
      %dma_wait3A_106 = tpu.memref_slice %arg2[%dma_wait3A_104, %dma_wait3A_105] : memref<10000x128xi32, #tpu.memory_space<hbm>> -> memref<10000x128xi32, #tpu.memory_space<hbm>>
      tpu.wait_indirect_dma semaphore(%arg11 : memref<!tpu.dma_semaphore, #tpu.memory_space<semaphore_mem>>) src(%dma_wait3A_106 : memref<10000x128xi32, #tpu.memory_space<hbm>>) dst(%dma_wait3A_100 : memref<128x128xi32, #tpu.memory_space<vmem>>)
      %dma_start3A_107 = arith.constant 1 : i32
      %dma_start3A_108 = arith.constant 15 : i32
      %dma_start3A_109 = arith.constant 0 : i32
      %dma_start3A_110 = arith.constant 0 : i32
      %dma_start3A_111 = tpu.memref_slice %arg9[%dma_start3A_107, %dma_start3A_109, %dma_start3A_110] : memref<2x128x128xi32, #tpu.memory_space<vmem>> -> memref<1x128x128xi32, #tpu.memory_space<vmem>>
      %dma_start3A_112 = tpu.memref_squeeze %dma_start3A_111 : memref<1x128x128xi32, #tpu.memory_space<vmem>> -> memref<128x128xi32, #tpu.memory_space<vmem>>
      %dma_start3A_113 = arith.constant 0 : i32
      %dma_start3A_114 = tpu.memref_slice %arg8[%dma_start3A_108, %dma_start3A_113] : memref<16x128xi32, #tpu.memory_space<vmem>> -> memref<1x128xi32, #tpu.memory_space<vmem>>
      %dma_start3A_115 = tpu.memref_squeeze %dma_start3A_114 : memref<1x128xi32, #tpu.memory_space<vmem>> -> memref<128xi32, #tpu.memory_space<vmem>>
      %dma_start3A_116 = arith.constant 0 : i32
      %dma_start3A_117 = arith.constant 0 : i32
      %dma_start3A_118 = tpu.memref_slice %arg6[%dma_start3A_116, %dma_start3A_117] : memref<10240x128xi32, #tpu.memory_space<vmem_shared>> -> memref<10240x128xi32, #tpu.memory_space<vmem_shared>>
      tpu.enqueue_indirect_dma source(%dma_start3A_112 : memref<128x128xi32, #tpu.memory_space<vmem>>) target(%dma_start3A_118 : memref<10240x128xi32, #tpu.memory_space<vmem_shared>>) offsets(%dma_start3A_115 : memref<128xi32, #tpu.memory_space<vmem>>) semaphore(%arg13 : memref<!tpu.dma_semaphore, #tpu.memory_space<semaphore_mem>>) {add = true}
      %dma_wait3A_119 = arith.constant 0 : i32
      %dma_wait3A_120 = arith.constant 0 : i32
      %dma_wait3A_121 = arith.constant 0 : i32
      %dma_wait3A_122 = arith.constant 0 : i32
      %dma_wait3A_123 = tpu.memref_slice %arg9[%dma_wait3A_119, %dma_wait3A_121, %dma_wait3A_122] : memref<2x128x128xi32, #tpu.memory_space<vmem>> -> memref<1x128x128xi32, #tpu.memory_space<vmem>>
      %dma_wait3A_124 = tpu.memref_squeeze %dma_wait3A_123 : memref<1x128x128xi32, #tpu.memory_space<vmem>> -> memref<128x128xi32, #tpu.memory_space<vmem>>
      %dma_wait3A_125 = arith.constant 0 : i32
      %dma_wait3A_126 = tpu.memref_slice %arg8[%dma_wait3A_120, %dma_wait3A_125] : memref<16x128xi32, #tpu.memory_space<vmem>> -> memref<1x128xi32, #tpu.memory_space<vmem>>
      %dma_wait3A_127 = tpu.memref_squeeze %dma_wait3A_126 : memref<1x128xi32, #tpu.memory_space<vmem>> -> memref<128xi32, #tpu.memory_space<vmem>>
      %dma_wait3A_128 = arith.constant 0 : i32
      %dma_wait3A_129 = arith.constant 0 : i32
      %dma_wait3A_130 = tpu.memref_slice %arg6[%dma_wait3A_128, %dma_wait3A_129] : memref<10240x128xi32, #tpu.memory_space<vmem_shared>> -> memref<10240x128xi32, #tpu.memory_space<vmem_shared>>
      tpu.wait_indirect_dma semaphore(%arg12 : memref<!tpu.dma_semaphore, #tpu.memory_space<semaphore_mem>>) src(%dma_wait3A_124 : memref<128x128xi32, #tpu.memory_space<vmem>>) dst(%dma_wait3A_130 : memref<10240x128xi32, #tpu.memory_space<vmem_shared>>)
      %dma_wait3A_131 = arith.constant 1 : i32
      %dma_wait3A_132 = arith.constant 0 : i32
      %dma_wait3A_133 = arith.constant 0 : i32
      %dma_wait3A_134 = arith.constant 0 : i32
      %dma_wait3A_135 = tpu.memref_slice %arg9[%dma_wait3A_131, %dma_wait3A_133, %dma_wait3A_134] : memref<2x128x128xi32, #tpu.memory_space<vmem>> -> memref<1x128x128xi32, #tpu.memory_space<vmem>>
      %dma_wait3A_136 = tpu.memref_squeeze %dma_wait3A_135 : memref<1x128x128xi32, #tpu.memory_space<vmem>> -> memref<128x128xi32, #tpu.memory_space<vmem>>
      %dma_wait3A_137 = arith.constant 0 : i32
      %dma_wait3A_138 = tpu.memref_slice %arg8[%dma_wait3A_132, %dma_wait3A_137] : memref<16x128xi32, #tpu.memory_space<vmem>> -> memref<1x128xi32, #tpu.memory_space<vmem>>
      %dma_wait3A_139 = tpu.memref_squeeze %dma_wait3A_138 : memref<1x128xi32, #tpu.memory_space<vmem>> -> memref<128xi32, #tpu.memory_space<vmem>>
      %dma_wait3A_140 = arith.constant 0 : i32
      %dma_wait3A_141 = arith.constant 0 : i32
      %dma_wait3A_142 = tpu.memref_slice %arg6[%dma_wait3A_140, %dma_wait3A_141] : memref<10240x128xi32, #tpu.memory_space<vmem_shared>> -> memref<10240x128xi32, #tpu.memory_space<vmem_shared>>
      tpu.wait_indirect_dma semaphore(%arg13 : memref<!tpu.dma_semaphore, #tpu.memory_space<semaphore_mem>>) src(%dma_wait3A_136 : memref<128x128xi32, #tpu.memory_space<vmem>>) dst(%dma_wait3A_142 : memref<10240x128xi32, #tpu.memory_space<vmem_shared>>)
    }
    %barrier3A_37 = arith.constant 0 : index
    tpu.barrier barrier_id(%barrier3A_37)
    "tpu.region"() ({
      %run_scoped3A = tpu.sem_alloc : memref<!tpu.dma_semaphore, #tpu.memory_space<semaphore_mem>>
      %dma_start3A = arith.constant 0 : i32
      %dma_start3A_38 = tpu.memref_slice %arg5[%arg0, %mul3A_10, %dma_start3A] : memref<2x10240x128xi32, #tpu.memory_space<hbm>> -> memref<1x640x128xi32, #tpu.memory_space<hbm>>
      %dma_start3A_39 = tpu.memref_squeeze %dma_start3A_38 : memref<1x640x128xi32, #tpu.memory_space<hbm>> -> memref<640x128xi32, #tpu.memory_space<hbm>>
      %dma_start3A_40 = arith.constant 0 : i32
      %dma_start3A_41 = tpu.memref_slice %arg6[%mul3A_10, %dma_start3A_40] : memref<10240x128xi32, #tpu.memory_space<vmem_shared>> -> memref<640x128xi32, #tpu.memory_space<vmem_shared>>
      tpu.enqueue_dma source(%dma_start3A_41 : memref<640x128xi32, #tpu.memory_space<vmem_shared>>) target(%dma_start3A_39 : memref<640x128xi32, #tpu.memory_space<hbm>>) target_semaphore(%run_scoped3A : memref<!tpu.dma_semaphore, #tpu.memory_space<semaphore_mem>>)
      %dma_wait3A = arith.constant 0 : i32
      %dma_wait3A_42 = tpu.memref_slice %arg5[%arg0, %mul3A_10, %dma_wait3A] : memref<2x10240x128xi32, #tpu.memory_space<hbm>> -> memref<1x640x128xi32, #tpu.memory_space<hbm>>
      %dma_wait3A_43 = tpu.memref_squeeze %dma_wait3A_42 : memref<1x640x128xi32, #tpu.memory_space<hbm>> -> memref<640x128xi32, #tpu.memory_space<hbm>>
      %dma_wait3A_44 = arith.constant 0 : i32
      %dma_wait3A_45 = tpu.memref_slice %arg6[%mul3A_10, %dma_wait3A_44] : memref<10240x128xi32, #tpu.memory_space<vmem_shared>> -> memref<640x128xi32, #tpu.memory_space<vmem_shared>>
      tpu.wait_dma2 semaphore(%run_scoped3A : memref<!tpu.dma_semaphore, #tpu.memory_space<semaphore_mem>>) src(%dma_wait3A_45 : memref<640x128xi32, #tpu.memory_space<vmem_shared>>) dst(%dma_wait3A_43 : memref<640x128xi32, #tpu.memory_space<hbm>>)
      tpu.yield
    }) : () -> ()
    return
  }
}

module attributes {stable_mosaic.version = 14 : i64} {
  func.func @_mlp1_body(%arg0: i32, %arg1: memref<2x1000x128xi32, #tpu.memory_space<vmem>>, %arg2: memref<1000x128xf32, #tpu.memory_space<vmem>>, %arg3: memref<128x128xf32, #tpu.memory_space<vmem>>, %arg4: memref<1x128xf32, #tpu.memory_space<vmem>>, %arg5: memref<128x128xf32, #tpu.memory_space<vmem>>, %arg6: memref<1x128xf32, #tpu.memory_space<vmem>>, %arg7: memref<1000x128xf32, #tpu.memory_space<vmem>>, %arg8: memref<1000x128xi32, #tpu.memory_space<vmem>>) attributes {dimension_semantics = [#tpu.dimension_semantics<arbitrary>], iteration_bounds = array<i64: 10>, scalar_prefetch = 0 : i64, scratch_operands = 0 : i64, tpu.core_type = #tpu.core_type<tc>, window_params = [{transform_indices = @transform_0, window_bounds = array<i64: 2, 1000, 128>}, {transform_indices = @transform_1, window_bounds = array<i64: 1000, 128>}, {pipeline_mode = #tpu.pipeline_mode<synchronous>, transform_indices = @transform_2, window_bounds = array<i64: 128, 128>}, {pipeline_mode = #tpu.pipeline_mode<synchronous>, transform_indices = @transform_3, window_bounds = array<i64: 1, 128>}, {pipeline_mode = #tpu.pipeline_mode<synchronous>, transform_indices = @transform_4, window_bounds = array<i64: 128, 128>}, {pipeline_mode = #tpu.pipeline_mode<synchronous>, transform_indices = @transform_5, window_bounds = array<i64: 1, 128>}, {transform_indices = @transform_6, window_bounds = array<i64: 1000, 128>}, {transform_indices = @transform_7, window_bounds = array<i64: 1000, 128>}]} {
    %get3A = arith.constant 0 : index
    %get3A_0 = arith.constant 0 : index
    %get3A_1 = arith.constant 0 : index
    %get3A_2 = vector.load %arg1[%get3A, %get3A_0, %get3A_1] : memref<2x1000x128xi32, #tpu.memory_space<vmem>>, vector<1x1000x128xi32>
    %get3A_3 = vector.shape_cast %get3A_2 : vector<1x1000x128xi32> to vector<1000x128xi32>
    %get3A_4 = arith.constant 1 : index
    %get3A_5 = arith.constant 0 : index
    %get3A_6 = arith.constant 0 : index
    %get3A_7 = vector.load %arg1[%get3A_4, %get3A_5, %get3A_6] : memref<2x1000x128xi32, #tpu.memory_space<vmem>>, vector<1x1000x128xi32>
    %get3A_8 = vector.shape_cast %get3A_7 : vector<1x1000x128xi32> to vector<1000x128xi32>
    %add3A = arith.addi %get3A_3, %get3A_8 : vector<1000x128xi32>
    %convert_element_type3A = arith.sitofp %add3A : vector<1000x128xi32> to vector<1000x128xf32>
    %mul3A = arith.constant 1.90734863E-6 : f32
    %mul3A_9 = vector.broadcast %mul3A : f32 to vector<1000x128xf32>
    %mul3A_10 = arith.mulf %convert_element_type3A, %mul3A_9 : vector<1000x128xf32>
    %get3A_11 = arith.constant 0 : index
    %get3A_12 = arith.constant 0 : index
    %get3A_13 = vector.load %arg2[%get3A_11, %get3A_12] : memref<1000x128xf32, #tpu.memory_space<vmem>>, vector<1000x128xf32>
    %add3A_14 = arith.addf %mul3A_10, %get3A_13 : vector<1000x128xf32>
    %get3A_15 = arith.constant 0 : index
    %get3A_16 = arith.constant 0 : index
    %get3A_17 = vector.load %arg3[%get3A_15, %get3A_16] : memref<128x128xf32, #tpu.memory_space<vmem>>, vector<128x128xf32>
    %transpose3A = tpu.transpose %get3A_17, [1, 0] : vector<128x128xf32> -> vector<128x128xf32>
    %dot_general3A = arith.constant dense<0.000000e+00> : vector<1000x128xf32>
    %dot_general3A_18 = tpu.matmul %add3A_14, %transpose3A, %dot_general3A {dimension_numbers = #tpu.dot_dimension_numbers<[1], [0], [0], [1], [0, 0, 1, 1], [], []>, transpose_lhs_hint = false} : vector<1000x128xf32>, vector<128x128xf32>, vector<1000x128xf32> -> vector<1000x128xf32>
    %get3A_19 = arith.constant 0 : index
    %get3A_20 = arith.constant 0 : index
    %get3A_21 = vector.load %arg4[%get3A_19, %get3A_20] : memref<1x128xf32, #tpu.memory_space<vmem>>, vector<1x128xf32>
    %add3A_22 = vector.broadcast %get3A_21 : vector<1x128xf32> to vector<1000x128xf32>
    %add3A_23 = arith.addf %dot_general3A_18, %add3A_22 : vector<1000x128xf32>
    %max3A = arith.constant 0.000000e+00 : f32
    %max3A_24 = vector.broadcast %max3A : f32 to vector<1000x128xf32>
    %max3A_25 = arith.maximumf %add3A_23, %max3A_24 : vector<1000x128xf32>
    %get3A_26 = arith.constant 0 : index
    %get3A_27 = arith.constant 0 : index
    %get3A_28 = vector.load %arg5[%get3A_26, %get3A_27] : memref<128x128xf32, #tpu.memory_space<vmem>>, vector<128x128xf32>
    %transpose3A_29 = tpu.transpose %get3A_28, [1, 0] : vector<128x128xf32> -> vector<128x128xf32>
    %dot_general3A_30 = arith.constant dense<0.000000e+00> : vector<1000x128xf32>
    %dot_general3A_31 = tpu.matmul %max3A_25, %transpose3A_29, %dot_general3A_30 {dimension_numbers = #tpu.dot_dimension_numbers<[1], [0], [0], [1], [0, 0, 1, 1], [], []>, transpose_lhs_hint = false} : vector<1000x128xf32>, vector<128x128xf32>, vector<1000x128xf32> -> vector<1000x128xf32>
    %get3A_32 = arith.constant 0 : index
    %get3A_33 = arith.constant 0 : index
    %get3A_34 = vector.load %arg6[%get3A_32, %get3A_33] : memref<1x128xf32, #tpu.memory_space<vmem>>, vector<1x128xf32>
    %add3A_35 = vector.broadcast %get3A_34 : vector<1x128xf32> to vector<1000x128xf32>
    %add3A_36 = arith.addf %dot_general3A_31, %add3A_35 : vector<1000x128xf32>
    %swap3A = arith.constant 0 : index
    %swap3A_37 = arith.constant 0 : index
    %swap3A_38 = vector.load %arg7[%swap3A, %swap3A_37] : memref<1000x128xf32, #tpu.memory_space<vmem>>, vector<1000x128xf32>
    tpu.vector_store %arg7[%swap3A, %swap3A_37], %add3A_36 {strides = array<i32>} : memref<1000x128xf32, #tpu.memory_space<vmem>>, vector<1000x128xf32>,
    %mul3A_39 = arith.constant 1.310720e+05 : f32
    %mul3A_40 = vector.broadcast %mul3A_39 : f32 to vector<1000x128xf32>
    %mul3A_41 = arith.mulf %add3A_36, %mul3A_40 : vector<1000x128xf32>
    %round3A = math.roundeven %mul3A_41 : vector<1000x128xf32>
    %convert_element_type3A_42 = arith.fptosi %round3A : vector<1000x128xf32> to vector<1000x128xi32>
    %swap3A_43 = arith.constant 0 : index
    %swap3A_44 = arith.constant 0 : index
    %swap3A_45 = vector.load %arg8[%swap3A_43, %swap3A_44] : memref<1000x128xi32, #tpu.memory_space<vmem>>, vector<1000x128xi32>
    tpu.vector_store %arg8[%swap3A_43, %swap3A_44], %convert_element_type3A_42 {strides = array<i32>} : memref<1000x128xi32, #tpu.memory_space<vmem>>, vector<1000x128xi32>,
    return
  }
  func.func @transform_0(%arg0: i32) -> (i32, i32, i32) {
    %c0_i32 = arith.constant 0 : i32
    %c0_i32_0 = arith.constant 0 : i32
    %c0_i32_1 = arith.constant 0 : i32
    return %c0_i32, %arg0, %c0_i32_0 : i32, i32, i32
  }
  func.func @transform_1(%arg0: i32) -> (i32, i32) {
    %c0_i32 = arith.constant 0 : i32
    %c0_i32_0 = arith.constant 0 : i32
    return %arg0, %c0_i32 : i32, i32
  }
  func.func @transform_2(%arg0: i32) -> (i32, i32) {
    %c0_i32 = arith.constant 0 : i32
    %c0_i32_0 = arith.constant 0 : i32
    %c0_i32_1 = arith.constant 0 : i32
    return %c0_i32, %c0_i32_0 : i32, i32
  }
  func.func @transform_3(%arg0: i32) -> (i32, i32) {
    %c0_i32 = arith.constant 0 : i32
    %c0_i32_0 = arith.constant 0 : i32
    %c0_i32_1 = arith.constant 0 : i32
    return %c0_i32, %c0_i32_0 : i32, i32
  }
  func.func @transform_4(%arg0: i32) -> (i32, i32) {
    %c0_i32 = arith.constant 0 : i32
    %c0_i32_0 = arith.constant 0 : i32
    %c0_i32_1 = arith.constant 0 : i32
    return %c0_i32, %c0_i32_0 : i32, i32
  }
  func.func @transform_5(%arg0: i32) -> (i32, i32) {
    %c0_i32 = arith.constant 0 : i32
    %c0_i32_0 = arith.constant 0 : i32
    %c0_i32_1 = arith.constant 0 : i32
    return %c0_i32, %c0_i32_0 : i32, i32
  }
  func.func @transform_6(%arg0: i32) -> (i32, i32) {
    %c0_i32 = arith.constant 0 : i32
    %c0_i32_0 = arith.constant 0 : i32
    return %arg0, %c0_i32 : i32, i32
  }
  func.func @transform_7(%arg0: i32) -> (i32, i32) {
    %c0_i32 = arith.constant 0 : i32
    %c0_i32_0 = arith.constant 0 : i32
    return %arg0, %c0_i32 : i32, i32
  }
}

module attributes {stable_mosaic.version = 14 : i64} {
  func.func @_mlp2_body(%arg0: i32, %arg1: memref<2x1000x128xi32, #tpu.memory_space<vmem>>, %arg2: memref<1000x128xf32, #tpu.memory_space<vmem>>, %arg3: memref<1x1x1000xi32, #tpu.memory_space<vmem>>, %arg4: memref<128x128xf32, #tpu.memory_space<vmem>>, %arg5: memref<1x128xf32, #tpu.memory_space<vmem>>, %arg6: memref<128x128xf32, #tpu.memory_space<vmem>>, %arg7: memref<1x128xf32, #tpu.memory_space<vmem>>, %arg8: memref<128x128xf32, #tpu.memory_space<vmem>>, %arg9: memref<1x128xf32, #tpu.memory_space<vmem>>, %arg10: memref<1x128xf32, #tpu.memory_space<vmem>>, %arg11: memref<1x128xf32, #tpu.memory_space<vmem>>, %arg12: memref<64x128xf32, #tpu.memory_space<vmem>>, %arg13: memref<64x128xf32, #tpu.memory_space<vmem>>, %arg14: memref<64x128xf32, #tpu.memory_space<vmem>>) attributes {dimension_semantics = [#tpu.dimension_semantics<arbitrary>], iteration_bounds = array<i64: 10>, scalar_prefetch = 0 : i64, scratch_operands = 2 : i64, tpu.core_type = #tpu.core_type<tc>, window_params = [{transform_indices = @transform_0, window_bounds = array<i64: 2, 1000, 128>}, {transform_indices = @transform_1, window_bounds = array<i64: 1000, 128>}, {transform_indices = @transform_2, window_bounds = array<i64: 1, 1, 1000>}, {pipeline_mode = #tpu.pipeline_mode<synchronous>, transform_indices = @transform_3, window_bounds = array<i64: 128, 128>}, {pipeline_mode = #tpu.pipeline_mode<synchronous>, transform_indices = @transform_4, window_bounds = array<i64: 1, 128>}, {pipeline_mode = #tpu.pipeline_mode<synchronous>, transform_indices = @transform_5, window_bounds = array<i64: 128, 128>}, {pipeline_mode = #tpu.pipeline_mode<synchronous>, transform_indices = @transform_6, window_bounds = array<i64: 1, 128>}, {pipeline_mode = #tpu.pipeline_mode<synchronous>, transform_indices = @transform_7, window_bounds = array<i64: 128, 128>}, {pipeline_mode = #tpu.pipeline_mode<synchronous>, transform_indices = @transform_8, window_bounds = array<i64: 1, 128>}, {pipeline_mode = #tpu.pipeline_mode<synchronous>, transform_indices = @transform_9, window_bounds = array<i64: 1, 128>}, {pipeline_mode = #tpu.pipeline_mode<synchronous>, transform_indices = @transform_10, window_bounds = array<i64: 1, 128>}, {pipeline_mode = #tpu.pipeline_mode<synchronous>, transform_indices = @transform_11, window_bounds = array<i64: 64, 128>}]} {
    %get3A = arith.constant 0 : index
    %get3A_0 = arith.constant 0 : index
    %get3A_1 = arith.constant 0 : index
    %get3A_2 = vector.load %arg1[%get3A, %get3A_0, %get3A_1] : memref<2x1000x128xi32, #tpu.memory_space<vmem>>, vector<1x1000x128xi32>
    %get3A_3 = vector.shape_cast %get3A_2 : vector<1x1000x128xi32> to vector<1000x128xi32>
    %get3A_4 = arith.constant 1 : index
    %get3A_5 = arith.constant 0 : index
    %get3A_6 = arith.constant 0 : index
    %get3A_7 = vector.load %arg1[%get3A_4, %get3A_5, %get3A_6] : memref<2x1000x128xi32, #tpu.memory_space<vmem>>, vector<1x1000x128xi32>
    %get3A_8 = vector.shape_cast %get3A_7 : vector<1x1000x128xi32> to vector<1000x128xi32>
    %add3A = arith.addi %get3A_3, %get3A_8 : vector<1000x128xi32>
    %convert_element_type3A = arith.sitofp %add3A : vector<1000x128xi32> to vector<1000x128xf32>
    %mul3A = arith.constant 7.62939453E-6 : f32
    %mul3A_9 = vector.broadcast %mul3A : f32 to vector<1000x128xf32>
    %mul3A_10 = arith.mulf %convert_element_type3A, %mul3A_9 : vector<1000x128xf32>
    %get3A_11 = arith.constant 0 : index
    %get3A_12 = arith.constant 0 : index
    %get3A_13 = vector.load %arg2[%get3A_11, %get3A_12] : memref<1000x128xf32, #tpu.memory_space<vmem>>, vector<1000x128xf32>
    %add3A_14 = arith.addf %mul3A_10, %get3A_13 : vector<1000x128xf32>
    %get3A_15 = arith.constant 0 : index
    %get3A_16 = arith.constant 0 : index
    %get3A_17 = vector.load %arg4[%get3A_15, %get3A_16] : memref<128x128xf32, #tpu.memory_space<vmem>>, vector<128x128xf32>
    %transpose3A = tpu.transpose %get3A_17, [1, 0] : vector<128x128xf32> -> vector<128x128xf32>
    %dot_general3A = arith.constant dense<0.000000e+00> : vector<1000x128xf32>
    %dot_general3A_18 = tpu.matmul %add3A_14, %transpose3A, %dot_general3A {dimension_numbers = #tpu.dot_dimension_numbers<[1], [0], [0], [1], [0, 0, 1, 1], [], []>, transpose_lhs_hint = false} : vector<1000x128xf32>, vector<128x128xf32>, vector<1000x128xf32> -> vector<1000x128xf32>
    %get3A_19 = arith.constant 0 : index
    %get3A_20 = arith.constant 0 : index
    %get3A_21 = vector.load %arg5[%get3A_19, %get3A_20] : memref<1x128xf32, #tpu.memory_space<vmem>>, vector<1x128xf32>
    %add3A_22 = vector.broadcast %get3A_21 : vector<1x128xf32> to vector<1000x128xf32>
    %add3A_23 = arith.addf %dot_general3A_18, %add3A_22 : vector<1000x128xf32>
    %max3A = arith.constant 0.000000e+00 : f32
    %max3A_24 = vector.broadcast %max3A : f32 to vector<1000x128xf32>
    %max3A_25 = arith.maximumf %add3A_23, %max3A_24 : vector<1000x128xf32>
    %get3A_26 = arith.constant 0 : index
    %get3A_27 = arith.constant 0 : index
    %get3A_28 = vector.load %arg6[%get3A_26, %get3A_27] : memref<128x128xf32, #tpu.memory_space<vmem>>, vector<128x128xf32>
    %transpose3A_29 = tpu.transpose %get3A_28, [1, 0] : vector<128x128xf32> -> vector<128x128xf32>
    %dot_general3A_30 = arith.constant dense<0.000000e+00> : vector<1000x128xf32>
    %dot_general3A_31 = tpu.matmul %max3A_25, %transpose3A_29, %dot_general3A_30 {dimension_numbers = #tpu.dot_dimension_numbers<[1], [0], [0], [1], [0, 0, 1, 1], [], []>, transpose_lhs_hint = false} : vector<1000x128xf32>, vector<128x128xf32>, vector<1000x128xf32> -> vector<1000x128xf32>
    %get3A_32 = arith.constant 0 : index
    %get3A_33 = arith.constant 0 : index
    %get3A_34 = vector.load %arg7[%get3A_32, %get3A_33] : memref<1x128xf32, #tpu.memory_space<vmem>>, vector<1x128xf32>
    %add3A_35 = vector.broadcast %get3A_34 : vector<1x128xf32> to vector<1000x128xf32>
    %add3A_36 = arith.addf %dot_general3A_31, %add3A_35 : vector<1000x128xf32>
    %get3A_37 = arith.constant 0 : index
    %get3A_38 = arith.constant 0 : index
    %get3A_39 = arith.constant 0 : index
    %get3A_40 = vector.load %arg3[%get3A_37, %get3A_38, %get3A_39] : memref<1x1x1000xi32, #tpu.memory_space<vmem>>, vector<1x1x1000xi32>
    %get3A_41 = vector.shape_cast %get3A_40 : vector<1x1x1000xi32> to vector<1x1000xi32>
    %iota3A = tpu.iota {dimensions = array<i32: 0>} : vector<64x1000xi32>
    %eq3A = vector.broadcast %get3A_41 : vector<1x1000xi32> to vector<64x1000xi32>
    %eq3A_42 = arith.cmpi eq, %eq3A, %iota3A : vector<64x1000xi32>
    %jit3A = arith.constant 1.000000e+00 : f32
    %jit3A_43 = arith.constant 0.000000e+00 : f32
    %broadcast_in_dim3A = vector.broadcast %jit3A : f32 to vector<64x1000xf32>
    %broadcast_in_dim3A_44 = vector.broadcast %jit3A_43 : f32 to vector<64x1000xf32>
    %select_n3A = arith.select %eq3A_42, %broadcast_in_dim3A, %broadcast_in_dim3A_44 : vector<64x1000xi1>, vector<64x1000xf32>
    %eq3A_45 = arith.constant 0 : i32
    %eq3A_46 = arith.cmpi eq, %arg0, %eq3A_45 : i32
    %convert_element_type3A_47 = arith.extui %eq3A_46 : i1 to i32
    %cond3A = arith.constant 0 : i32
    %cond3A_48 = arith.cmpi ne, %convert_element_type3A_47, %cond3A : i32
    scf.if %cond3A_48 {
      %broadcast_in_dim3A_73 = arith.constant 0.000000e+00 : f32
      %broadcast_in_dim3A_74 = vector.broadcast %broadcast_in_dim3A_73 : f32 to vector<64x128xf32>
      %swap3A_75 = arith.constant 0 : index
      %swap3A_76 = arith.constant 0 : index
      %swap3A_77 = vector.load %arg13[%swap3A_75, %swap3A_76] : memref<64x128xf32, #tpu.memory_space<vmem>>, vector<64x128xf32>
      tpu.vector_store %arg13[%swap3A_75, %swap3A_76], %broadcast_in_dim3A_74 {strides = array<i32>} : memref<64x128xf32, #tpu.memory_space<vmem>>, vector<64x128xf32>,
      %broadcast_in_dim3A_78 = arith.constant 0.000000e+00 : f32
      %broadcast_in_dim3A_79 = vector.broadcast %broadcast_in_dim3A_78 : f32 to vector<64x128xf32>
      %swap3A_80 = arith.constant 0 : index
      %swap3A_81 = arith.constant 0 : index
      %swap3A_82 = vector.load %arg14[%swap3A_80, %swap3A_81] : memref<64x128xf32, #tpu.memory_space<vmem>>, vector<64x128xf32>
      tpu.vector_store %arg14[%swap3A_80, %swap3A_81], %broadcast_in_dim3A_79 {strides = array<i32>} : memref<64x128xf32, #tpu.memory_space<vmem>>, vector<64x128xf32>,
    } else {
    }
    %get3A_49 = arith.constant 0 : index
    %get3A_50 = arith.constant 0 : index
    %get3A_51 = vector.load %arg13[%get3A_49, %get3A_50] : memref<64x128xf32, #tpu.memory_space<vmem>>, vector<64x128xf32>
    %dot_general3A_52 = arith.constant dense<0.000000e+00> : vector<64x128xf32>
    %dot_general3A_53 = tpu.matmul %select_n3A, %add3A_36, %dot_general3A_52 {dimension_numbers = #tpu.dot_dimension_numbers<[1], [0], [0], [1], [0, 0, 1, 1], [], []>, transpose_lhs_hint = false} : vector<64x1000xf32>, vector<1000x128xf32>, vector<64x128xf32> -> vector<64x128xf32>
    %add3A_54 = arith.addf %get3A_51, %dot_general3A_53 : vector<64x128xf32>
    %swap3A = arith.constant 0 : index
    %swap3A_55 = arith.constant 0 : index
    %swap3A_56 = vector.load %arg13[%swap3A, %swap3A_55] : memref<64x128xf32, #tpu.memory_space<vmem>>, vector<64x128xf32>
    tpu.vector_store %arg13[%swap3A, %swap3A_55], %add3A_54 {strides = array<i32>} : memref<64x128xf32, #tpu.memory_space<vmem>>, vector<64x128xf32>,
    %reduce_sum3A = arith.constant dense<0.000000e+00> : vector<64xf32>
    %reduce_sum3A_57 = vector.multi_reduction <add>, %select_n3A, %reduce_sum3A [1] : vector<64x1000xf32> to vector<64xf32>
    %broadcast_in_dim3A_58 = vector.shape_cast %reduce_sum3A_57 : vector<64xf32> to vector<64x1xf32>
    %get3A_59 = arith.constant 0 : index
    %get3A_60 = arith.constant 0 : index
    %get3A_61 = vector.load %arg14[%get3A_59, %get3A_60] : memref<64x128xf32, #tpu.memory_space<vmem>>, vector<64x128xf32>
    %broadcast_in_dim3A_62 = vector.shape_cast %broadcast_in_dim3A_58 : vector<64x1xf32> to vector<64x1xf32>
    %broadcast_in_dim3A_63 = vector.broadcast %broadcast_in_dim3A_62 : vector<64x1xf32> to vector<64x128xf32>
    %add3A_64 = arith.addf %get3A_61, %broadcast_in_dim3A_63 : vector<64x128xf32>
    %swap3A_65 = arith.constant 0 : index
    %swap3A_66 = arith.constant 0 : index
    %swap3A_67 = vector.load %arg14[%swap3A_65, %swap3A_66] : memref<64x128xf32, #tpu.memory_space<vmem>>, vector<64x128xf32>
    tpu.vector_store %arg14[%swap3A_65, %swap3A_66], %add3A_64 {strides = array<i32>} : memref<64x128xf32, #tpu.memory_space<vmem>>, vector<64x128xf32>,
    %eq3A_68 = arith.constant 9 : i32
    %eq3A_69 = arith.cmpi eq, %arg0, %eq3A_68 : i32
    %convert_element_type3A_70 = arith.extui %eq3A_69 : i1 to i32
    %cond3A_71 = arith.constant 0 : i32
    %cond3A_72 = arith.cmpi ne, %convert_element_type3A_70, %cond3A_71 : i32
    scf.if %cond3A_72 {
      %get3A_73 = arith.constant 0 : index
      %get3A_74 = arith.constant 0 : index
      %get3A_75 = vector.load %arg13[%get3A_73, %get3A_74] : memref<64x128xf32, #tpu.memory_space<vmem>>, vector<64x128xf32>
      %get3A_76 = arith.constant 0 : index
      %get3A_77 = arith.constant 0 : index
      %get3A_78 = vector.load %arg14[%get3A_76, %get3A_77] : memref<64x128xf32, #tpu.memory_space<vmem>>, vector<64x128xf32>
      %max3A_79 = arith.constant 1.000000e+00 : f32
      %max3A_80 = vector.broadcast %max3A_79 : f32 to vector<64x128xf32>
      %max3A_81 = arith.maximumf %get3A_78, %max3A_80 : vector<64x128xf32>
      %div3A = arith.divf %get3A_75, %max3A_81 : vector<64x128xf32>
      %get3A_82 = arith.constant 0 : index
      %get3A_83 = arith.constant 0 : index
      %get3A_84 = vector.load %arg8[%get3A_82, %get3A_83] : memref<128x128xf32, #tpu.memory_space<vmem>>, vector<128x128xf32>
      %transpose3A_85 = tpu.transpose %get3A_84, [1, 0] : vector<128x128xf32> -> vector<128x128xf32>
      %dot_general3A_86 = arith.constant dense<0.000000e+00> : vector<64x128xf32>
      %dot_general3A_87 = tpu.matmul %div3A, %transpose3A_85, %dot_general3A_86 {dimension_numbers = #tpu.dot_dimension_numbers<[1], [0], [0], [1], [0, 0, 1, 1], [], []>, transpose_lhs_hint = false} : vector<64x128xf32>, vector<128x128xf32>, vector<64x128xf32> -> vector<64x128xf32>
      %get3A_88 = arith.constant 0 : index
      %get3A_89 = arith.constant 0 : index
      %get3A_90 = vector.load %arg9[%get3A_88, %get3A_89] : memref<1x128xf32, #tpu.memory_space<vmem>>, vector<1x128xf32>
      %add3A_91 = vector.broadcast %get3A_90 : vector<1x128xf32> to vector<64x128xf32>
      %add3A_92 = arith.addf %dot_general3A_87, %add3A_91 : vector<64x128xf32>
      %max3A_93 = arith.constant 0.000000e+00 : f32
      %max3A_94 = vector.broadcast %max3A_93 : f32 to vector<64x128xf32>
      %max3A_95 = arith.maximumf %add3A_92, %max3A_94 : vector<64x128xf32>
      %get3A_96 = arith.constant 0 : index
      %get3A_97 = arith.constant 0 : index
      %get3A_98 = vector.load %arg10[%get3A_96, %get3A_97] : memref<1x128xf32, #tpu.memory_space<vmem>>, vector<1x128xf32>
      %transpose3A_99 = tpu.transpose %get3A_98, [1, 0] : vector<1x128xf32> -> vector<128x1xf32>
      %dot_general3A_100 = arith.constant dense<0.000000e+00> : vector<64x1xf32>
      %dot_general3A_101 = tpu.matmul %max3A_95, %transpose3A_99, %dot_general3A_100 {dimension_numbers = #tpu.dot_dimension_numbers<[1], [0], [0], [1], [0, 0, 1, 1], [], []>, transpose_lhs_hint = false} : vector<64x128xf32>, vector<128x1xf32>, vector<64x1xf32> -> vector<64x1xf32>
      %broadcast_in_dim3A_102 = vector.shape_cast %dot_general3A_101 : vector<64x1xf32> to vector<64x1xf32>
      %broadcast_in_dim3A_103 = vector.broadcast %broadcast_in_dim3A_102 : vector<64x1xf32> to vector<64x128xf32>
      %get3A_104 = arith.constant 0 : index
      %get3A_105 = arith.constant 0 : index
      %get3A_106 = vector.load %arg11[%get3A_104, %get3A_105] : memref<1x128xf32, #tpu.memory_space<vmem>>, vector<1x128xf32>
      %add3A_107 = vector.broadcast %get3A_106 : vector<1x128xf32> to vector<64x128xf32>
      %add3A_108 = arith.addf %broadcast_in_dim3A_103, %add3A_107 : vector<64x128xf32>
      %swap3A_109 = arith.constant 0 : index
      %swap3A_110 = arith.constant 0 : index
      %swap3A_111 = vector.load %arg12[%swap3A_109, %swap3A_110] : memref<64x128xf32, #tpu.memory_space<vmem>>, vector<64x128xf32>
      tpu.vector_store %arg12[%swap3A_109, %swap3A_110], %add3A_108 {strides = array<i32>} : memref<64x128xf32, #tpu.memory_space<vmem>>, vector<64x128xf32>,
    } else {
    }
    return
  }
  func.func @transform_0(%arg0: i32) -> (i32, i32, i32) {
    %c0_i32 = arith.constant 0 : i32
    %c0_i32_0 = arith.constant 0 : i32
    %c0_i32_1 = arith.constant 0 : i32
    return %c0_i32, %arg0, %c0_i32_0 : i32, i32, i32
  }
  func.func @transform_1(%arg0: i32) -> (i32, i32) {
    %c0_i32 = arith.constant 0 : i32
    %c0_i32_0 = arith.constant 0 : i32
    return %arg0, %c0_i32 : i32, i32
  }
  func.func @transform_2(%arg0: i32) -> (i32, i32, i32) {
    %c0_i32 = arith.constant 0 : i32
    %c0_i32_0 = arith.constant 0 : i32
    %c0_i32_1 = arith.constant 0 : i32
    return %arg0, %c0_i32, %c0_i32_0 : i32, i32, i32
  }
  func.func @transform_3(%arg0: i32) -> (i32, i32) {
    %c0_i32 = arith.constant 0 : i32
    %c0_i32_0 = arith.constant 0 : i32
    %c0_i32_1 = arith.constant 0 : i32
    return %c0_i32, %c0_i32_0 : i32, i32
  }
  func.func @transform_4(%arg0: i32) -> (i32, i32) {
    %c0_i32 = arith.constant 0 : i32
    %c0_i32_0 = arith.constant 0 : i32
    %c0_i32_1 = arith.constant 0 : i32
    return %c0_i32, %c0_i32_0 : i32, i32
  }
  func.func @transform_5(%arg0: i32) -> (i32, i32) {
    %c0_i32 = arith.constant 0 : i32
    %c0_i32_0 = arith.constant 0 : i32
    %c0_i32_1 = arith.constant 0 : i32
    return %c0_i32, %c0_i32_0 : i32, i32
  }
  func.func @transform_6(%arg0: i32) -> (i32, i32) {
    %c0_i32 = arith.constant 0 : i32
    %c0_i32_0 = arith.constant 0 : i32
    %c0_i32_1 = arith.constant 0 : i32
    return %c0_i32, %c0_i32_0 : i32, i32
  }
  func.func @transform_7(%arg0: i32) -> (i32, i32) {
    %c0_i32 = arith.constant 0 : i32
    %c0_i32_0 = arith.constant 0 : i32
    %c0_i32_1 = arith.constant 0 : i32
    return %c0_i32, %c0_i32_0 : i32, i32
  }
  func.func @transform_8(%arg0: i32) -> (i32, i32) {
    %c0_i32 = arith.constant 0 : i32
    %c0_i32_0 = arith.constant 0 : i32
    %c0_i32_1 = arith.constant 0 : i32
    return %c0_i32, %c0_i32_0 : i32, i32
  }
  func.func @transform_9(%arg0: i32) -> (i32, i32) {
    %c0_i32 = arith.constant 0 : i32
    %c0_i32_0 = arith.constant 0 : i32
    %c0_i32_1 = arith.constant 0 : i32
    return %c0_i32, %c0_i32_0 : i32, i32
  }
  func.func @transform_10(%arg0: i32) -> (i32, i32) {
    %c0_i32 = arith.constant 0 : i32
    %c0_i32_0 = arith.constant 0 : i32
    %c0_i32_1 = arith.constant 0 : i32
    return %c0_i32, %c0_i32_0 : i32, i32
  }
  func.func @transform_11(%arg0: i32) -> (i32, i32) {
    %c0_i32 = arith.constant 0 : i32
    %c0_i32_0 = arith.constant 0 : i32
    %c0_i32_1 = arith.constant 0 : i32
    return %c0_i32, %c0_i32_0 : i32, i32
  }
}

</mosaic_0001>

<sc_bundles>
// kernel: gather_offload_async_start.1
scs
__scs_entry_jumppad:
0x0: {  	(pc) =	sbr.rel $0x88, $3  }
0x1: {  	(tag) =	ssettag $0x0;
	lr =	simm.s32 $0x1  }
0x2: {  	[smem:$0x3F92] =	sst lr;
	_ =	strace $0xD0000000  }
0x3: {  	_ = 	snop  }
0x4: {  	_ = 	snop  }
0x5: {  	_ = 	snop  }
0x6: {  	_ = 	snop  }
0x7: {  	_ = 	snop  }
__scs_overlays_trampoline_lowered:
0x8: {  	[smem:$0x3FA1] =	sst s0  }
0x9: {  	[smem:$0x3FA2] =	sst s1  }
0xa: {  	[smem:$0x3FA3] =	sst s2  }
0xb: {  	[smem:$0x3FA4] =	sst s3  }
0xc: {  	[smem:$0x3FA5] =	sst s4  }
0xd: {  	[smem:$0x3FA6] =	sst s5  }
0xe: {  	[smem:$0x3FA7] =	sst s6  }
0xf: {  	[smem:$0x3FA8] =	sst s7  }
0x10: {  	[smem:$0x3FA9] =	sst s8  }
0x11: {  	[smem:$0x3FAA] =	sst s9;
	s0 =	simm.s32 @!p0 $0x0  }
0x12: {  	s1 =	sld [smem:$0x3F90];
	s0 =	simm.s32 @p0 $0x1  }
0x13: {  	[smem:$0x3FAB] =	sst s0;
	s0 =	simm.s32 @!p1 $0x0  }
0x14: {  	s2 =	sld [smem:$0x3F8F];
	s0 =	simm.s32 @p1 $0x1  }
0x15: {  	[smem:$0x3FAC] =	sst s0;
	s0 =	simm.s32 @!p2 $0x0  }
0x16: {  	s3 =	sld [smem:$0x3FDB];
	s0 =	simm.s32 @p2 $0x1  }
0x17: {  	s4 =	simm.s32 $0x1BF5;
	[smem:$0x3FAE] =	sst s0  }
0x18: {  	s0 =	sld [smem:$0x3F91];
	_ =	swait.ge [sflag:s4], $0x0  }
0x19: {  	s7 =	sld [smem:$0x3F92]  }
0x1a: {  	s8 =	sadd.s32 $0xFFFFE003, lr  }
0x1b: {  	s9 =	sadd.s32 $0xFFFFFEF7, lr;
	s5 =	simm.s32 $0xFFFFFFFF;
	p2 =	slt.u32 s8, $0xFFFFF086  }
0x1c: {  	p1 =	slt.u32 s9, $0xF7A;
	s5 =	simm.s32 @!p2 $0x0  }
0x1d: {  	s5 =	simm.s32 @p1 $0x1;
	p0 =	seq.s32 s7, s2  }
0x1e: {  	s7 =	smul.u32 @!p0 $0xF7A, s2;
	p2 =	seq.s32 @!p0 s5, $0x0  }
0x1f: {  	s9 =	smul.u32 $0xF7A, s1;
	s8 =	simm.s32 @!p0 $0x1BF5;
	p2 =	por !p2, p0  }
0x20: {  	[sflag:s8] =	ssyncset.s32 @!p0 $0xFFFFF086;
	s6 =	sadd.s32 @!p0 s3, s7;
	s7 =	simm.s32 @!p0 $0x108  }
0x21: {  	s3 =	sadd.s32 s3, s9;
	s6 =	sadd.s32 @!p0 $0x88, s6;
	s7 =	simm.s32 @p2 $0x1082  }
0x22: {  	[simem:s7], [sflag:s8] =	dma.local @!p0 [hbm:s6], $0xF7A  }
0x23: {  	s9 =	sor.u32 $0xD0000000, s2;
	s6 =	simm.s32 $0x108;
	_ =	swait.ge @!p0 [sflag:s8], $0x0  }
0x24: {  	s3 =	sadd.s32 $0x88, s3;
	s6 =	simm.s32 @!p1 $0x1082;
	[sflag:s4] =	ssyncset.s32 $0xFFFFF086  }
0x25: {  	[simem:s6], [sflag:s4] =	dma.local [hbm:s3], $0xF7A  }
0x26: {  	[smem:$0x3F92] =	sst s1;
	(tag) =	ssettag s2;
	_ =	strace s9  }
0x27: {  	s1 =	sld [smem:$0x3FA2]  }
0x28: {  	s2 =	sld [smem:$0x3FA3]  }
0x29: {  	s4 =	sld [smem:$0x3FA5]  }
0x2a: {  	p0 =	seq.s32 s5, $0x0;
	s5 =	sld [smem:$0x3FA6]  }
0x2b: {  	s6 =	sld [smem:$0x3FA7]  }
0x2c: {  	s7 =	sld [smem:$0x3FA8]  }
0x2d: {  	s3 =	simm.s32 $0x108;
	s8 =	sld [smem:$0x3FA9]  }
0x2e: {  	s3 =	simm.s32 @!p0 $0x1082;
	s9 =	sld [smem:$0x3FAA]  }
0x2f: {  	lr =	sadd.s32 s0, s3;
	s0 =	sld [smem:$0x3FA1]  }
0x30: {  	s3 =	sld [smem:$0x3FA4]  }
0x31: {  	[smem:$0x3FAD] =	sst s10  }
0x32: {  	s10 =	sld [smem:$0x3FAB];
	_ =	sdelay $0x3  }
0x33: {  	p0 =	seq.s32 s10, $0x1;
	s10 =	sld [smem:$0x3FAD];
	_ =	sdelay $0x3  }
0x34: {  	[smem:$0x3FAD] =	sst s10  }
0x35: {  	s10 =	sld [smem:$0x3FAC];
	_ =	sdelay $0x3  }
0x36: {  	p1 =	seq.s32 s10, $0x1;
	s10 =	sld [smem:$0x3FAD];
	_ =	sdelay $0x3  }
0x37: {  	[smem:$0x3FAD] =	sst s10  }
0x38: {  	s10 =	sld [smem:$0x3FAE]  }
0x39: {  	_ = 	snop;
	(pc) =	sbr.ind lr, $3  }
0x3a: {  	_ = 	snop  }
0x3b: {  	_ = 	snop  }
0x3c: {  	p2 =	seq.s32 s10, $0x1;
	s10 =	sld [smem:$0x3FAD]  }
0x3d: {  	_ =	shalt  }
0x3e: {  	_ =	shalt  }
0x3f: {  	_ =	shalt  }
0x40: {  	_ =	shalt  }
0x41: {  	_ =	shalt  }
0x42: {  	_ =	shalt  }
0x43: {  	_ =	shalt  }
0x44: {  	_ =	shalt  }
0x45: {  	_ =	shalt  }
0x46: {  	_ =	shalt  }
0x47: {  	_ =	shalt  }
0x48: {  	_ =	shalt  }
0x49: {  	_ =	shalt  }
0x4a: {  	_ =	shalt  }
0x4b: {  	_ =	shalt  }
0x4c: {  	_ =	shalt  }
0x4d: {  	_ =	shalt  }
0x4e: {  	_ =	shalt  }
0x4f: {  	_ =	shalt  }
0x50: {  	_ =	shalt  }
0x51: {  	_ =	shalt  }
0x52: {  	_ =	shalt  }
0x53: {  	_ =	shalt  }
0x54: {  	_ =	shalt  }
0x55: {  	_ =	shalt  }
0x56: {  	_ =	shalt  }
0x57: {  	_ =	shalt  }
0x58: {  	_ =	shalt  }
0x59: {  	_ =	shalt  }
0x5a: {  	_ =	shalt  }
0x5b: {  	_ =	shalt  }
0x5c: {  	_ =	shalt  }
0x5d: {  	_ =	shalt  }
0x5e: {  	_ =	shalt  }
0x5f: {  	_ =	shalt  }
0x60: {  	_ =	shalt  }
0x61: {  	_ =	shalt  }
0x62: {  	_ =	shalt  }
0x63: {  	_ =	shalt  }
0x64: {  	_ =	shalt  }
0x65: {  	_ =	shalt  }
0x66: {  	_ =	shalt  }
0x67: {  	_ =	shalt  }
0x68: {  	_ =	shalt  }
0x69: {  	_ =	shalt  }
0x6a: {  	_ =	shalt  }
0x6b: {  	_ =	shalt  }
0x6c: {  	_ =	shalt  }
0x6d: {  	_ =	shalt  }
0x6e: {  	_ =	shalt  }
0x6f: {  	_ =	shalt  }
0x70: {  	_ =	shalt  }
0x71: {  	_ =	shalt  }
0x72: {  	_ =	shalt  }
0x73: {  	_ =	shalt  }
0x74: {  	_ =	shalt  }
0x75: {  	_ =	shalt  }
0x76: {  	_ =	shalt  }
0x77: {  	_ =	shalt  }
0x78: {  	_ =	shalt  }
0x79: {  	_ =	shalt  }
0x7a: {  	_ =	shalt  }
0x7b: {  	_ =	shalt  }
0x7c: {  	_ =	shalt  }
0x7d: {  	_ =	shalt  }
0x7e: {  	_ =	shalt  }
0x7f: {  	_ =	shalt  }
0x80: {  	_ =	shalt  }
0x81: {  	_ =	shalt  }
0x82: {  	_ =	shalt  }
0x83: {  	_ =	shalt  }
0x84: {  	_ =	shalt  }
0x85: {  	_ =	shalt  }
0x86: {  	_ =	shalt  }
0x87: {  	_ =	shalt  }
.Lfunc_end0:
.L_simem_size_0:
called_computation.1_lowered:
.L_overlay_start_0:
0x88: {  	s2 =	sld [smem:$0x3FD9]  }
0x89: {  	s3 =	sld [smem:$0x3FFE];
	_ =	sdelay $0x1  }
0x8a: {  	s1 =	srdreg.scid  }
0x8b: {  	s0 =	sand.u32 $0x1, s1  }
0x8c: {  	s16 =	sshll.u32 s0, $0xA;
	s2 =	sadd.s32 s3, s2  }
0x8d: {  	s2 =	sadd.s32 s2, s16  }
0x8e: {  	[smem:$0x3FB9] =	sst s2  }
0x8f: {  	_ = 	snop  }
0x90: {  	(tm) =	ssettm $0x1  }
0x91: {  	s17 =	sld [smem:$0x3FFB];
	_ =	sdelay $0x3  }
0x92: {  	_ =	strace s17  }
0x93: {  	s2 =	sld [smem:$0x3FFC];
	_ =	sdelay $0x3  }
0x94: {  	_ =	strace s2  }
0x95: {  	s2 =	sld [smem:$0x3FFD];
	_ =	sdelay $0x3  }
0x96: {  	_ =	strace s2  }
0x97: {  	_ =	strace $0x8FFFFFFF  }
0x98: {  	s18 =	sld [smem:$0x3FDB];
	_ =	sdelay $0x1  }
0x99: {  	s19 =	simm.s32 $_scs_section_size  }
0x9a: {  	s4 =	simm.s32 $_size__tile_overlayer_lowered;
	s5 =	simm.s32 $_tile_overlayer_lowered  }
0x9b: {  	s22 =	simm.s32 $0x1BFF;
	s21 =	sshll.u32 s5, $0x1;
	s2 =	sadd.s32 s19, s18  }
0x9c: {  	s6 =	simm.s32 $0x0;
	s20 =	sshll.u32 s4, $0x1;
	s4 =	sadd.s32 s21, s2  }
0x9d: {  	[timem:s6], [sflag:s22] =	dma.local [hbm:s4], s20  }
0x9e: {  	_ =	swait.ge [sflag:s22], s20  }
0x9f: {  	s3 =	ssub.s32 $0x0, s20;
	[sflag:s22] =	ssyncset.done $0x0  }
0xa0: {  	[sflag:s22] =	ssyncadd.s32 s3;
	_ =	sdelay $0x1  }
0xa1: {  	s23 =	simm.s32 $0x1B8B  }
0xa2: {  	_ =	swait.ge [sflag:s23], $0x1  }
0xa3: {  	[sflag:s23] =	ssyncset.done $0x0  }
0xa4: {  	s25 =	simm.s32 $0x1B8E;
	s24 =	sld [smem:$0x3FFE];
	[sflag:s23] =	ssyncadd.s32 $0xFFFFFFFF  }
0xa5: {  	s26 =	simm.s32 $execute0_lowered;
	[smem:$0x3FD2] =	sst s25  }
0xa6: {  	s4 =	sshll.u32 s26, $0x1;
	_ =	strace $0x80000046;
	[dreg:$0x1] =	wrdreg $0xFFFFFFFF  }
0xa7: {  	s28 =	simm.s32 $_size_execute0_lowered;
	s2 =	sadd.s32 s2, s4;
	[dreg:$0x0] =	wrdreg $0x0  }
0xa8: {  	s4 =	sshll.u32 s28, $0x1;
	[dreg:$0x2] =	wrdreg s2  }
0xa9: {  	[dreg:$0x3] =	wrdreg s4  }
0xaa: {  	[dreg:$0x4] =	wrdreg $0xC0  }
0xab: {  	_ =	task [dreg:s6], $0x5FFFF  }
0xac: {  	[dreg:$0x1] =	wrdreg $0xFFFFFFFF  }
0xad: {  	[dreg:$0x0] =	wrdreg $0x60  }
0xae: {  	[dreg:$0x2] =	wrdreg s24  }
0xaf: {  	[dreg:$0x3] =	wrdreg $0x9  }
0xb0: {  	_ =	task.clear_ibuf [dreg:s6], $0x4FFFF;
	_ =	strace $0x90000046  }
0xb1: {  	s29 =	simm.s32 $0x9;
	_ =	strace $0x80000048  }
0xb2: {  	_ =	swait.ge [sflag:s29], $0x1  }
0xb3: {  	[sflag:s29] =	ssyncadd.s32 $0xFFFFFFFF  }
0xb4: {  	_ =	strace $0x90000048  }
0xb5: {  	_ =	sfence  }
0xb6: {  	s30 =	sld [smem:$0x0];
	_ =	sdelay $0x2  }
0xb7: {  	s31 =	sshll.u32 s1, $0xD;
	s1 =	sshrl.u32 s1, $0x2  }
0xb8: {  	s3 =	sand.u32 $0x4000, s31;
	s1 =	sadd.s32 s1, s30  }
0xb9: {  	s0 =	sor.u32 s3, s0;
	s1 =	sshll.u32 s1, $0x11  }
0xba: {  	s0 =	sor.u32 s1, s0  }
0xbb: {  	s0 =	sadd.s32 $0x8F2B, s0  }
0xbc: {  	[sflag:s0] =	ssyncadd.remote.s32 $0x1  }
0xbd: {  	_ =	sfence.sel $0xFFFF  }
0xbe: {  	[dreg:$0x0] =	wrdreg $0xFFFFFFFF;
	(pc) =	sbr.abs _section_cstart, $3  }
0xbf: {  	[dreg:$0x1] =	wrdreg $0xFFFFFFFF  }
0xc0: {  	_ =	task.clear_ibuf [dreg:s6], $0x2FFFF;
	_ =	strace $0x9FFFFFFF  }
0xc1: {  	(tm) =	ssettm $0x7FFFFFFF  }
tec
execute0_lowered:
.L_overlay_start_1:
0x0: {  	(tag) =	ssettag $0x1  }
0x1: {  	s0 =	srdreg.scid;
	s5 =	rddreg [dreg:$0x0]  }
0x2: {  	s1 =	stileid.u32;
	s6 =	simm.s32 $0x1;
	s9 =	simm.s32 $0x1  }
0x3: {  	s10 =	simm.s32 $0x3;
	s13 =	simm.s32 $0x0;
	s2 =	sshll.u32 s0, $0xD  }
0x4: {  	s12 =	simm.s32 $0x0;
	s3 =	sshll.u32 s1, $0xE;
	s2 =	sand.u32 $0x2000, s2  }
0x5: {  	s0 =	rddreg [dreg:$0x1];
	_ =	strace $0x80000047;
	s2 =	sor.u32 s3, s2  }
0x6: {  	s4 =	sadd.s32 $0x20A00, s5;
	[sflag:s6] =	ssyncpa.u1 $0x0;
	s8 =	ssub.s32 $0x50000, s2  }
.Ltmp0:
0x7: {  	s3 =	sadd.s32 $0xCA00, s5;
	s7 =	sand.u32 $0x3E000, s8;
	(pc) =	sbr.rel .LBB2_1-.Ltmp0, $4  }
0x8: {  	s5 =	sadd.s32 $0x2AC00, s5;
	s11 =	smov.u32 s2;
	p0 =	sne.s32 s7, $0x0  }
0x9: {  	s8 =	sshrl.u32 s8, $0x12;
	s7 =	simm.s32 $0x2;
	s9 =	simm.s32 @!p0 $0x0  }
0xa: {  	[sflag:s7] =	ssyncpa.u1 $0x0;
	p0 =	por $0x0, $0x0;
	s8 =	sadd.s32 s9, s8  }
0xb: {  	vm0 =	vmmov $0xffff;
	[sflag:s10] =	ssyncpa.u1 $0x0;
	s10 =	simm.s32 $0x0;
	s9 =	sadd.s32 $0x1, s8  }
.LBB2_4:
0xc: {  	v5 =	vshrl.u32 v1, $0xC;
	v6 =	vshll.u32 v1, $0x7  }
0xd: {  	vm1 =	veq.s32 v1, $0x80000000;
	v58 =	vand.u32 $0x7F, v5;
	v59 =	vand.u32 $0x7FF80, v6  }
0xe: {  	v1 =	vsel vm1, $0xFFFFFFFF, v58;
	v5 =	vsel vm1, $0xFFFFFF80, v59  }
0xf: {  	v3 =	vor.u32 v4, v3;
	v60 =	vand.u32 $0xFFFFFC00, v5;
	v61 =	vand.u32 $0xFFFFFC00, v1  }
0x10: {  	v2 =	vor.u32 v2, v3;
	v63 =	vand.u32 $0x380, v5;
	v62 =	vadd.s32 v61, v60  }
0x11: {  	v1 =	vand.u32 $0x7F, v1;
	v3 =	vor.u32 v63, v62  }
0x12: {  	v1 =	vor.u32 v1, v3  }
0x13: {  	[tilespmem:s15], [sflag:$0x1] =	stream.indirect_vreg.gather [hbm4b:s3+s10], $0x1, v0, vm0, $0x4038;
	[tilespmem:$0x8000] =	vst v63  }
0x14: {  	(ifvalue) =	ssetifvalue $0x7FFFFFFF  }
0x15: {  	[tilespmem:s16], [sflag:$0x1] =	stream.indirect_vreg.gather [hbm4b:s3+s10], $0x1, v2, vm0, $0x4038;
	[tilespmem:$0x8000] =	vst v63  }
0x16: {  	s29 =	sadd.s32 $0x10, s16;
	(ifvalue) =	ssetifvalue $0x7FFFFFFF  }
0x17: {  	[tilespmem:s29], [sflag:$0x1] =	stream.indirect_vreg.gather [hbm4b:s3+s10], $0x1, v1, vm0, $0x4038;
	[tilespmem:$0x8000] =	vst v63  }
0x18: {  	_ =	swait.ge [sflag:s6], $0x2000  }
0x19: {  	s30 =	sshrl.u32 s13, $0x3;
	[sflag:s6] =	ssyncset.done $0x0  }
0x1a: {  	s31 =	sand.u32 $0x7, s13;
	s15 =	sadd.s32 s5, s30;
	[sflag:s6] =	ssyncadd.s32 $0xFFFFE000  }
0x1b: {  	[hbm4b:s15+s31] =	stream.linear.scatter [tilespmem:s14], [sflag:$0x3], $0x2000, $0x38;
	[tilespmem:$0x8000] =	vst v63  }
.LBB2_5:
0x1c: {  	s15 =	sadd.s32 $0x40000, s11  }
0x1d: {  	p2 =	sgt.s32 s15, $0x4FFFF  }
0x1e: {  	s15 =	smov.u32 @p2 s2;
	p2 =	sne.s32 s12, s9  }
.Ltmp1:
0x1f: {  	p1 =	slt.u32 s12, $0x2;
	(pc) =	sbr.rel @!p2 .LBB2_6-.Ltmp1, $4  }
0x20: {  	s14 =	simm.s32 @!p1 $0x3  }
0x21: {  	s16 =	sadd.s32 $0x1, s12;
	_ =	swait.ge @!p1 [sflag:s14], $0x2000  }
0x22: {  	s13 =	smov.u32 s11;
	p0 =	por !p0, !p0;
	[sflag:s14] =	ssyncset.done @!p1 $0x0  }
0x23: {  	s12 =	smov.u32 s16;
	s11 =	smov.u32 s15;
	[sflag:s14] =	ssyncadd.s32 @!p1 $0xFFFFE000  }
.LBB2_1:
0x24: {  	p1 =	sge.u32 s12, s8  }
0x25: {  	s14 =	sxor.u32 @!p1 $0xFFFFFFFF, s12  }
0x26: {  	s31 =	sadd.s32 $0xFFFFFFFF, s12;
	s15 =	sshrl.u32 @!p1 s11, $0x3;
	s14 =	sshll.u32 @!p1 s14, $0xD  }
0x27: {  	s16 =	sand.u32 @!p1 $0x7, s11;
	s15 =	sadd.s32 @!p1 s4, s15;
	s14 =	sand.u32 @!p1 $0x2000, s14  }
0x28: {  	[tilespmem:s14], [sflag:$0x2] =	stream.linear.gather @!p1 [hbm4b:s15+s16], $0x2000, $0x38;
	[tilespmem:$0x8000] =	vst v63  }
0x29: {  	p1 =	sge.u32 s31, s8  }
.Ltmp2:
0x2a: {  	_ = 	snop;
	(pc) =	sbr.rel @p1 .LBB2_5-.Ltmp2, $1  }
0x2b: {  	_ =	sdelay $0x3  }
0x2c: {  	s14 =	simm.s32 $0x1  }
0x2d: {  	_ =	swait.ge [sflag:s7], $0x2000;
	s14 =	simm.s32 @!p0 $0x0  }
0x2e: {  	[sflag:s7] =	ssyncset.done $0x0;
	s14 =	sshll.u32 s14, $0xD  }
0x2f: {  	[sflag:s7] =	ssyncadd.s32 $0xFFFFE000;
	(ifvalue) =	ssetifvalue $0x7FFFFFFF;
	v0 =	vld.msk [tilespmem:s14+$0x0 ss:$0x1], $0xffff;
	_ =	sdelay $0x4  }
0x30: {  	s15 =	sadd.s32 $0x10, s14;
	v2 =	vshrl.u32 v0, $0xC;
	v3 =	vshll.u32 v0, $0x7  }
0x31: {  	v1 =	vld.msk [tilespmem:s15+$0x0 ss:$0x1], $0xffff;
	vm1 =	veq.s32 v0, $0x80000000;
	v0 =	vand.u32 $0x7F, v2;
	v2 =	vand.u32 $0x7FF80, v3  }
0x32: {  	v0 =	vsel vm1, $0xFFFFFFFF, v0;
	v2 =	vsel vm1, $0xFFFFFF80, v2  }
0x33: {  	v3 =	vand.u32 $0xFFFFFC00, v2;
	v4 =	vand.u32 $0xFFFFFC00, v0  }
0x34: {  	v2 =	vand.u32 $0x380, v2;
	v3 =	vadd.s32 v4, v3  }
0x35: {  	v0 =	vand.u32 $0x7F, v0;
	v2 =	vor.u32 v2, v3  }
0x36: {  	v5 =	vshll.u32 v1, $0x7;
	v4 =	vshrl.u32 v1, $0xC;
	v0 =	vor.u32 v0, v2  }
0x37: {  	s16 =	sshll.u32 s12, $0xD;
	vm1 =	veq.s32 v1, $0x80000000;
	v1 =	vand.u32 $0x7F, v4;
	v4 =	vand.u32 $0x7FF80, v5  }
0x38: {  	s16 =	sand.u32 $0x2000, s16;
	s18 =	sadd.s32 $0x10, s15;
	v3 =	vsel vm1, $0xFFFFFFFF, v1;
	v4 =	vsel vm1, $0xFFFFFF80, v4  }
0x39: {  	s17 =	simm.s32 $0x20;
	s15 =	sor.u32 $0x4000, s14;
	s14 =	sor.u32 $0x4000, s16;
	v1 =	vld.msk [tilespmem:s18+$0x0 ss:$0x1], $0xffff;
	v5 =	vand.u32 $0xFFFFFC00, v4;
	v6 =	vand.u32 $0xFFFFFC00, v3  }
0x3a: {  	s16 =	sadd.s32 $0x10, s15;
	s18 =	sadd.s32 $0x10, s18;
	(ifvalue) =	ssetifvalue $0x7FFFFFFF;
	v2 =	vand.u32 $0x7F, v3;
	v4 =	vand.u32 $0x380, v4;
	v3 =	vadd.s32 v6, v5  }
.LBB2_3:
0x3b: {  	[tilespmem:s15], [sflag:$0x1] =	stream.indirect_vreg.gather [hbm4b:s3+s10], $0x1, v0, vm0, $0x4038;
	[tilespmem:$0x8000] =	vst v63  }
0x3c: {  	s17 =	sadd.s32 $0x10, s17  }
0x3d: {  	v3 =	vor.u32 v4, v3;
	p1 =	slt.u32 s17, $0x1FF0  }
.Ltmp3:
0x3e: {  	v4 =	vshrl.u32 v1, $0xC;
	v5 =	vshll.u32 v1, $0x7;
	s15 =	smov.u32 s16;
	v0 =	vor.u32 v2, v3;
	v2 =	vmovc v1;
	v1 =	vld.msk [tilespmem:s18+$0x0 ss:$0x1], $0xffff;
	(pc) =	sbr.rel @p1 .LBB2_3-.Ltmp3, $4  }
0x3f: {  	v3 =	vand.u32 $0x7FF80, v5;
	vm1 =	veq.s32 v2, $0x80000000;
	v2 =	vand.u32 $0x7F, v4  }
0x40: {  	v4 =	vsel vm1, $0xFFFFFFFF, v2;
	v5 =	vsel vm1, $0xFFFFFF80, v3  }
0x41: {  	v2 =	vand.u32 $0x7F, v4;
	v3 =	vand.u32 $0xFFFFFC00, v5;
	v4 =	vand.u32 $0xFFFFFC00, v4  }
0x42: {  	s16 =	sadd.s32 $0x10, s16;
	s18 =	sadd.s32 $0x10, s18;
	v3 =	vadd.s32 v4, v3;
	v4 =	vand.u32 $0x380, v5;
	(ifvalue) =	ssetifvalue $0x7FFFFFFF  }
.Ltmp4:
0x43: {  	_ = 	snop;
	(pc) =	sbr.rel .LBB2_4-.Ltmp4, $1  }
0x44: {  	_ =	sdelay $0x3  }
.LBB2_6:
0x45: {  	_ =	sfence.sel $0x180000  }
0x46: {  	s2 =	simm.s32 $0x2;
	[bflag:$0x0] =	sbarrier.arrive $0xFFFF  }
0x47: {  	s30 =	simm.s32 $0x3;
	[sflag:s2] =	ssyncpa.u1 $0x1  }
0x48: {  	s31 =	simm.s32 $0x1;
	[sflag:s30] =	ssyncpa.u1 $0x1  }
0x49: {  	[sflag:s31] =	ssyncpa.u1 $0x1  }
0x4a: {  	p0 =	sne.s32 s1, $0x0;
	_ =	strace $0x90000047  }
0x4b: {  	s0 =	sadd.s32 @!p0 $0x100000, s0;
	[bflag:$0x2] =	sbarrier.arrive $0xFFFF  }
0x4c: {  	[sflag:s0] =	ssyncadd.tile.s32 @!p0 $0x1;
	_ =	shalt  }
.Lfunc_end2:
_tile_overlayer_lowered:
.L_overlay_start_2:
0x4d: {  	(tag) =	ssettag $0x2  }
0x4e: {  	s0 =	rddreg [dreg:$0x0];
	s2 =	stileid.u32  }
0x4f: {  	s1 =	rddreg [dreg:$0x1];
	p0 =	sne.s32 s2, $0x0  }
0x50: {  	s3 =	rddreg [dreg:$0x2];
	[bflag:$0x3] =	sbarrier.arrive $0xFFFF;
	s2 =	simm.s32 @!p0 $0x1C01  }
0x51: {  	[timem:s3], [sflag:s2] =	dma.local @!p0 [hbm:s0], s1  }
0x52: {  	s0 =	simm.s32 @!p0 $0x1  }
0x53: {  	_ =	swait.ge @!p0 [sflag:s0], s1  }
0x54: {  	s1 =	ssub.s32 @!p0 $0x0, s1;
	[sflag:s0] =	ssyncset.done @!p0 $0x0  }
0x55: {  	[sflag:s0] =	ssyncadd.s32 @!p0 s1  }
0x56: {  	[bflag:$0x3] =	sbarrier.arrive $0xFFFF  }
0x57: {  	_ =	shalt  }

// kernel: gather_offload_async_start
scs
__scs_entry_jumppad:
0x0: {  	(pc) =	sbr.rel $0x88, $3  }
0x1: {  	(tag) =	ssettag $0x0;
	lr =	simm.s32 $0x1  }
0x2: {  	[smem:$0x3F92] =	sst lr;
	_ =	strace $0xD0000000  }
0x3: {  	_ = 	snop  }
0x4: {  	_ = 	snop  }
0x5: {  	_ = 	snop  }
0x6: {  	_ = 	snop  }
0x7: {  	_ = 	snop  }
__scs_overlays_trampoline_lowered:
0x8: {  	[smem:$0x3FA1] =	sst s0  }
0x9: {  	[smem:$0x3FA2] =	sst s1  }
0xa: {  	[smem:$0x3FA3] =	sst s2  }
0xb: {  	[smem:$0x3FA4] =	sst s3  }
0xc: {  	[smem:$0x3FA5] =	sst s4  }
0xd: {  	[smem:$0x3FA6] =	sst s5  }
0xe: {  	[smem:$0x3FA7] =	sst s6  }
0xf: {  	[smem:$0x3FA8] =	sst s7  }
0x10: {  	[smem:$0x3FA9] =	sst s8  }
0x11: {  	[smem:$0x3FAA] =	sst s9;
	s0 =	simm.s32 @!p0 $0x0  }
0x12: {  	s1 =	sld [smem:$0x3F90];
	s0 =	simm.s32 @p0 $0x1  }
0x13: {  	[smem:$0x3FAB] =	sst s0;
	s0 =	simm.s32 @!p1 $0x0  }
0x14: {  	s2 =	sld [smem:$0x3F8F];
	s0 =	simm.s32 @p1 $0x1  }
0x15: {  	[smem:$0x3FAC] =	sst s0;
	s0 =	simm.s32 @!p2 $0x0  }
0x16: {  	s3 =	sld [smem:$0x3FDB];
	s0 =	simm.s32 @p2 $0x1  }
0x17: {  	s4 =	simm.s32 $0x1BF5;
	[smem:$0x3FAE] =	sst s0  }
0x18: {  	s0 =	sld [smem:$0x3F91];
	_ =	swait.ge [sflag:s4], $0x0  }
0x19: {  	s7 =	sld [smem:$0x3F92]  }
0x1a: {  	s8 =	sadd.s32 $0xFFFFE003, lr  }
0x1b: {  	s9 =	sadd.s32 $0xFFFFFEF7, lr;
	s5 =	simm.s32 $0xFFFFFFFF;
	p2 =	slt.u32 s8, $0xFFFFF086  }
0x1c: {  	p1 =	slt.u32 s9, $0xF7A;
	s5 =	simm.s32 @!p2 $0x0  }
0x1d: {  	s5 =	simm.s32 @p1 $0x1;
	p0 =	seq.s32 s7, s2  }
0x1e: {  	s7 =	smul.u32 @!p0 $0xF7A, s2;
	p2 =	seq.s32 @!p0 s5, $0x0  }
0x1f: {  	s9 =	smul.u32 $0xF7A, s1;
	s8 =	simm.s32 @!p0 $0x1BF5;
	p2 =	por !p2, p0  }
0x20: {  	[sflag:s8] =	ssyncset.s32 @!p0 $0xFFFFF086;
	s6 =	sadd.s32 @!p0 s3, s7;
	s7 =	simm.s32 @!p0 $0x108  }
0x21: {  	s3 =	sadd.s32 s3, s9;
	s6 =	sadd.s32 @!p0 $0x88, s6;
	s7 =	simm.s32 @p2 $0x1082  }
0x22: {  	[simem:s7], [sflag:s8] =	dma.local @!p0 [hbm:s6], $0xF7A  }
0x23: {  	s9 =	sor.u32 $0xD0000000, s2;
	s6 =	simm.s32 $0x108;
	_ =	swait.ge @!p0 [sflag:s8], $0x0  }
0x24: {  	s3 =	sadd.s32 $0x88, s3;
	s6 =	simm.s32 @!p1 $0x1082;
	[sflag:s4] =	ssyncset.s32 $0xFFFFF086  }
0x25: {  	[simem:s6], [sflag:s4] =	dma.local [hbm:s3], $0xF7A  }
0x26: {  	[smem:$0x3F92] =	sst s1;
	(tag) =	ssettag s2;
	_ =	strace s9  }
0x27: {  	s1 =	sld [smem:$0x3FA2]  }
0x28: {  	s2 =	sld [smem:$0x3FA3]  }
0x29: {  	s4 =	sld [smem:$0x3FA5]  }
0x2a: {  	p0 =	seq.s32 s5, $0x0;
	s5 =	sld [smem:$0x3FA6]  }
0x2b: {  	s6 =	sld [smem:$0x3FA7]  }
0x2c: {  	s7 =	sld [smem:$0x3FA8]  }
0x2d: {  	s3 =	simm.s32 $0x108;
	s8 =	sld [smem:$0x3FA9]  }
0x2e: {  	s3 =	simm.s32 @!p0 $0x1082;
	s9 =	sld [smem:$0x3FAA]  }
0x2f: {  	lr =	sadd.s32 s0, s3;
	s0 =	sld [smem:$0x3FA1]  }
0x30: {  	s3 =	sld [smem:$0x3FA4]  }
0x31: {  	[smem:$0x3FAD] =	sst s10  }
0x32: {  	s10 =	sld [smem:$0x3FAB];
	_ =	sdelay $0x3  }
0x33: {  	p0 =	seq.s32 s10, $0x1;
	s10 =	sld [smem:$0x3FAD];
	_ =	sdelay $0x3  }
0x34: {  	[smem:$0x3FAD] =	sst s10  }
0x35: {  	s10 =	sld [smem:$0x3FAC];
	_ =	sdelay $0x3  }
0x36: {  	p1 =	seq.s32 s10, $0x1;
	s10 =	sld [smem:$0x3FAD];
	_ =	sdelay $0x3  }
0x37: {  	[smem:$0x3FAD] =	sst s10  }
0x38: {  	s10 =	sld [smem:$0x3FAE]  }
0x39: {  	_ = 	snop;
	(pc) =	sbr.ind lr, $3  }
0x3a: {  	_ = 	snop  }
0x3b: {  	_ = 	snop  }
0x3c: {  	p2 =	seq.s32 s10, $0x1;
	s10 =	sld [smem:$0x3FAD]  }
0x3d: {  	_ =	shalt  }
0x3e: {  	_ =	shalt  }
0x3f: {  	_ =	shalt  }
0x40: {  	_ =	shalt  }
0x41: {  	_ =	shalt  }
0x42: {  	_ =	shalt  }
0x43: {  	_ =	shalt  }
0x44: {  	_ =	shalt  }
0x45: {  	_ =	shalt  }
0x46: {  	_ =	shalt  }
0x47: {  	_ =	shalt  }
0x48: {  	_ =	shalt  }
0x49: {  	_ =	shalt  }
0x4a: {  	_ =	shalt  }
0x4b: {  	_ =	shalt  }
0x4c: {  	_ =	shalt  }
0x4d: {  	_ =	shalt  }
0x4e: {  	_ =	shalt  }
0x4f: {  	_ =	shalt  }
0x50: {  	_ =	shalt  }
0x51: {  	_ =	shalt  }
0x52: {  	_ =	shalt  }
0x53: {  	_ =	shalt  }
0x54: {  	_ =	shalt  }
0x55: {  	_ =	shalt  }
0x56: {  	_ =	shalt  }
0x57: {  	_ =	shalt  }
0x58: {  	_ =	shalt  }
0x59: {  	_ =	shalt  }
0x5a: {  	_ =	shalt  }
0x5b: {  	_ =	shalt  }
0x5c: {  	_ =	shalt  }
0x5d: {  	_ =	shalt  }
0x5e: {  	_ =	shalt  }
0x5f: {  	_ =	shalt  }
0x60: {  	_ =	shalt  }
0x61: {  	_ =	shalt  }
0x62: {  	_ =	shalt  }
0x63: {  	_ =	shalt  }
0x64: {  	_ =	shalt  }
0x65: {  	_ =	shalt  }
0x66: {  	_ =	shalt  }
0x67: {  	_ =	shalt  }
0x68: {  	_ =	shalt  }
0x69: {  	_ =	shalt  }
0x6a: {  	_ =	shalt  }
0x6b: {  	_ =	shalt  }
0x6c: {  	_ =	shalt  }
0x6d: {  	_ =	shalt  }
0x6e: {  	_ =	shalt  }
0x6f: {  	_ =	shalt  }
0x70: {  	_ =	shalt  }
0x71: {  	_ =	shalt  }
0x72: {  	_ =	shalt  }
0x73: {  	_ =	shalt  }
0x74: {  	_ =	shalt  }
0x75: {  	_ =	shalt  }
0x76: {  	_ =	shalt  }
0x77: {  	_ =	shalt  }
0x78: {  	_ =	shalt  }
0x79: {  	_ =	shalt  }
0x7a: {  	_ =	shalt  }
0x7b: {  	_ =	shalt  }
0x7c: {  	_ =	shalt  }
0x7d: {  	_ =	shalt  }
0x7e: {  	_ =	shalt  }
0x7f: {  	_ =	shalt  }
0x80: {  	_ =	shalt  }
0x81: {  	_ =	shalt  }
0x82: {  	_ =	shalt  }
0x83: {  	_ =	shalt  }
0x84: {  	_ =	shalt  }
0x85: {  	_ =	shalt  }
0x86: {  	_ =	shalt  }
0x87: {  	_ =	shalt  }
.Lfunc_end0:
.L_simem_size_0:
called_computation_lowered:
.L_overlay_start_0:
0x88: {  	s2 =	sld [smem:$0x3FD9]  }
0x89: {  	s3 =	sld [smem:$0x3FFE];
	_ =	sdelay $0x1  }
0x8a: {  	s1 =	srdreg.scid  }
0x8b: {  	s0 =	sand.u32 $0x1, s1  }
0x8c: {  	s16 =	sshll.u32 s0, $0xA;
	s2 =	sadd.s32 s3, s2  }
0x8d: {  	s2 =	sadd.s32 s2, s16  }
0x8e: {  	[smem:$0x3FB9] =	sst s2  }
0x8f: {  	_ = 	snop  }
0x90: {  	(tm) =	ssettm $0x1  }
0x91: {  	s17 =	sld [smem:$0x3FFB];
	_ =	sdelay $0x3  }
0x92: {  	_ =	strace s17  }
0x93: {  	s2 =	sld [smem:$0x3FFC];
	_ =	sdelay $0x3  }
0x94: {  	_ =	strace s2  }
0x95: {  	s2 =	sld [smem:$0x3FFD];
	_ =	sdelay $0x3  }
0x96: {  	_ =	strace s2  }
0x97: {  	_ =	strace $0x8FFFFFFF  }
0x98: {  	s18 =	sld [smem:$0x3FDB];
	_ =	sdelay $0x1  }
0x99: {  	s19 =	simm.s32 $_scs_section_size  }
0x9a: {  	s4 =	simm.s32 $_size__tile_overlayer_lowered;
	s5 =	simm.s32 $_tile_overlayer_lowered  }
0x9b: {  	s22 =	simm.s32 $0x1BFF;
	s21 =	sshll.u32 s5, $0x1;
	s2 =	sadd.s32 s19, s18  }
0x9c: {  	s6 =	simm.s32 $0x0;
	s20 =	sshll.u32 s4, $0x1;
	s4 =	sadd.s32 s21, s2  }
0x9d: {  	[timem:s6], [sflag:s22] =	dma.local [hbm:s4], s20  }
0x9e: {  	_ =	swait.ge [sflag:s22], s20  }
0x9f: {  	s3 =	ssub.s32 $0x0, s20;
	[sflag:s22] =	ssyncset.done $0x0  }
0xa0: {  	[sflag:s22] =	ssyncadd.s32 s3;
	_ =	sdelay $0x1  }
0xa1: {  	s23 =	simm.s32 $0x1B8B  }
0xa2: {  	_ =	swait.ge [sflag:s23], $0x1  }
0xa3: {  	[sflag:s23] =	ssyncset.done $0x0  }
0xa4: {  	s25 =	simm.s32 $0x1B8E;
	s24 =	sld [smem:$0x3FFE];
	[sflag:s23] =	ssyncadd.s32 $0xFFFFFFFF  }
0xa5: {  	s26 =	simm.s32 $execute0_lowered;
	[smem:$0x3FD2] =	sst s25  }
0xa6: {  	s4 =	sshll.u32 s26, $0x1;
	_ =	strace $0x80000049;
	[dreg:$0x1] =	wrdreg $0xFFFFFFFF  }
0xa7: {  	s28 =	simm.s32 $_size_execute0_lowered;
	s2 =	sadd.s32 s2, s4;
	[dreg:$0x0] =	wrdreg $0x0  }
0xa8: {  	s4 =	sshll.u32 s28, $0x1;
	[dreg:$0x2] =	wrdreg s2  }
0xa9: {  	[dreg:$0x3] =	wrdreg s4  }
0xaa: {  	[dreg:$0x4] =	wrdreg $0xC0  }
0xab: {  	_ =	task [dreg:s6], $0x5FFFF  }
0xac: {  	[dreg:$0x1] =	wrdreg $0xFFFFFFFF  }
0xad: {  	[dreg:$0x0] =	wrdreg $0x60  }
0xae: {  	[dreg:$0x2] =	wrdreg s24  }
0xaf: {  	[dreg:$0x3] =	wrdreg $0x9  }
0xb0: {  	_ =	task.clear_ibuf [dreg:s6], $0x4FFFF;
	_ =	strace $0x90000049  }
0xb1: {  	s29 =	simm.s32 $0x9;
	_ =	strace $0x8000004B  }
0xb2: {  	_ =	swait.ge [sflag:s29], $0x1  }
0xb3: {  	[sflag:s29] =	ssyncadd.s32 $0xFFFFFFFF  }
0xb4: {  	_ =	strace $0x9000004B  }
0xb5: {  	_ =	sfence  }
0xb6: {  	s30 =	sld [smem:$0x0];
	_ =	sdelay $0x2  }
0xb7: {  	s31 =	sshll.u32 s1, $0xD;
	s1 =	sshrl.u32 s1, $0x2  }
0xb8: {  	s3 =	sand.u32 $0x4000, s31;
	s1 =	sadd.s32 s1, s30  }
0xb9: {  	s0 =	sor.u32 s3, s0;
	s1 =	sshll.u32 s1, $0x11  }
0xba: {  	s0 =	sor.u32 s1, s0  }
0xbb: {  	s0 =	sadd.s32 $0x8F2B, s0  }
0xbc: {  	[sflag:s0] =	ssyncadd.remote.s32 $0x1  }
0xbd: {  	_ =	sfence.sel $0xFFFF  }
0xbe: {  	[dreg:$0x0] =	wrdreg $0xFFFFFFFF;
	(pc) =	sbr.abs _section_cstart, $3  }
0xbf: {  	[dreg:$0x1] =	wrdreg $0xFFFFFFFF  }
0xc0: {  	_ =	task.clear_ibuf [dreg:s6], $0x2FFFF;
	_ =	strace $0x9FFFFFFF  }
0xc1: {  	(tm) =	ssettm $0x7FFFFFFF  }
tec
execute0_lowered:
.L_overlay_start_1:
0x0: {  	(tag) =	ssettag $0x1  }
0x1: {  	s0 =	srdreg.scid;
	s5 =	rddreg [dreg:$0x0]  }
0x2: {  	s1 =	stileid.u32;
	s6 =	simm.s32 $0x1;
	s9 =	simm.s32 $0x1  }
0x3: {  	s10 =	simm.s32 $0x3;
	s13 =	simm.s32 $0x0;
	s2 =	sshll.u32 s0, $0xD  }
0x4: {  	s12 =	simm.s32 $0x0;
	s3 =	sshll.u32 s1, $0xE;
	s2 =	sand.u32 $0x2000, s2  }
0x5: {  	s0 =	rddreg [dreg:$0x1];
	_ =	strace $0x8000004A;
	s2 =	sor.u32 s3, s2  }
0x6: {  	s4 =	sadd.s32 $0x20A00, s5;
	[sflag:s6] =	ssyncpa.u1 $0x0;
	s8 =	ssub.s32 $0x50000, s2  }
.Ltmp0:
0x7: {  	s3 =	sadd.s32 $0x2A00, s5;
	s7 =	sand.u32 $0x3E000, s8;
	(pc) =	sbr.rel .LBB2_1-.Ltmp0, $4  }
0x8: {  	s5 =	sadd.s32 $0x2AC00, s5;
	s11 =	smov.u32 s2;
	p0 =	sne.s32 s7, $0x0  }
0x9: {  	s8 =	sshrl.u32 s8, $0x12;
	s7 =	simm.s32 $0x2;
	s9 =	simm.s32 @!p0 $0x0  }
0xa: {  	[sflag:s7] =	ssyncpa.u1 $0x0;
	p0 =	por $0x0, $0x0;
	s8 =	sadd.s32 s9, s8  }
0xb: {  	vm0 =	vmmov $0xffff;
	[sflag:s10] =	ssyncpa.u1 $0x0;
	s10 =	simm.s32 $0x0;
	s9 =	sadd.s32 $0x1, s8  }
.LBB2_4:
0xc: {  	v5 =	vshrl.u32 v1, $0xC;
	v6 =	vshll.u32 v1, $0x7  }
0xd: {  	vm1 =	veq.s32 v1, $0x80000000;
	v58 =	vand.u32 $0x7F, v5;
	v59 =	vand.u32 $0x7FF80, v6  }
0xe: {  	v1 =	vsel vm1, $0xFFFFFFFF, v58;
	v5 =	vsel vm1, $0xFFFFFF80, v59  }
0xf: {  	v3 =	vor.u32 v4, v3;
	v60 =	vand.u32 $0xFFFFFC00, v5;
	v61 =	vand.u32 $0xFFFFFC00, v1  }
0x10: {  	v2 =	vor.u32 v2, v3;
	v63 =	vand.u32 $0x380, v5;
	v62 =	vadd.s32 v61, v60  }
0x11: {  	v1 =	vand.u32 $0x7F, v1;
	v3 =	vor.u32 v63, v62  }
0x12: {  	v1 =	vor.u32 v1, v3  }
0x13: {  	[tilespmem:s15], [sflag:$0x1] =	stream.indirect_vreg.gather [hbm4b:s3+s10], $0x1, v0, vm0, $0x4038;
	[tilespmem:$0x8000] =	vst v63  }
0x14: {  	(ifvalue) =	ssetifvalue $0x7FFFFFFF  }
0x15: {  	[tilespmem:s16], [sflag:$0x1] =	stream.indirect_vreg.gather [hbm4b:s3+s10], $0x1, v2, vm0, $0x4038;
	[tilespmem:$0x8000] =	vst v63  }
0x16: {  	s29 =	sadd.s32 $0x10, s16;
	(ifvalue) =	ssetifvalue $0x7FFFFFFF  }
0x17: {  	[tilespmem:s29], [sflag:$0x1] =	stream.indirect_vreg.gather [hbm4b:s3+s10], $0x1, v1, vm0, $0x4038;
	[tilespmem:$0x8000] =	vst v63  }
0x18: {  	_ =	swait.ge [sflag:s6], $0x2000  }
0x19: {  	s30 =	sshrl.u32 s13, $0x3;
	[sflag:s6] =	ssyncset.done $0x0  }
0x1a: {  	s31 =	sand.u32 $0x7, s13;
	s15 =	sadd.s32 s5, s30;
	[sflag:s6] =	ssyncadd.s32 $0xFFFFE000  }
0x1b: {  	[hbm4b:s15+s31] =	stream.linear.scatter [tilespmem:s14], [sflag:$0x3], $0x2000, $0x38;
	[tilespmem:$0x8000] =	vst v63  }
.LBB2_5:
0x1c: {  	s15 =	sadd.s32 $0x40000, s11  }
0x1d: {  	p2 =	sgt.s32 s15, $0x4FFFF  }
0x1e: {  	s15 =	smov.u32 @p2 s2;
	p2 =	sne.s32 s12, s9  }
.Ltmp1:
0x1f: {  	p1 =	slt.u32 s12, $0x2;
	(pc) =	sbr.rel @!p2 .LBB2_6-.Ltmp1, $4  }
0x20: {  	s14 =	simm.s32 @!p1 $0x3  }
0x21: {  	s16 =	sadd.s32 $0x1, s12;
	_ =	swait.ge @!p1 [sflag:s14], $0x2000  }
0x22: {  	s13 =	smov.u32 s11;
	p0 =	por !p0, !p0;
	[sflag:s14] =	ssyncset.done @!p1 $0x0  }
0x23: {  	s12 =	smov.u32 s16;
	s11 =	smov.u32 s15;
	[sflag:s14] =	ssyncadd.s32 @!p1 $0xFFFFE000  }
.LBB2_1:
0x24: {  	p1 =	sge.u32 s12, s8  }
0x25: {  	s14 =	sxor.u32 @!p1 $0xFFFFFFFF, s12  }
0x26: {  	s31 =	sadd.s32 $0xFFFFFFFF, s12;
	s15 =	sshrl.u32 @!p1 s11, $0x3;
	s14 =	sshll.u32 @!p1 s14, $0xD  }
0x27: {  	s16 =	sand.u32 @!p1 $0x7, s11;
	s15 =	sadd.s32 @!p1 s4, s15;
	s14 =	sand.u32 @!p1 $0x2000, s14  }
0x28: {  	[tilespmem:s14], [sflag:$0x2] =	stream.linear.gather @!p1 [hbm4b:s15+s16], $0x2000, $0x38;
	[tilespmem:$0x8000] =	vst v63  }
0x29: {  	p1 =	sge.u32 s31, s8  }
.Ltmp2:
0x2a: {  	_ = 	snop;
	(pc) =	sbr.rel @p1 .LBB2_5-.Ltmp2, $1  }
0x2b: {  	_ =	sdelay $0x3  }
0x2c: {  	s14 =	simm.s32 $0x1  }
0x2d: {  	_ =	swait.ge [sflag:s7], $0x2000;
	s14 =	simm.s32 @!p0 $0x0  }
0x2e: {  	[sflag:s7] =	ssyncset.done $0x0;
	s14 =	sshll.u32 s14, $0xD  }
0x2f: {  	[sflag:s7] =	ssyncadd.s32 $0xFFFFE000;
	(ifvalue) =	ssetifvalue $0x7FFFFFFF;
	v0 =	vld.msk [tilespmem:s14+$0x0 ss:$0x1], $0xffff;
	_ =	sdelay $0x4  }
0x30: {  	s15 =	sadd.s32 $0x10, s14;
	v2 =	vshrl.u32 v0, $0xC;
	v3 =	vshll.u32 v0, $0x7  }
0x31: {  	v1 =	vld.msk [tilespmem:s15+$0x0 ss:$0x1], $0xffff;
	vm1 =	veq.s32 v0, $0x80000000;
	v0 =	vand.u32 $0x7F, v2;
	v2 =	vand.u32 $0x7FF80, v3  }
0x32: {  	v0 =	vsel vm1, $0xFFFFFFFF, v0;
	v2 =	vsel vm1, $0xFFFFFF80, v2  }
0x33: {  	v3 =	vand.u32 $0xFFFFFC00, v2;
	v4 =	vand.u32 $0xFFFFFC00, v0  }
0x34: {  	v2 =	vand.u32 $0x380, v2;
	v3 =	vadd.s32 v4, v3  }
0x35: {  	v0 =	vand.u32 $0x7F, v0;
	v2 =	vor.u32 v2, v3  }
0x36: {  	v5 =	vshll.u32 v1, $0x7;
	v4 =	vshrl.u32 v1, $0xC;
	v0 =	vor.u32 v0, v2  }
0x37: {  	s16 =	sshll.u32 s12, $0xD;
	vm1 =	veq.s32 v1, $0x80000000;
	v1 =	vand.u32 $0x7F, v4;
	v4 =	vand.u32 $0x7FF80, v5  }
0x38: {  	s16 =	sand.u32 $0x2000, s16;
	s18 =	sadd.s32 $0x10, s15;
	v3 =	vsel vm1, $0xFFFFFFFF, v1;
	v4 =	vsel vm1, $0xFFFFFF80, v4  }
0x39: {  	s17 =	simm.s32 $0x20;
	s15 =	sor.u32 $0x4000, s14;
	s14 =	sor.u32 $0x4000, s16;
	v1 =	vld.msk [tilespmem:s18+$0x0 ss:$0x1], $0xffff;
	v5 =	vand.u32 $0xFFFFFC00, v4;
	v6 =	vand.u32 $0xFFFFFC00, v3  }
0x3a: {  	s16 =	sadd.s32 $0x10, s15;
	s18 =	sadd.s32 $0x10, s18;
	(ifvalue) =	ssetifvalue $0x7FFFFFFF;
	v2 =	vand.u32 $0x7F, v3;
	v4 =	vand.u32 $0x380, v4;
	v3 =	vadd.s32 v6, v5  }
.LBB2_3:
0x3b: {  	[tilespmem:s15], [sflag:$0x1] =	stream.indirect_vreg.gather [hbm4b:s3+s10], $0x1, v0, vm0, $0x4038;
	[tilespmem:$0x8000] =	vst v63  }
0x3c: {  	s17 =	sadd.s32 $0x10, s17  }
0x3d: {  	v3 =	vor.u32 v4, v3;
	p1 =	slt.u32 s17, $0x1FF0  }
.Ltmp3:
0x3e: {  	v4 =	vshrl.u32 v1, $0xC;
	v5 =	vshll.u32 v1, $0x7;
	s15 =	smov.u32 s16;
	v0 =	vor.u32 v2, v3;
	v2 =	vmovc v1;
	v1 =	vld.msk [tilespmem:s18+$0x0 ss:$0x1], $0xffff;
	(pc) =	sbr.rel @p1 .LBB2_3-.Ltmp3, $4  }
0x3f: {  	v3 =	vand.u32 $0x7FF80, v5;
	vm1 =	veq.s32 v2, $0x80000000;
	v2 =	vand.u32 $0x7F, v4  }
0x40: {  	v4 =	vsel vm1, $0xFFFFFFFF, v2;
	v5 =	vsel vm1, $0xFFFFFF80, v3  }
0x41: {  	v2 =	vand.u32 $0x7F, v4;
	v3 =	vand.u32 $0xFFFFFC00, v5;
	v4 =	vand.u32 $0xFFFFFC00, v4  }
0x42: {  	s16 =	sadd.s32 $0x10, s16;
	s18 =	sadd.s32 $0x10, s18;
	v3 =	vadd.s32 v4, v3;
	v4 =	vand.u32 $0x380, v5;
	(ifvalue) =	ssetifvalue $0x7FFFFFFF  }
.Ltmp4:
0x43: {  	_ = 	snop;
	(pc) =	sbr.rel .LBB2_4-.Ltmp4, $1  }
0x44: {  	_ =	sdelay $0x3  }
.LBB2_6:
0x45: {  	_ =	sfence.sel $0x180000  }
0x46: {  	s2 =	simm.s32 $0x2;
	[bflag:$0x0] =	sbarrier.arrive $0xFFFF  }
0x47: {  	s30 =	simm.s32 $0x3;
	[sflag:s2] =	ssyncpa.u1 $0x1  }
0x48: {  	s31 =	simm.s32 $0x1;
	[sflag:s30] =	ssyncpa.u1 $0x1  }
0x49: {  	[sflag:s31] =	ssyncpa.u1 $0x1  }
0x4a: {  	p0 =	sne.s32 s1, $0x0;
	_ =	strace $0x9000004A  }
0x4b: {  	s0 =	sadd.s32 @!p0 $0x100000, s0;
	[bflag:$0x2] =	sbarrier.arrive $0xFFFF  }
0x4c: {  	[sflag:s0] =	ssyncadd.tile.s32 @!p0 $0x1;
	_ =	shalt  }
.Lfunc_end2:
_tile_overlayer_lowered:
.L_overlay_start_2:
0x4d: {  	(tag) =	ssettag $0x2  }
0x4e: {  	s0 =	rddreg [dreg:$0x0];
	s2 =	stileid.u32  }
0x4f: {  	s1 =	rddreg [dreg:$0x1];
	p0 =	sne.s32 s2, $0x0  }
0x50: {  	s3 =	rddreg [dreg:$0x2];
	[bflag:$0x3] =	sbarrier.arrive $0xFFFF;
	s2 =	simm.s32 @!p0 $0x1C01  }
0x51: {  	[timem:s3], [sflag:s2] =	dma.local @!p0 [hbm:s0], s1  }
0x52: {  	s0 =	simm.s32 @!p0 $0x1  }
0x53: {  	_ =	swait.ge @!p0 [sflag:s0], s1  }
0x54: {  	s1 =	ssub.s32 @!p0 $0x0, s1;
	[sflag:s0] =	ssyncset.done @!p0 $0x0  }
0x55: {  	[sflag:s0] =	ssyncadd.s32 @!p0 s1  }
0x56: {  	[bflag:$0x3] =	sbarrier.arrive $0xFFFF  }
0x57: {  	_ =	shalt  }

// kernel: kernel.6.cloned.1.call-start
scs
__scs_entry_jumppad:
0x0: {  	(pc) =	sbr.rel $0x88, $3  }
0x1: {  	(tag) =	ssettag $0x0;
	lr =	simm.s32 $0x1  }
0x2: {  	[smem:$0x3F92] =	sst lr;
	_ =	strace $0xD0000000  }
0x3: {  	_ = 	snop  }
0x4: {  	_ = 	snop  }
0x5: {  	_ = 	snop  }
0x6: {  	_ = 	snop  }
0x7: {  	_ = 	snop  }
__scs_overlays_trampoline_lowered:
0x8: {  	[smem:$0x3FA1] =	sst s0  }
0x9: {  	[smem:$0x3FA2] =	sst s1  }
0xa: {  	[smem:$0x3FA3] =	sst s2  }
0xb: {  	[smem:$0x3FA4] =	sst s3  }
0xc: {  	[smem:$0x3FA5] =	sst s4  }
0xd: {  	[smem:$0x3FA6] =	sst s5  }
0xe: {  	[smem:$0x3FA7] =	sst s6  }
0xf: {  	[smem:$0x3FA8] =	sst s7  }
0x10: {  	[smem:$0x3FA9] =	sst s8  }
0x11: {  	[smem:$0x3FAA] =	sst s9;
	s0 =	simm.s32 @!p0 $0x0  }
0x12: {  	s1 =	sld [smem:$0x3F90];
	s0 =	simm.s32 @p0 $0x1  }
0x13: {  	[smem:$0x3FAB] =	sst s0;
	s0 =	simm.s32 @!p1 $0x0  }
0x14: {  	s2 =	sld [smem:$0x3F8F];
	s0 =	simm.s32 @p1 $0x1  }
0x15: {  	[smem:$0x3FAC] =	sst s0;
	s0 =	simm.s32 @!p2 $0x0  }
0x16: {  	s3 =	sld [smem:$0x3FDB];
	s0 =	simm.s32 @p2 $0x1  }
0x17: {  	s4 =	simm.s32 $0x1BF5;
	[smem:$0x3FAE] =	sst s0  }
0x18: {  	s0 =	sld [smem:$0x3F91];
	_ =	swait.ge [sflag:s4], $0x0  }
0x19: {  	s7 =	sld [smem:$0x3F92]  }
0x1a: {  	s8 =	sadd.s32 $0xFFFFE003, lr  }
0x1b: {  	s9 =	sadd.s32 $0xFFFFFEF7, lr;
	s5 =	simm.s32 $0xFFFFFFFF;
	p2 =	slt.u32 s8, $0xFFFFF086  }
0x1c: {  	p1 =	slt.u32 s9, $0xF7A;
	s5 =	simm.s32 @!p2 $0x0  }
0x1d: {  	s5 =	simm.s32 @p1 $0x1;
	p0 =	seq.s32 s7, s2  }
0x1e: {  	s7 =	smul.u32 @!p0 $0xF7A, s2;
	p2 =	seq.s32 @!p0 s5, $0x0  }
0x1f: {  	s9 =	smul.u32 $0xF7A, s1;
	s8 =	simm.s32 @!p0 $0x1BF5;
	p2 =	por !p2, p0  }
0x20: {  	[sflag:s8] =	ssyncset.s32 @!p0 $0xFFFFF086;
	s6 =	sadd.s32 @!p0 s3, s7;
	s7 =	simm.s32 @!p0 $0x108  }
0x21: {  	s3 =	sadd.s32 s3, s9;
	s6 =	sadd.s32 @!p0 $0x88, s6;
	s7 =	simm.s32 @p2 $0x1082  }
0x22: {  	[simem:s7], [sflag:s8] =	dma.local @!p0 [hbm:s6], $0xF7A  }
0x23: {  	s9 =	sor.u32 $0xD0000000, s2;
	s6 =	simm.s32 $0x108;
	_ =	swait.ge @!p0 [sflag:s8], $0x0  }
0x24: {  	s3 =	sadd.s32 $0x88, s3;
	s6 =	simm.s32 @!p1 $0x1082;
	[sflag:s4] =	ssyncset.s32 $0xFFFFF086  }
0x25: {  	[simem:s6], [sflag:s4] =	dma.local [hbm:s3], $0xF7A  }
0x26: {  	[smem:$0x3F92] =	sst s1;
	(tag) =	ssettag s2;
	_ =	strace s9  }
0x27: {  	s1 =	sld [smem:$0x3FA2]  }
0x28: {  	s2 =	sld [smem:$0x3FA3]  }
0x29: {  	s4 =	sld [smem:$0x3FA5]  }
0x2a: {  	p0 =	seq.s32 s5, $0x0;
	s5 =	sld [smem:$0x3FA6]  }
0x2b: {  	s6 =	sld [smem:$0x3FA7]  }
0x2c: {  	s7 =	sld [smem:$0x3FA8]  }
0x2d: {  	s3 =	simm.s32 $0x108;
	s8 =	sld [smem:$0x3FA9]  }
0x2e: {  	s3 =	simm.s32 @!p0 $0x1082;
	s9 =	sld [smem:$0x3FAA]  }
0x2f: {  	lr =	sadd.s32 s0, s3;
	s0 =	sld [smem:$0x3FA1]  }
0x30: {  	s3 =	sld [smem:$0x3FA4]  }
0x31: {  	[smem:$0x3FAD] =	sst s10  }
0x32: {  	s10 =	sld [smem:$0x3FAB];
	_ =	sdelay $0x3  }
0x33: {  	p0 =	seq.s32 s10, $0x1;
	s10 =	sld [smem:$0x3FAD];
	_ =	sdelay $0x3  }
0x34: {  	[smem:$0x3FAD] =	sst s10  }
0x35: {  	s10 =	sld [smem:$0x3FAC];
	_ =	sdelay $0x3  }
0x36: {  	p1 =	seq.s32 s10, $0x1;
	s10 =	sld [smem:$0x3FAD];
	_ =	sdelay $0x3  }
0x37: {  	[smem:$0x3FAD] =	sst s10  }
0x38: {  	s10 =	sld [smem:$0x3FAE]  }
0x39: {  	_ = 	snop;
	(pc) =	sbr.ind lr, $3  }
0x3a: {  	_ = 	snop  }
0x3b: {  	_ = 	snop  }
0x3c: {  	p2 =	seq.s32 s10, $0x1;
	s10 =	sld [smem:$0x3FAD]  }
0x3d: {  	_ =	shalt  }
0x3e: {  	_ =	shalt  }
0x3f: {  	_ =	shalt  }
0x40: {  	_ =	shalt  }
0x41: {  	_ =	shalt  }
0x42: {  	_ =	shalt  }
0x43: {  	_ =	shalt  }
0x44: {  	_ =	shalt  }
0x45: {  	_ =	shalt  }
0x46: {  	_ =	shalt  }
0x47: {  	_ =	shalt  }
0x48: {  	_ =	shalt  }
0x49: {  	_ =	shalt  }
0x4a: {  	_ =	shalt  }
0x4b: {  	_ =	shalt  }
0x4c: {  	_ =	shalt  }
0x4d: {  	_ =	shalt  }
0x4e: {  	_ =	shalt  }
0x4f: {  	_ =	shalt  }
0x50: {  	_ =	shalt  }
0x51: {  	_ =	shalt  }
0x52: {  	_ =	shalt  }
0x53: {  	_ =	shalt  }
0x54: {  	_ =	shalt  }
0x55: {  	_ =	shalt  }
0x56: {  	_ =	shalt  }
0x57: {  	_ =	shalt  }
0x58: {  	_ =	shalt  }
0x59: {  	_ =	shalt  }
0x5a: {  	_ =	shalt  }
0x5b: {  	_ =	shalt  }
0x5c: {  	_ =	shalt  }
0x5d: {  	_ =	shalt  }
0x5e: {  	_ =	shalt  }
0x5f: {  	_ =	shalt  }
0x60: {  	_ =	shalt  }
0x61: {  	_ =	shalt  }
0x62: {  	_ =	shalt  }
0x63: {  	_ =	shalt  }
0x64: {  	_ =	shalt  }
0x65: {  	_ =	shalt  }
0x66: {  	_ =	shalt  }
0x67: {  	_ =	shalt  }
0x68: {  	_ =	shalt  }
0x69: {  	_ =	shalt  }
0x6a: {  	_ =	shalt  }
0x6b: {  	_ =	shalt  }
0x6c: {  	_ =	shalt  }
0x6d: {  	_ =	shalt  }
0x6e: {  	_ =	shalt  }
0x6f: {  	_ =	shalt  }
0x70: {  	_ =	shalt  }
0x71: {  	_ =	shalt  }
0x72: {  	_ =	shalt  }
0x73: {  	_ =	shalt  }
0x74: {  	_ =	shalt  }
0x75: {  	_ =	shalt  }
0x76: {  	_ =	shalt  }
0x77: {  	_ =	shalt  }
0x78: {  	_ =	shalt  }
0x79: {  	_ =	shalt  }
0x7a: {  	_ =	shalt  }
0x7b: {  	_ =	shalt  }
0x7c: {  	_ =	shalt  }
0x7d: {  	_ =	shalt  }
0x7e: {  	_ =	shalt  }
0x7f: {  	_ =	shalt  }
0x80: {  	_ =	shalt  }
0x81: {  	_ =	shalt  }
0x82: {  	_ =	shalt  }
0x83: {  	_ =	shalt  }
0x84: {  	_ =	shalt  }
0x85: {  	_ =	shalt  }
0x86: {  	_ =	shalt  }
0x87: {  	_ =	shalt  }
.Lfunc_end0:
.L_simem_size_0:
called_computation.2_lowered:
.L_overlay_start_0:
0x88: {  	s2 =	sld [smem:$0x3FD9]  }
0x89: {  	s3 =	sld [smem:$0x3FFE];
	_ =	sdelay $0x1  }
0x8a: {  	s1 =	srdreg.scid  }
0x8b: {  	s0 =	sand.u32 $0x1, s1  }
0x8c: {  	s16 =	sshll.u32 s0, $0xA;
	s2 =	sadd.s32 s3, s2  }
0x8d: {  	s2 =	sadd.s32 s2, s16  }
0x8e: {  	[smem:$0x3FB9] =	sst s2  }
0x8f: {  	_ = 	snop  }
0x90: {  	(tm) =	ssettm $0x1  }
0x91: {  	s17 =	sld [smem:$0x3FFB];
	_ =	sdelay $0x3  }
0x92: {  	_ =	strace s17  }
0x93: {  	s2 =	sld [smem:$0x3FFC];
	_ =	sdelay $0x3  }
0x94: {  	_ =	strace s2  }
0x95: {  	s2 =	sld [smem:$0x3FFD];
	_ =	sdelay $0x3  }
0x96: {  	_ =	strace s2  }
0x97: {  	_ =	strace $0x8FFFFFFF  }
0x98: {  	s18 =	sld [smem:$0x3FDB];
	_ =	sdelay $0x1  }
0x99: {  	s19 =	simm.s32 $_scs_section_size  }
0x9a: {  	s4 =	simm.s32 $_size__tile_overlayer_lowered;
	s5 =	simm.s32 $_tile_overlayer_lowered  }
0x9b: {  	s22 =	simm.s32 $0x1BFF;
	s21 =	sshll.u32 s5, $0x1;
	s2 =	sadd.s32 s19, s18  }
0x9c: {  	s6 =	simm.s32 $0x0;
	s20 =	sshll.u32 s4, $0x1;
	s4 =	sadd.s32 s21, s2  }
0x9d: {  	[timem:s6], [sflag:s22] =	dma.local [hbm:s4], s20  }
0x9e: {  	_ =	swait.ge [sflag:s22], s20  }
0x9f: {  	s3 =	ssub.s32 $0x0, s20;
	[sflag:s22] =	ssyncset.done $0x0  }
0xa0: {  	[sflag:s22] =	ssyncadd.s32 s3;
	_ =	sdelay $0x1  }
0xa1: {  	s23 =	simm.s32 $0x1B8B  }
0xa2: {  	_ =	swait.ge [sflag:s23], $0x1  }
0xa3: {  	[sflag:s23] =	ssyncset.done $0x0  }
0xa4: {  	s25 =	simm.s32 $0x1B8E;
	s24 =	sld [smem:$0x3FFE];
	[sflag:s23] =	ssyncadd.s32 $0xFFFFFFFF  }
0xa5: {  	s26 =	simm.s32 $execute0_lowered;
	[smem:$0x3FD2] =	sst s25  }
0xa6: {  	s4 =	sshll.u32 s26, $0x1;
	_ =	strace $0x8000004C;
	[dreg:$0x1] =	wrdreg $0xFFFFFFFF  }
0xa7: {  	s28 =	simm.s32 $_size_execute0_lowered;
	s2 =	sadd.s32 s2, s4;
	[dreg:$0x0] =	wrdreg $0x0  }
0xa8: {  	s4 =	sshll.u32 s28, $0x1;
	[dreg:$0x2] =	wrdreg s2  }
0xa9: {  	[dreg:$0x3] =	wrdreg s4  }
0xaa: {  	[dreg:$0x4] =	wrdreg $0xC0  }
0xab: {  	_ =	task [dreg:s6], $0x5FFFF  }
0xac: {  	[dreg:$0x1] =	wrdreg $0xFFFFFFFF  }
0xad: {  	[dreg:$0x0] =	wrdreg $0x60  }
0xae: {  	[dreg:$0x2] =	wrdreg s24  }
0xaf: {  	[dreg:$0x3] =	wrdreg $0x0  }
0xb0: {  	[dreg:$0x4] =	wrdreg $0x9  }
0xb1: {  	_ =	task.clear_ibuf [dreg:s6], $0x5FFFF;
	_ =	strace $0x9000004C  }
0xb2: {  	s29 =	simm.s32 $0x9;
	_ =	strace $0x8000004E  }
0xb3: {  	_ =	swait.ge [sflag:s29], $0x1  }
0xb4: {  	[sflag:s29] =	ssyncadd.s32 $0xFFFFFFFF  }
0xb5: {  	_ =	strace $0x9000004E  }
0xb6: {  	_ =	sfence  }
0xb7: {  	s30 =	sld [smem:$0x0];
	_ =	sdelay $0x2  }
0xb8: {  	s31 =	sshll.u32 s1, $0xD;
	s1 =	sshrl.u32 s1, $0x2  }
0xb9: {  	s3 =	sand.u32 $0x4000, s31;
	s1 =	sadd.s32 s1, s30  }
0xba: {  	s0 =	sor.u32 s3, s0;
	s1 =	sshll.u32 s1, $0x11  }
0xbb: {  	s0 =	sor.u32 s1, s0  }
0xbc: {  	s0 =	sadd.s32 $0x8F2B, s0  }
0xbd: {  	[sflag:s0] =	ssyncadd.remote.s32 $0x1  }
0xbe: {  	_ =	sfence.sel $0xFFFF  }
0xbf: {  	[dreg:$0x0] =	wrdreg $0xFFFFFFFF;
	(pc) =	sbr.abs _section_cstart, $3  }
0xc0: {  	[dreg:$0x1] =	wrdreg $0xFFFFFFFF  }
0xc1: {  	_ =	task.clear_ibuf [dreg:s6], $0x2FFFF;
	_ =	strace $0x9FFFFFFF  }
0xc2: {  	(tm) =	ssettm $0x7FFFFFFF  }
0xc3: {  	_ =	shalt  }
tec
execute0_lowered:
.L_overlay_start_1:
0x0: {  	(tag) =	ssettag $0x1  }
0x1: {  	s0 =	rddreg [dreg:$0x0]  }
0x2: {  	s1 =	rddreg [dreg:$0x1]  }
0x3: {  	s3 =	simm.s32 $0x0;
	s2 =	srdreg.scid;
	s8 =	stileid.u32  }
0x4: {  	s14 =	simm.s32 $0x15000;
	s15 =	simm.s32 $0x5;
	s16 =	simm.s32 $0x14000  }
0x5: {  	s13 =	simm.s32 $0x14C00;
	s28 =	simm.s32 $0x14D80;
	s29 =	simm.s32 $0x14600  }
0x6: {  	s30 =	simm.s32 $0x14680;
	s31 =	simm.s32 $0x14E00;
	s4 =	smul.u32 $0x90, s8  }
0x7: {  	[smem:$0x7FF] =	sst s3;
	s2 =	sand.u32 $0x1, s2;
	s7 =	smul.u32 $0x14000, s8  }
0x8: {  	s5 =	sshll.u32 s8, $0x4;
	s8 =	smul.u32 $0x50000, s8;
	p0 =	seq.s32 s2, $0x0  }
0x9: {  	s5 =	sor.u32 $0x900, s5;
	s6 =	smul.u32 $0x140000, s2;
	_ =	strace $0x8000004D  }
0xa: {  	s17 =	ssub.s32 $0x2, s2;
	s5 =	smov.u32 @p0 s4;
	s4 =	sadd.s32 $0x34C00, s0  }
0xb: {  	s9 =	sshrl.u32 s17, $0x1;
	s19 =	sshrl.u32 s8, $0x2;
	p0 =	sne.s32 s2, $0x0  }
0xc: {  	s2 =	simm.s32 $0x14700;
	s8 =	simm.s32 $0x14F80;
	s5 =	sshll.u32 s5, $0x4  }
0xd: {  	s6 =	sadd.s32 s7, s6;
	s18 =	ssub.s32 s17, s9;
	s7 =	sadd.s32 s19, s1  }
0xe: {  	s17 =	simm.s32 $0x14800;
	s20 =	smax.u32 s18, $0x1;
	[dreg:$0x3] =	wrdreg s7  }
0xf: {  	s19 =	simm.s32 $0x14500;
	s21 =	sadd.s32 $0x4000, s7;
	[dreg:$0x5] =	wrdreg s20  }
0x10: {  	s5 =	sadd.s32 s5, s0;
	s22 =	sadd.s32 $0x8000, s7;
	[dreg:$0x6] =	wrdreg s21  }
0x11: {  	s6 =	sshrl.u32 s6, $0x3;
	s23 =	sadd.s32 $0xC000, s7;
	[dreg:$0x7] =	wrdreg s22  }
0x12: {  	s24 =	sadd.s32 $0x10000, s7;
	s18 =	simm.s32 $0x80;
	[dreg:$0x8] =	wrdreg s23  }
0x13: {  	s0 =	sadd.s32 s6, s0;
	[dreg:$0x9] =	wrdreg s24;
	s25 =	sadd.s32 $0x2A00, s5  }
0x14: {  	s26 =	sadd.s32 $0x2AC00, s5;
	s20 =	simm.s32 $0x19000;
	s21 =	simm.s32 $0x1  }
0x15: {  	s22 =	simm.s32 $0x2;
	s24 =	simm.s32 $0x3;
	s5 =	simm.s32 $0x14C80  }
0x16: {  	s23 =	simm.s32 $0x14580;
	s6 =	simm.s32 $0x14780;
	[dreg:$0xa] =	wrdreg s25  }
0x17: {  	s0 =	sadd.s32 $0x5BE00, s0;
	[dreg:$0xb] =	wrdreg s26;
	s26 =	simm.s32 $0x4  }
0x18: {  	v0 =	vimm.s32 $0x0;
	s25 =	simm.s32 $0x14D00;
	[dreg:$0x4] =	wrdreg s0;
	s0 =	simm.s32 $0x0  }
.LBB2_1:
0x19: {  	[dreg:$0xc] =	wrdreg s0;
	s9 =	simm.s32 $0x0;
	s10 =	simm.s32 $0x200  }
.LBB2_2:
0x1a: {  	p1 =	sne.s32 s10, $0xFE00;
	[tilespmem:s9+$0x15070] =	vst v0  }
0x1b: {  	[tilespmem:s9+$0x15000] =	vst v0  }
0x1c: {  	[tilespmem:s9+$0x15010] =	vst v0  }
.Ltmp0:
0x1d: {  	[tilespmem:s9+$0x15020] =	vst v0;
	(pc) =	sbr.rel @p1 .LBB2_2-.Ltmp0, $4  }
0x1e: {  	[tilespmem:s9+$0x15030] =	vst v0  }
0x1f: {  	[tilespmem:s9+$0x15040] =	vst v0  }
0x20: {  	[tilespmem:s9+$0x15050] =	vst v0  }
0x21: {  	[tilespmem:s9+$0x15060] =	vst v0;
	s9 =	sshra.s32 s10, $0x2;
	s10 =	sadd.s32 $0x200, s10  }
0x22: {  	[tilespmem:s9+$0x15070] =	vst v0  }
0x23: {  	[tilespmem:s9+$0x15000] =	vst v0  }
0x24: {  	[tilespmem:s9+$0x15010] =	vst v0  }
0x25: {  	[tilespmem:s9+$0x15020] =	vst v0  }
0x26: {  	[tilespmem:s9+$0x15030] =	vst v0  }
0x27: {  	[tilespmem:s9+$0x15040] =	vst v0  }
0x28: {  	[tilespmem:s9+$0x15050] =	vst v0  }
0x29: {  	[tilespmem:s9+$0x15060] =	vst v0  }
0x2a: {  	[spmem:s7] =	stream.linear.scatter [tilespmem:s14], [sflag:$0x5], $0x4000, $0x38;
	[tilespmem:$0x1D000] =	vst v63  }
0x2b: {  	_ =	swait.ge [sflag:s15], $0x4000  }
0x2c: {  	[sflag:s15] =	ssyncset.done $0x0  }
0x2d: {  	s7 =	rddreg [dreg:$0x6];
	[sflag:s15] =	ssyncadd.s32 $0xFFFFC000  }
0x2e: {  	[spmem:s7] =	stream.linear.scatter [tilespmem:s14], [sflag:$0x5], $0x4000, $0x38;
	[tilespmem:$0x1D000] =	vst v63  }
0x2f: {  	_ =	swait.ge [sflag:s15], $0x4000  }
0x30: {  	[sflag:s15] =	ssyncset.done $0x0  }
0x31: {  	s10 =	rddreg [dreg:$0x7];
	[sflag:s15] =	ssyncadd.s32 $0xFFFFC000  }
0x32: {  	[spmem:s10] =	stream.linear.scatter [tilespmem:s14], [sflag:$0x5], $0x4000, $0x38;
	[tilespmem:$0x1D000] =	vst v63  }
0x33: {  	_ =	swait.ge [sflag:s15], $0x4000  }
0x34: {  	[sflag:s15] =	ssyncset.done $0x0  }
0x35: {  	s11 =	rddreg [dreg:$0x8];
	[sflag:s15] =	ssyncadd.s32 $0xFFFFC000  }
0x36: {  	[spmem:s11] =	stream.linear.scatter [tilespmem:s14], [sflag:$0x5], $0x4000, $0x38;
	[tilespmem:$0x1D000] =	vst v63  }
0x37: {  	_ =	swait.ge [sflag:s15], $0x4000  }
0x38: {  	[sflag:s15] =	ssyncset.done $0x0  }
0x39: {  	s12 =	rddreg [dreg:$0x9];
	[sflag:s15] =	ssyncadd.s32 $0xFFFFC000  }
0x3a: {  	[spmem:s12] =	stream.linear.scatter [tilespmem:s14], [sflag:$0x5], $0x4000, $0x38;
	[tilespmem:$0x1D000] =	vst v63  }
0x3b: {  	_ =	swait.ge [sflag:s15], $0x4000  }
0x3c: {  	[sflag:s15] =	ssyncset.done $0x0  }
0x3d: {  	[sflag:s15] =	ssyncadd.s32 $0xFFFFC000  }
0x3e: {  	[bflag:$0x0] =	sbarrier.arrive $0xFFFF  }
0x3f: {  	s0 =	simm.s32 $0x14E80;
	s9 =	rddreg [dreg:$0xb]  }
0x40: {  	s7 =	simm.s32 $0x14F00;
	s11 =	simm.s32 $0x0;
	s10 =	rddreg [dreg:$0xa]  }
.LBB2_4:
0x41: {  	[tilespmem:s16], [sflag:$0x5] =	stream.linear.gather [hbm4b:s9+s3], $0x800, $0x38;
	[tilespmem:$0x1D000] =	vst v63  }
0x42: {  	_ =	swait.ge [sflag:s15], $0x800  }
0x43: {  	[sflag:s15] =	ssyncset.done $0x0  }
0x44: {  	[sflag:s15] =	ssyncadd.s32 $0xFFFFF800  }
0x45: {  	[tilespmem:s17], [sflag:$0x5] =	stream.linear.gather [hbm4b:s10+s3], $0x800, $0x38;
	[tilespmem:$0x1D000] =	vst v63  }
0x46: {  	_ =	swait.ge [sflag:s15], $0x800  }
0x47: {  	[sflag:s15] =	ssyncset.done $0x0  }
0x48: {  	[sflag:s15] =	ssyncadd.s32 $0xFFFFF800  }
0x49: {  	[tilespmem:s14], [sflag:$0x1] =	stream.indirect.gather [hbm4b:s4+s18], $0x80, s16, s18, $0xb8;
	[tilespmem:$0x1D000] =	vst v63  }
0x4a: {  	s12 =	simm.s32 $0x14080  }
0x4b: {  	[tilespmem:s20], [sflag:$0x2] =	stream.indirect.gather [hbm4b:s4+s18], $0x80, s12, s18, $0xb8;
	[tilespmem:$0x1D000] =	vst v63  }
0x4c: {  	_ =	swait.ge [sflag:s21], $0x4000  }
0x4d: {  	[sflag:s21] =	ssyncset.done $0x0  }
0x4e: {  	[sflag:s21] =	ssyncadd.s32 $0xFFFFC000  }
0x4f: {  	[spmem:s1] =	stream.indirect.scatter.add.s32 [tilespmem:s14], [sflag:$0x3], $0x80, s17, s18, $0xb8;
	[tilespmem:$0x1D000] =	vst v63  }
0x50: {  	_ =	swait.ge [sflag:s22], $0x4000  }
0x51: {  	[sflag:s22] =	ssyncset.done $0x0  }
0x52: {  	s12 =	simm.s32 $0x14880;
	[sflag:s22] =	ssyncadd.s32 $0xFFFFC000  }
0x53: {  	[spmem:s1] =	stream.indirect.scatter.add.s32 [tilespmem:s20], [sflag:$0x4], $0x80, s12, s18, $0xb8;
	[tilespmem:$0x1D000] =	vst v63  }
0x54: {  	_ =	swait.ge [sflag:s24], $0x4000  }
0x55: {  	[sflag:s24] =	ssyncset.done $0x0  }
0x56: {  	s12 =	simm.s32 $0x14100;
	[sflag:s24] =	ssyncadd.s32 $0xFFFFC000  }
0x57: {  	[tilespmem:s14], [sflag:$0x1] =	stream.indirect.gather [hbm4b:s4+s18], $0x80, s12, s18, $0xb8;
	[tilespmem:$0x1D000] =	vst v63  }
0x58: {  	_ =	swait.ge [sflag:s26], $0x4000  }
0x59: {  	[sflag:s26] =	ssyncset.done $0x0  }
0x5a: {  	s12 =	simm.s32 $0x14180;
	[sflag:s26] =	ssyncadd.s32 $0xFFFFC000  }
0x5b: {  	[tilespmem:s20], [sflag:$0x2] =	stream.indirect.gather [hbm4b:s4+s18], $0x80, s12, s18, $0xb8;
	[tilespmem:$0x1D000] =	vst v63  }
0x5c: {  	_ =	swait.ge [sflag:s21], $0x4000  }
0x5d: {  	[sflag:s21] =	ssyncset.done $0x0  }
0x5e: {  	s12 =	simm.s32 $0x14900;
	[sflag:s21] =	ssyncadd.s32 $0xFFFFC000  }
0x5f: {  	[spmem:s1] =	stream.indirect.scatter.add.s32 [tilespmem:s14], [sflag:$0x3], $0x80, s12, s18, $0xb8;
	[tilespmem:$0x1D000] =	vst v63  }
0x60: {  	_ =	swait.ge [sflag:s22], $0x4000  }
0x61: {  	[sflag:s22] =	ssyncset.done $0x0  }
0x62: {  	s12 =	simm.s32 $0x14980;
	[sflag:s22] =	ssyncadd.s32 $0xFFFFC000  }
0x63: {  	[spmem:s1] =	stream.indirect.scatter.add.s32 [tilespmem:s20], [sflag:$0x4], $0x80, s12, s18, $0xb8;
	[tilespmem:$0x1D000] =	vst v63  }
0x64: {  	_ =	swait.ge [sflag:s24], $0x4000  }
0x65: {  	[sflag:s24] =	ssyncset.done $0x0  }
0x66: {  	s12 =	simm.s32 $0x14200;
	[sflag:s24] =	ssyncadd.s32 $0xFFFFC000  }
0x67: {  	[tilespmem:s14], [sflag:$0x1] =	stream.indirect.gather [hbm4b:s4+s18], $0x80, s12, s18, $0xb8;
	[tilespmem:$0x1D000] =	vst v63  }
0x68: {  	_ =	swait.ge [sflag:s26], $0x4000  }
0x69: {  	[sflag:s26] =	ssyncset.done $0x0  }
0x6a: {  	s12 =	simm.s32 $0x14280;
	[sflag:s26] =	ssyncadd.s32 $0xFFFFC000  }
0x6b: {  	[tilespmem:s20], [sflag:$0x2] =	stream.indirect.gather [hbm4b:s4+s18], $0x80, s12, s18, $0xb8;
	[tilespmem:$0x1D000] =	vst v63  }
0x6c: {  	_ =	swait.ge [sflag:s21], $0x4000  }
0x6d: {  	[sflag:s21] =	ssyncset.done $0x0  }
0x6e: {  	s12 =	simm.s32 $0x14A00;
	[sflag:s21] =	ssyncadd.s32 $0xFFFFC000  }
0x6f: {  	[spmem:s1] =	stream.indirect.scatter.add.s32 [tilespmem:s14], [sflag:$0x3], $0x80, s12, s18, $0xb8;
	[tilespmem:$0x1D000] =	vst v63  }
0x70: {  	_ =	swait.ge [sflag:s22], $0x4000  }
0x71: {  	[sflag:s22] =	ssyncset.done $0x0  }
0x72: {  	s12 =	simm.s32 $0x14A80;
	[sflag:s22] =	ssyncadd.s32 $0xFFFFC000  }
0x73: {  	[spmem:s1] =	stream.indirect.scatter.add.s32 [tilespmem:s20], [sflag:$0x4], $0x80, s12, s18, $0xb8;
	[tilespmem:$0x1D000] =	vst v63  }
0x74: {  	_ =	swait.ge [sflag:s24], $0x4000  }
0x75: {  	[sflag:s24] =	ssyncset.done $0x0  }
0x76: {  	s12 =	simm.s32 $0x14300;
	[sflag:s24] =	ssyncadd.s32 $0xFFFFC000  }
0x77: {  	[tilespmem:s14], [sflag:$0x1] =	stream.indirect.gather [hbm4b:s4+s18], $0x80, s12, s18, $0xb8;
	[tilespmem:$0x1D000] =	vst v63  }
0x78: {  	_ =	swait.ge [sflag:s26], $0x4000  }
0x79: {  	[sflag:s26] =	ssyncset.done $0x0  }
0x7a: {  	s12 =	simm.s32 $0x14380;
	[sflag:s26] =	ssyncadd.s32 $0xFFFFC000  }
0x7b: {  	[tilespmem:s20], [sflag:$0x2] =	stream.indirect.gather [hbm4b:s4+s18], $0x80, s12, s18, $0xb8;
	[tilespmem:$0x1D000] =	vst v63  }
0x7c: {  	_ =	swait.ge [sflag:s21], $0x4000  }
0x7d: {  	[sflag:s21] =	ssyncset.done $0x0  }
0x7e: {  	s12 =	simm.s32 $0x14B00;
	[sflag:s21] =	ssyncadd.s32 $0xFFFFC000  }
0x7f: {  	[spmem:s1] =	stream.indirect.scatter.add.s32 [tilespmem:s14], [sflag:$0x3], $0x80, s12, s18, $0xb8;
	[tilespmem:$0x1D000] =	vst v63  }
0x80: {  	_ =	swait.ge [sflag:s22], $0x4000  }
0x81: {  	[sflag:s22] =	ssyncset.done $0x0  }
0x82: {  	s12 =	simm.s32 $0x14B80;
	[sflag:s22] =	ssyncadd.s32 $0xFFFFC000  }
0x83: {  	[spmem:s1] =	stream.indirect.scatter.add.s32 [tilespmem:s20], [sflag:$0x4], $0x80, s12, s18, $0xb8;
	[tilespmem:$0x1D000] =	vst v63  }
0x84: {  	_ =	swait.ge [sflag:s24], $0x4000  }
0x85: {  	[sflag:s24] =	ssyncset.done $0x0  }
0x86: {  	s12 =	simm.s32 $0x14400;
	[sflag:s24] =	ssyncadd.s32 $0xFFFFC000  }
0x87: {  	[tilespmem:s14], [sflag:$0x1] =	stream.indirect.gather [hbm4b:s4+s18], $0x80, s12, s18, $0xb8;
	[tilespmem:$0x1D000] =	vst v63  }
0x88: {  	_ =	swait.ge [sflag:s26], $0x4000  }
0x89: {  	[sflag:s26] =	ssyncset.done $0x0  }
0x8a: {  	s12 =	simm.s32 $0x14480;
	[sflag:s26] =	ssyncadd.s32 $0xFFFFC000  }
0x8b: {  	[tilespmem:s20], [sflag:$0x2] =	stream.indirect.gather [hbm4b:s4+s18], $0x80, s12, s18, $0xb8;
	[tilespmem:$0x1D000] =	vst v63  }
0x8c: {  	_ =	swait.ge [sflag:s21], $0x4000  }
0x8d: {  	[sflag:s21] =	ssyncset.done $0x0  }
0x8e: {  	[sflag:s21] =	ssyncadd.s32 $0xFFFFC000  }
0x8f: {  	[spmem:s1] =	stream.indirect.scatter.add.s32 [tilespmem:s14], [sflag:$0x3], $0x80, s13, s18, $0xb8;
	[tilespmem:$0x1D000] =	vst v63  }
0x90: {  	_ =	swait.ge [sflag:s22], $0x4000  }
0x91: {  	[sflag:s22] =	ssyncset.done $0x0  }
0x92: {  	[sflag:s22] =	ssyncadd.s32 $0xFFFFC000  }
0x93: {  	[spmem:s1] =	stream.indirect.scatter.add.s32 [tilespmem:s20], [sflag:$0x4], $0x80, s5, s18, $0xb8;
	[tilespmem:$0x1D000] =	vst v63  }
0x94: {  	_ =	swait.ge [sflag:s24], $0x4000  }
0x95: {  	[sflag:s24] =	ssyncset.done $0x0  }
0x96: {  	[sflag:s24] =	ssyncadd.s32 $0xFFFFC000  }
0x97: {  	[tilespmem:s14], [sflag:$0x1] =	stream.indirect.gather [hbm4b:s4+s18], $0x80, s19, s18, $0xb8;
	[tilespmem:$0x1D000] =	vst v63  }
0x98: {  	_ =	swait.ge [sflag:s26], $0x4000  }
0x99: {  	[sflag:s26] =	ssyncset.done $0x0  }
0x9a: {  	[sflag:s26] =	ssyncadd.s32 $0xFFFFC000  }
0x9b: {  	[tilespmem:s20], [sflag:$0x2] =	stream.indirect.gather [hbm4b:s4+s18], $0x80, s23, s18, $0xb8;
	[tilespmem:$0x1D000] =	vst v63  }
0x9c: {  	_ =	swait.ge [sflag:s21], $0x4000  }
0x9d: {  	[sflag:s21] =	ssyncset.done $0x0  }
0x9e: {  	[sflag:s21] =	ssyncadd.s32 $0xFFFFC000  }
0x9f: {  	[spmem:s1] =	stream.indirect.scatter.add.s32 [tilespmem:s14], [sflag:$0x3], $0x80, s25, s18, $0xb8;
	[tilespmem:$0x1D000] =	vst v63  }
0xa0: {  	_ =	swait.ge [sflag:s22], $0x4000  }
0xa1: {  	[sflag:s22] =	ssyncset.done $0x0  }
0xa2: {  	[sflag:s22] =	ssyncadd.s32 $0xFFFFC000  }
0xa3: {  	[spmem:s1] =	stream.indirect.scatter.add.s32 [tilespmem:s20], [sflag:$0x4], $0x80, s28, s18, $0xb8;
	[tilespmem:$0x1D000] =	vst v63  }
0xa4: {  	_ =	swait.ge [sflag:s24], $0x4000  }
0xa5: {  	[sflag:s24] =	ssyncset.done $0x0  }
0xa6: {  	[sflag:s24] =	ssyncadd.s32 $0xFFFFC000  }
0xa7: {  	[tilespmem:s14], [sflag:$0x1] =	stream.indirect.gather [hbm4b:s4+s18], $0x80, s29, s18, $0xb8;
	[tilespmem:$0x1D000] =	vst v63  }
0xa8: {  	_ =	swait.ge [sflag:s26], $0x4000  }
0xa9: {  	[sflag:s26] =	ssyncset.done $0x0  }
0xaa: {  	[sflag:s26] =	ssyncadd.s32 $0xFFFFC000  }
0xab: {  	[tilespmem:s20], [sflag:$0x2] =	stream.indirect.gather [hbm4b:s4+s18], $0x80, s30, s18, $0xb8;
	[tilespmem:$0x1D000] =	vst v63  }
0xac: {  	_ =	swait.ge [sflag:s21], $0x4000  }
0xad: {  	[sflag:s21] =	ssyncset.done $0x0  }
0xae: {  	[sflag:s21] =	ssyncadd.s32 $0xFFFFC000  }
0xaf: {  	[spmem:s1] =	stream.indirect.scatter.add.s32 [tilespmem:s14], [sflag:$0x3], $0x80, s31, s18, $0xb8;
	[tilespmem:$0x1D000] =	vst v63  }
0xb0: {  	_ =	swait.ge [sflag:s22], $0x4000  }
0xb1: {  	[sflag:s22] =	ssyncset.done $0x0  }
0xb2: {  	[sflag:s22] =	ssyncadd.s32 $0xFFFFC000  }
0xb3: {  	[spmem:s1] =	stream.indirect.scatter.add.s32 [tilespmem:s20], [sflag:$0x4], $0x80, s0, s18, $0xb8;
	[tilespmem:$0x1D000] =	vst v63  }
0xb4: {  	_ =	swait.ge [sflag:s24], $0x4000  }
0xb5: {  	[sflag:s24] =	ssyncset.done $0x0  }
0xb6: {  	[sflag:s24] =	ssyncadd.s32 $0xFFFFC000  }
0xb7: {  	[tilespmem:s14], [sflag:$0x1] =	stream.indirect.gather [hbm4b:s4+s18], $0x80, s2, s18, $0xb8;
	[tilespmem:$0x1D000] =	vst v63  }
0xb8: {  	_ =	swait.ge [sflag:s26], $0x4000  }
0xb9: {  	[sflag:s26] =	ssyncset.done $0x0  }
0xba: {  	[sflag:s26] =	ssyncadd.s32 $0xFFFFC000  }
0xbb: {  	[tilespmem:s20], [sflag:$0x2] =	stream.indirect.gather [hbm4b:s4+s18], $0x80, s6, s18, $0xb8;
	[tilespmem:$0x1D000] =	vst v63  }
0xbc: {  	_ =	swait.ge [sflag:s21], $0x4000  }
0xbd: {  	[sflag:s21] =	ssyncset.done $0x0  }
0xbe: {  	[sflag:s21] =	ssyncadd.s32 $0xFFFFC000  }
0xbf: {  	[spmem:s1] =	stream.indirect.scatter.add.s32 [tilespmem:s14], [sflag:$0x3], $0x80, s7, s18, $0xb8;
	[tilespmem:$0x1D000] =	vst v63  }
0xc0: {  	_ =	swait.ge [sflag:s22], $0x4000  }
0xc1: {  	[sflag:s22] =	ssyncset.done $0x0  }
0xc2: {  	p1 =	slt.u32 @!p0 s11, $0x8;
	[sflag:s22] =	ssyncadd.s32 $0xFFFFC000  }
0xc3: {  	[spmem:s1] =	stream.indirect.scatter.add.s32 [tilespmem:s20], [sflag:$0x4], $0x80, s8, s18, $0xb8;
	[tilespmem:$0x1D000] =	vst v63  }
0xc4: {  	p1 =	por p0, !p1;
	_ =	swait.ge [sflag:s24], $0x4000  }
.Ltmp1:
0xc5: {  	[sflag:s24] =	ssyncset.done $0x0;
	(pc) =	sbr.rel @!p1 .LBB2_4-.Ltmp1, $4  }
0xc6: {  	[sflag:s24] =	ssyncadd.s32 $0xFFFFC000  }
0xc7: {  	_ =	swait.ge [sflag:s26], $0x4000  }
0xc8: {  	s11 =	sadd.s32 $0x1, s11;
	[sflag:s26] =	ssyncset.done $0x0  }
0xc9: {  	s9 =	sadd.s32 $0x100, s9;
	s10 =	sadd.s32 $0x100, s10;
	[sflag:s26] =	ssyncadd.s32 $0xFFFFC000  }
0xca: {  	s9 =	stileid.u32;
	[bflag:$0x0] =	sbarrier.arrive $0xFFFF  }
0xcb: {  	s9 =	sshll.u32 s9, $0x6;
	s7 =	rddreg [dreg:$0x3]  }
0xcc: {  	s11 =	rddreg [dreg:$0x4];
	s9 =	sor.u32 $0x1C05, s9;
	s10 =	sshrl.u32 s7, $0x3  }
0xcd: {  	[hbm:s11], [sflag:s9] =	dma.local [spmem:s10], $0x2800  }
0xce: {  	_ =	swait.ge [sflag:s15], $0x2800  }
0xcf: {  	s0 =	rddreg [dreg:$0xc]  }
0xd0: {  	s12 =	rddreg [dreg:$0x5];
	s0 =	sadd.s32 $0x1, s0  }
0xd1: {  	p1 =	sne.s32 s0, s12  }
.Ltmp2:
0xd2: {  	_ = 	snop;
	(pc) =	sbr.rel @p1 .LBB2_1-.Ltmp2, $3  }
0xd3: {  	_ =	sdelay $0x1  }
0xd4: {  	[sflag:s15] =	ssyncset.done $0x0  }
0xd5: {  	[sflag:s15] =	ssyncadd.s32 $0xFFFFD800  }
0xd6: {  	_ =	sfence.sel $0x180000  }
0xd7: {  	[bflag:$0x0] =	sbarrier.arrive $0xFFFF  }
0xd8: {  	_ =	strace $0x9000004D  }
0xd9: {  	s0 =	stileid.u32;
	[bflag:$0x2] =	sbarrier.arrive $0xFFFF  }
0xda: {  	p0 =	sne.s32 s0, $0x0;
	s0 =	rddreg [dreg:$0x2]  }
0xdb: {  	s0 =	sadd.s32 @!p0 $0x100000, s0  }
0xdc: {  	[sflag:s0] =	ssyncadd.tile.s32 @!p0 $0x1;
	_ =	shalt  }
.Lfunc_end2:
_tile_overlayer_lowered:
.L_overlay_start_2:
0xdd: {  	(tag) =	ssettag $0x2  }
0xde: {  	s0 =	rddreg [dreg:$0x0];
	s2 =	stileid.u32  }
0xdf: {  	s1 =	rddreg [dreg:$0x1];
	p0 =	sne.s32 s2, $0x0  }
0xe0: {  	s3 =	rddreg [dreg:$0x2];
	[bflag:$0x3] =	sbarrier.arrive $0xFFFF;
	s2 =	simm.s32 @!p0 $0x1C05  }
0xe1: {  	[timem:s3], [sflag:s2] =	dma.local @!p0 [hbm:s0], s1  }
0xe2: {  	s0 =	simm.s32 @!p0 $0x5  }
0xe3: {  	_ =	swait.ge @!p0 [sflag:s0], s1  }
0xe4: {  	s1 =	ssub.s32 @!p0 $0x0, s1;
	[sflag:s0] =	ssyncset.done @!p0 $0x0  }
0xe5: {  	[sflag:s0] =	ssyncadd.s32 @!p0 s1  }
0xe6: {  	[bflag:$0x3] =	sbarrier.arrive $0xFFFF  }
0xe7: {  	_ =	shalt  }

// kernel: kernel.9.cloned.1.call-start
scs
__scs_entry_jumppad:
0x0: {  	(pc) =	sbr.rel $0x88, $3  }
0x1: {  	(tag) =	ssettag $0x0;
	lr =	simm.s32 $0x1  }
0x2: {  	[smem:$0x3F92] =	sst lr;
	_ =	strace $0xD0000000  }
0x3: {  	_ = 	snop  }
0x4: {  	_ = 	snop  }
0x5: {  	_ = 	snop  }
0x6: {  	_ = 	snop  }
0x7: {  	_ = 	snop  }
__scs_overlays_trampoline_lowered:
0x8: {  	[smem:$0x3FA1] =	sst s0  }
0x9: {  	[smem:$0x3FA2] =	sst s1  }
0xa: {  	[smem:$0x3FA3] =	sst s2  }
0xb: {  	[smem:$0x3FA4] =	sst s3  }
0xc: {  	[smem:$0x3FA5] =	sst s4  }
0xd: {  	[smem:$0x3FA6] =	sst s5  }
0xe: {  	[smem:$0x3FA7] =	sst s6  }
0xf: {  	[smem:$0x3FA8] =	sst s7  }
0x10: {  	[smem:$0x3FA9] =	sst s8  }
0x11: {  	[smem:$0x3FAA] =	sst s9;
	s0 =	simm.s32 @!p0 $0x0  }
0x12: {  	s1 =	sld [smem:$0x3F90];
	s0 =	simm.s32 @p0 $0x1  }
0x13: {  	[smem:$0x3FAB] =	sst s0;
	s0 =	simm.s32 @!p1 $0x0  }
0x14: {  	s2 =	sld [smem:$0x3F8F];
	s0 =	simm.s32 @p1 $0x1  }
0x15: {  	[smem:$0x3FAC] =	sst s0;
	s0 =	simm.s32 @!p2 $0x0  }
0x16: {  	s3 =	sld [smem:$0x3FDB];
	s0 =	simm.s32 @p2 $0x1  }
0x17: {  	s4 =	simm.s32 $0x1BF5;
	[smem:$0x3FAE] =	sst s0  }
0x18: {  	s0 =	sld [smem:$0x3F91];
	_ =	swait.ge [sflag:s4], $0x0  }
0x19: {  	s7 =	sld [smem:$0x3F92]  }
0x1a: {  	s8 =	sadd.s32 $0xFFFFE003, lr  }
0x1b: {  	s9 =	sadd.s32 $0xFFFFFEF7, lr;
	s5 =	simm.s32 $0xFFFFFFFF;
	p2 =	slt.u32 s8, $0xFFFFF086  }
0x1c: {  	p1 =	slt.u32 s9, $0xF7A;
	s5 =	simm.s32 @!p2 $0x0  }
0x1d: {  	s5 =	simm.s32 @p1 $0x1;
	p0 =	seq.s32 s7, s2  }
0x1e: {  	s7 =	smul.u32 @!p0 $0xF7A, s2;
	p2 =	seq.s32 @!p0 s5, $0x0  }
0x1f: {  	s9 =	smul.u32 $0xF7A, s1;
	s8 =	simm.s32 @!p0 $0x1BF5;
	p2 =	por !p2, p0  }
0x20: {  	[sflag:s8] =	ssyncset.s32 @!p0 $0xFFFFF086;
	s6 =	sadd.s32 @!p0 s3, s7;
	s7 =	simm.s32 @!p0 $0x108  }
0x21: {  	s3 =	sadd.s32 s3, s9;
	s6 =	sadd.s32 @!p0 $0x88, s6;
	s7 =	simm.s32 @p2 $0x1082  }
0x22: {  	[simem:s7], [sflag:s8] =	dma.local @!p0 [hbm:s6], $0xF7A  }
0x23: {  	s9 =	sor.u32 $0xD0000000, s2;
	s6 =	simm.s32 $0x108;
	_ =	swait.ge @!p0 [sflag:s8], $0x0  }
0x24: {  	s3 =	sadd.s32 $0x88, s3;
	s6 =	simm.s32 @!p1 $0x1082;
	[sflag:s4] =	ssyncset.s32 $0xFFFFF086  }
0x25: {  	[simem:s6], [sflag:s4] =	dma.local [hbm:s3], $0xF7A  }
0x26: {  	[smem:$0x3F92] =	sst s1;
	(tag) =	ssettag s2;
	_ =	strace s9  }
0x27: {  	s1 =	sld [smem:$0x3FA2]  }
0x28: {  	s2 =	sld [smem:$0x3FA3]  }
0x29: {  	s4 =	sld [smem:$0x3FA5]  }
0x2a: {  	p0 =	seq.s32 s5, $0x0;
	s5 =	sld [smem:$0x3FA6]  }
0x2b: {  	s6 =	sld [smem:$0x3FA7]  }
0x2c: {  	s7 =	sld [smem:$0x3FA8]  }
0x2d: {  	s3 =	simm.s32 $0x108;
	s8 =	sld [smem:$0x3FA9]  }
0x2e: {  	s3 =	simm.s32 @!p0 $0x1082;
	s9 =	sld [smem:$0x3FAA]  }
0x2f: {  	lr =	sadd.s32 s0, s3;
	s0 =	sld [smem:$0x3FA1]  }
0x30: {  	s3 =	sld [smem:$0x3FA4]  }
0x31: {  	[smem:$0x3FAD] =	sst s10  }
0x32: {  	s10 =	sld [smem:$0x3FAB];
	_ =	sdelay $0x3  }
0x33: {  	p0 =	seq.s32 s10, $0x1;
	s10 =	sld [smem:$0x3FAD];
	_ =	sdelay $0x3  }
0x34: {  	[smem:$0x3FAD] =	sst s10  }
0x35: {  	s10 =	sld [smem:$0x3FAC];
	_ =	sdelay $0x3  }
0x36: {  	p1 =	seq.s32 s10, $0x1;
	s10 =	sld [smem:$0x3FAD];
	_ =	sdelay $0x3  }
0x37: {  	[smem:$0x3FAD] =	sst s10  }
0x38: {  	s10 =	sld [smem:$0x3FAE]  }
0x39: {  	_ = 	snop;
	(pc) =	sbr.ind lr, $3  }
0x3a: {  	_ = 	snop  }
0x3b: {  	_ = 	snop  }
0x3c: {  	p2 =	seq.s32 s10, $0x1;
	s10 =	sld [smem:$0x3FAD]  }
0x3d: {  	_ =	shalt  }
0x3e: {  	_ =	shalt  }
0x3f: {  	_ =	shalt  }
0x40: {  	_ =	shalt  }
0x41: {  	_ =	shalt  }
0x42: {  	_ =	shalt  }
0x43: {  	_ =	shalt  }
0x44: {  	_ =	shalt  }
0x45: {  	_ =	shalt  }
0x46: {  	_ =	shalt  }
0x47: {  	_ =	shalt  }
0x48: {  	_ =	shalt  }
0x49: {  	_ =	shalt  }
0x4a: {  	_ =	shalt  }
0x4b: {  	_ =	shalt  }
0x4c: {  	_ =	shalt  }
0x4d: {  	_ =	shalt  }
0x4e: {  	_ =	shalt  }
0x4f: {  	_ =	shalt  }
0x50: {  	_ =	shalt  }
0x51: {  	_ =	shalt  }
0x52: {  	_ =	shalt  }
0x53: {  	_ =	shalt  }
0x54: {  	_ =	shalt  }
0x55: {  	_ =	shalt  }
0x56: {  	_ =	shalt  }
0x57: {  	_ =	shalt  }
0x58: {  	_ =	shalt  }
0x59: {  	_ =	shalt  }
0x5a: {  	_ =	shalt  }
0x5b: {  	_ =	shalt  }
0x5c: {  	_ =	shalt  }
0x5d: {  	_ =	shalt  }
0x5e: {  	_ =	shalt  }
0x5f: {  	_ =	shalt  }
0x60: {  	_ =	shalt  }
0x61: {  	_ =	shalt  }
0x62: {  	_ =	shalt  }
0x63: {  	_ =	shalt  }
0x64: {  	_ =	shalt  }
0x65: {  	_ =	shalt  }
0x66: {  	_ =	shalt  }
0x67: {  	_ =	shalt  }
0x68: {  	_ =	shalt  }
0x69: {  	_ =	shalt  }
0x6a: {  	_ =	shalt  }
0x6b: {  	_ =	shalt  }
0x6c: {  	_ =	shalt  }
0x6d: {  	_ =	shalt  }
0x6e: {  	_ =	shalt  }
0x6f: {  	_ =	shalt  }
0x70: {  	_ =	shalt  }
0x71: {  	_ =	shalt  }
0x72: {  	_ =	shalt  }
0x73: {  	_ =	shalt  }
0x74: {  	_ =	shalt  }
0x75: {  	_ =	shalt  }
0x76: {  	_ =	shalt  }
0x77: {  	_ =	shalt  }
0x78: {  	_ =	shalt  }
0x79: {  	_ =	shalt  }
0x7a: {  	_ =	shalt  }
0x7b: {  	_ =	shalt  }
0x7c: {  	_ =	shalt  }
0x7d: {  	_ =	shalt  }
0x7e: {  	_ =	shalt  }
0x7f: {  	_ =	shalt  }
0x80: {  	_ =	shalt  }
0x81: {  	_ =	shalt  }
0x82: {  	_ =	shalt  }
0x83: {  	_ =	shalt  }
0x84: {  	_ =	shalt  }
0x85: {  	_ =	shalt  }
0x86: {  	_ =	shalt  }
0x87: {  	_ =	shalt  }
.Lfunc_end0:
.L_simem_size_0:
called_computation.3_lowered:
.L_overlay_start_0:
0x88: {  	s2 =	sld [smem:$0x3FD9]  }
0x89: {  	s3 =	sld [smem:$0x3FFE];
	_ =	sdelay $0x1  }
0x8a: {  	s1 =	srdreg.scid  }
0x8b: {  	s0 =	sand.u32 $0x1, s1  }
0x8c: {  	s16 =	sshll.u32 s0, $0xA;
	s2 =	sadd.s32 s3, s2  }
0x8d: {  	s2 =	sadd.s32 s2, s16  }
0x8e: {  	[smem:$0x3FB9] =	sst s2  }
0x8f: {  	_ = 	snop  }
0x90: {  	(tm) =	ssettm $0x1  }
0x91: {  	s17 =	sld [smem:$0x3FFB];
	_ =	sdelay $0x3  }
0x92: {  	_ =	strace s17  }
0x93: {  	s2 =	sld [smem:$0x3FFC];
	_ =	sdelay $0x3  }
0x94: {  	_ =	strace s2  }
0x95: {  	s2 =	sld [smem:$0x3FFD];
	_ =	sdelay $0x3  }
0x96: {  	_ =	strace s2  }
0x97: {  	_ =	strace $0x8FFFFFFF  }
0x98: {  	s18 =	sld [smem:$0x3FDB];
	_ =	sdelay $0x1  }
0x99: {  	s19 =	simm.s32 $_scs_section_size  }
0x9a: {  	s4 =	simm.s32 $_size__tile_overlayer_lowered;
	s5 =	simm.s32 $_tile_overlayer_lowered  }
0x9b: {  	s22 =	simm.s32 $0x1BFF;
	s21 =	sshll.u32 s5, $0x1;
	s2 =	sadd.s32 s19, s18  }
0x9c: {  	s6 =	simm.s32 $0x0;
	s20 =	sshll.u32 s4, $0x1;
	s4 =	sadd.s32 s21, s2  }
0x9d: {  	[timem:s6], [sflag:s22] =	dma.local [hbm:s4], s20  }
0x9e: {  	_ =	swait.ge [sflag:s22], s20  }
0x9f: {  	s3 =	ssub.s32 $0x0, s20;
	[sflag:s22] =	ssyncset.done $0x0  }
0xa0: {  	[sflag:s22] =	ssyncadd.s32 s3;
	_ =	sdelay $0x1  }
0xa1: {  	s23 =	simm.s32 $0x1B8B  }
0xa2: {  	_ =	swait.ge [sflag:s23], $0x1  }
0xa3: {  	[sflag:s23] =	ssyncset.done $0x0  }
0xa4: {  	s25 =	simm.s32 $0x1B8E;
	s24 =	sld [smem:$0x3FFE];
	[sflag:s23] =	ssyncadd.s32 $0xFFFFFFFF  }
0xa5: {  	s26 =	simm.s32 $execute0_lowered;
	[smem:$0x3FD2] =	sst s25  }
0xa6: {  	s4 =	sshll.u32 s26, $0x1;
	_ =	strace $0x8000004F;
	[dreg:$0x1] =	wrdreg $0xFFFFFFFF  }
0xa7: {  	s28 =	simm.s32 $_size_execute0_lowered;
	s2 =	sadd.s32 s2, s4;
	[dreg:$0x0] =	wrdreg $0x0  }
0xa8: {  	s4 =	sshll.u32 s28, $0x1;
	[dreg:$0x2] =	wrdreg s2  }
0xa9: {  	[dreg:$0x3] =	wrdreg s4  }
0xaa: {  	[dreg:$0x4] =	wrdreg $0xC0  }
0xab: {  	_ =	task [dreg:s6], $0x5FFFF  }
0xac: {  	[dreg:$0x1] =	wrdreg $0xFFFFFFFF  }
0xad: {  	[dreg:$0x0] =	wrdreg $0x60  }
0xae: {  	[dreg:$0x2] =	wrdreg s24  }
0xaf: {  	[dreg:$0x3] =	wrdreg $0x0  }
0xb0: {  	[dreg:$0x4] =	wrdreg $0x9  }
0xb1: {  	_ =	task.clear_ibuf [dreg:s6], $0x5FFFF;
	_ =	strace $0x9000004F  }
0xb2: {  	s29 =	simm.s32 $0x9;
	_ =	strace $0x80000051  }
0xb3: {  	_ =	swait.ge [sflag:s29], $0x1  }
0xb4: {  	[sflag:s29] =	ssyncadd.s32 $0xFFFFFFFF  }
0xb5: {  	_ =	strace $0x90000051  }
0xb6: {  	_ =	sfence  }
0xb7: {  	s30 =	sld [smem:$0x0];
	_ =	sdelay $0x2  }
0xb8: {  	s31 =	sshll.u32 s1, $0xD;
	s1 =	sshrl.u32 s1, $0x2  }
0xb9: {  	s3 =	sand.u32 $0x4000, s31;
	s1 =	sadd.s32 s1, s30  }
0xba: {  	s0 =	sor.u32 s3, s0;
	s1 =	sshll.u32 s1, $0x11  }
0xbb: {  	s0 =	sor.u32 s1, s0  }
0xbc: {  	s0 =	sadd.s32 $0x8F2B, s0  }
0xbd: {  	[sflag:s0] =	ssyncadd.remote.s32 $0x1  }
0xbe: {  	_ =	sfence.sel $0xFFFF  }
0xbf: {  	[dreg:$0x0] =	wrdreg $0xFFFFFFFF;
	(pc) =	sbr.abs _section_cstart, $3  }
0xc0: {  	[dreg:$0x1] =	wrdreg $0xFFFFFFFF  }
0xc1: {  	_ =	task.clear_ibuf [dreg:s6], $0x2FFFF;
	_ =	strace $0x9FFFFFFF  }
0xc2: {  	(tm) =	ssettm $0x7FFFFFFF  }
0xc3: {  	_ =	shalt  }
tec
execute0_lowered:
.L_overlay_start_1:
0x0: {  	(tag) =	ssettag $0x1  }
0x1: {  	s0 =	rddreg [dreg:$0x0]  }
0x2: {  	s1 =	rddreg [dreg:$0x1]  }
0x3: {  	s3 =	simm.s32 $0x0;
	s2 =	srdreg.scid;
	s8 =	stileid.u32  }
0x4: {  	s14 =	simm.s32 $0x15000;
	s15 =	simm.s32 $0x5;
	s16 =	simm.s32 $0x14000  }
0x5: {  	s13 =	simm.s32 $0x14C00;
	s28 =	simm.s32 $0x14D80;
	s29 =	simm.s32 $0x14600  }
0x6: {  	s30 =	simm.s32 $0x14680;
	s31 =	simm.s32 $0x14E00;
	s4 =	smul.u32 $0x90, s8  }
0x7: {  	[smem:$0x7FF] =	sst s3;
	s2 =	sand.u32 $0x1, s2;
	s7 =	smul.u32 $0x14000, s8  }
0x8: {  	s5 =	sshll.u32 s8, $0x4;
	s8 =	smul.u32 $0x50000, s8;
	p0 =	seq.s32 s2, $0x0  }
0x9: {  	s5 =	sor.u32 $0x900, s5;
	s6 =	smul.u32 $0x140000, s2;
	_ =	strace $0x80000050  }
0xa: {  	s17 =	ssub.s32 $0x2, s2;
	s5 =	smov.u32 @p0 s4;
	s4 =	sadd.s32 $0x34C00, s0  }
0xb: {  	s9 =	sshrl.u32 s17, $0x1;
	s19 =	sshrl.u32 s8, $0x2;
	p0 =	sne.s32 s2, $0x0  }
0xc: {  	s2 =	simm.s32 $0x14700;
	s8 =	simm.s32 $0x14F80;
	s5 =	sshll.u32 s5, $0x4  }
0xd: {  	s6 =	sadd.s32 s7, s6;
	s18 =	ssub.s32 s17, s9;
	s7 =	sadd.s32 s19, s1  }
0xe: {  	s17 =	simm.s32 $0x14800;
	s20 =	smax.u32 s18, $0x1;
	[dreg:$0x3] =	wrdreg s7  }
0xf: {  	s19 =	simm.s32 $0x14500;
	s21 =	sadd.s32 $0x4000, s7;
	[dreg:$0x5] =	wrdreg s20  }
0x10: {  	s5 =	sadd.s32 s5, s0;
	s22 =	sadd.s32 $0x8000, s7;
	[dreg:$0x6] =	wrdreg s21  }
0x11: {  	s6 =	sshrl.u32 s6, $0x3;
	s23 =	sadd.s32 $0xC000, s7;
	[dreg:$0x7] =	wrdreg s22  }
0x12: {  	s24 =	sadd.s32 $0x10000, s7;
	s18 =	simm.s32 $0x80;
	[dreg:$0x8] =	wrdreg s23  }
0x13: {  	s0 =	sadd.s32 s6, s0;
	[dreg:$0x9] =	wrdreg s24;
	s25 =	sadd.s32 $0x2A00, s5  }
0x14: {  	s26 =	sadd.s32 $0x2AC00, s5;
	s20 =	simm.s32 $0x19000;
	s21 =	simm.s32 $0x1  }
0x15: {  	s22 =	simm.s32 $0x2;
	s24 =	simm.s32 $0x3;
	s5 =	simm.s32 $0x14C80  }
0x16: {  	s23 =	simm.s32 $0x14580;
	s6 =	simm.s32 $0x14780;
	[dreg:$0xa] =	wrdreg s25  }
0x17: {  	s0 =	sadd.s32 $0x5BE00, s0;
	[dreg:$0xb] =	wrdreg s26;
	s26 =	simm.s32 $0x4  }
0x18: {  	v0 =	vimm.s32 $0x0;
	s25 =	simm.s32 $0x14D00;
	[dreg:$0x4] =	wrdreg s0;
	s0 =	simm.s32 $0x0  }
.LBB2_1:
0x19: {  	[dreg:$0xc] =	wrdreg s0;
	s9 =	simm.s32 $0x0;
	s10 =	simm.s32 $0x200  }
.LBB2_2:
0x1a: {  	p1 =	sne.s32 s10, $0xFE00;
	[tilespmem:s9+$0x15070] =	vst v0  }
0x1b: {  	[tilespmem:s9+$0x15000] =	vst v0  }
0x1c: {  	[tilespmem:s9+$0x15010] =	vst v0  }
.Ltmp0:
0x1d: {  	[tilespmem:s9+$0x15020] =	vst v0;
	(pc) =	sbr.rel @p1 .LBB2_2-.Ltmp0, $4  }
0x1e: {  	[tilespmem:s9+$0x15030] =	vst v0  }
0x1f: {  	[tilespmem:s9+$0x15040] =	vst v0  }
0x20: {  	[tilespmem:s9+$0x15050] =	vst v0  }
0x21: {  	[tilespmem:s9+$0x15060] =	vst v0;
	s9 =	sshra.s32 s10, $0x2;
	s10 =	sadd.s32 $0x200, s10  }
0x22: {  	[tilespmem:s9+$0x15070] =	vst v0  }
0x23: {  	[tilespmem:s9+$0x15000] =	vst v0  }
0x24: {  	[tilespmem:s9+$0x15010] =	vst v0  }
0x25: {  	[tilespmem:s9+$0x15020] =	vst v0  }
0x26: {  	[tilespmem:s9+$0x15030] =	vst v0  }
0x27: {  	[tilespmem:s9+$0x15040] =	vst v0  }
0x28: {  	[tilespmem:s9+$0x15050] =	vst v0  }
0x29: {  	[tilespmem:s9+$0x15060] =	vst v0  }
0x2a: {  	[spmem:s7] =	stream.linear.scatter [tilespmem:s14], [sflag:$0x5], $0x4000, $0x38;
	[tilespmem:$0x1D000] =	vst v63  }
0x2b: {  	_ =	swait.ge [sflag:s15], $0x4000  }
0x2c: {  	[sflag:s15] =	ssyncset.done $0x0  }
0x2d: {  	s7 =	rddreg [dreg:$0x6];
	[sflag:s15] =	ssyncadd.s32 $0xFFFFC000  }
0x2e: {  	[spmem:s7] =	stream.linear.scatter [tilespmem:s14], [sflag:$0x5], $0x4000, $0x38;
	[tilespmem:$0x1D000] =	vst v63  }
0x2f: {  	_ =	swait.ge [sflag:s15], $0x4000  }
0x30: {  	[sflag:s15] =	ssyncset.done $0x0  }
0x31: {  	s10 =	rddreg [dreg:$0x7];
	[sflag:s15] =	ssyncadd.s32 $0xFFFFC000  }
0x32: {  	[spmem:s10] =	stream.linear.scatter [tilespmem:s14], [sflag:$0x5], $0x4000, $0x38;
	[tilespmem:$0x1D000] =	vst v63  }
0x33: {  	_ =	swait.ge [sflag:s15], $0x4000  }
0x34: {  	[sflag:s15] =	ssyncset.done $0x0  }
0x35: {  	s11 =	rddreg [dreg:$0x8];
	[sflag:s15] =	ssyncadd.s32 $0xFFFFC000  }
0x36: {  	[spmem:s11] =	stream.linear.scatter [tilespmem:s14], [sflag:$0x5], $0x4000, $0x38;
	[tilespmem:$0x1D000] =	vst v63  }
0x37: {  	_ =	swait.ge [sflag:s15], $0x4000  }
0x38: {  	[sflag:s15] =	ssyncset.done $0x0  }
0x39: {  	s12 =	rddreg [dreg:$0x9];
	[sflag:s15] =	ssyncadd.s32 $0xFFFFC000  }
0x3a: {  	[spmem:s12] =	stream.linear.scatter [tilespmem:s14], [sflag:$0x5], $0x4000, $0x38;
	[tilespmem:$0x1D000] =	vst v63  }
0x3b: {  	_ =	swait.ge [sflag:s15], $0x4000  }
0x3c: {  	[sflag:s15] =	ssyncset.done $0x0  }
0x3d: {  	[sflag:s15] =	ssyncadd.s32 $0xFFFFC000  }
0x3e: {  	[bflag:$0x0] =	sbarrier.arrive $0xFFFF  }
0x3f: {  	s0 =	simm.s32 $0x14E80;
	s9 =	rddreg [dreg:$0xb]  }
0x40: {  	s7 =	simm.s32 $0x14F00;
	s11 =	simm.s32 $0x0;
	s10 =	rddreg [dreg:$0xa]  }
.LBB2_4:
0x41: {  	[tilespmem:s16], [sflag:$0x5] =	stream.linear.gather [hbm4b:s9+s3], $0x800, $0x38;
	[tilespmem:$0x1D000] =	vst v63  }
0x42: {  	_ =	swait.ge [sflag:s15], $0x800  }
0x43: {  	[sflag:s15] =	ssyncset.done $0x0  }
0x44: {  	[sflag:s15] =	ssyncadd.s32 $0xFFFFF800  }
0x45: {  	[tilespmem:s17], [sflag:$0x5] =	stream.linear.gather [hbm4b:s10+s3], $0x800, $0x38;
	[tilespmem:$0x1D000] =	vst v63  }
0x46: {  	_ =	swait.ge [sflag:s15], $0x800  }
0x47: {  	[sflag:s15] =	ssyncset.done $0x0  }
0x48: {  	[sflag:s15] =	ssyncadd.s32 $0xFFFFF800  }
0x49: {  	[tilespmem:s14], [sflag:$0x1] =	stream.indirect.gather [hbm4b:s4+s18], $0x80, s16, s18, $0xb8;
	[tilespmem:$0x1D000] =	vst v63  }
0x4a: {  	s12 =	simm.s32 $0x14080  }
0x4b: {  	[tilespmem:s20], [sflag:$0x2] =	stream.indirect.gather [hbm4b:s4+s18], $0x80, s12, s18, $0xb8;
	[tilespmem:$0x1D000] =	vst v63  }
0x4c: {  	_ =	swait.ge [sflag:s21], $0x4000  }
0x4d: {  	[sflag:s21] =	ssyncset.done $0x0  }
0x4e: {  	[sflag:s21] =	ssyncadd.s32 $0xFFFFC000  }
0x4f: {  	[spmem:s1] =	stream.indirect.scatter.add.s32 [tilespmem:s14], [sflag:$0x3], $0x80, s17, s18, $0xb8;
	[tilespmem:$0x1D000] =	vst v63  }
0x50: {  	_ =	swait.ge [sflag:s22], $0x4000  }
0x51: {  	[sflag:s22] =	ssyncset.done $0x0  }
0x52: {  	s12 =	simm.s32 $0x14880;
	[sflag:s22] =	ssyncadd.s32 $0xFFFFC000  }
0x53: {  	[spmem:s1] =	stream.indirect.scatter.add.s32 [tilespmem:s20], [sflag:$0x4], $0x80, s12, s18, $0xb8;
	[tilespmem:$0x1D000] =	vst v63  }
0x54: {  	_ =	swait.ge [sflag:s24], $0x4000  }
0x55: {  	[sflag:s24] =	ssyncset.done $0x0  }
0x56: {  	s12 =	simm.s32 $0x14100;
	[sflag:s24] =	ssyncadd.s32 $0xFFFFC000  }
0x57: {  	[tilespmem:s14], [sflag:$0x1] =	stream.indirect.gather [hbm4b:s4+s18], $0x80, s12, s18, $0xb8;
	[tilespmem:$0x1D000] =	vst v63  }
0x58: {  	_ =	swait.ge [sflag:s26], $0x4000  }
0x59: {  	[sflag:s26] =	ssyncset.done $0x0  }
0x5a: {  	s12 =	simm.s32 $0x14180;
	[sflag:s26] =	ssyncadd.s32 $0xFFFFC000  }
0x5b: {  	[tilespmem:s20], [sflag:$0x2] =	stream.indirect.gather [hbm4b:s4+s18], $0x80, s12, s18, $0xb8;
	[tilespmem:$0x1D000] =	vst v63  }
0x5c: {  	_ =	swait.ge [sflag:s21], $0x4000  }
0x5d: {  	[sflag:s21] =	ssyncset.done $0x0  }
0x5e: {  	s12 =	simm.s32 $0x14900;
	[sflag:s21] =	ssyncadd.s32 $0xFFFFC000  }
0x5f: {  	[spmem:s1] =	stream.indirect.scatter.add.s32 [tilespmem:s14], [sflag:$0x3], $0x80, s12, s18, $0xb8;
	[tilespmem:$0x1D000] =	vst v63  }
0x60: {  	_ =	swait.ge [sflag:s22], $0x4000  }
0x61: {  	[sflag:s22] =	ssyncset.done $0x0  }
0x62: {  	s12 =	simm.s32 $0x14980;
	[sflag:s22] =	ssyncadd.s32 $0xFFFFC000  }
0x63: {  	[spmem:s1] =	stream.indirect.scatter.add.s32 [tilespmem:s20], [sflag:$0x4], $0x80, s12, s18, $0xb8;
	[tilespmem:$0x1D000] =	vst v63  }
0x64: {  	_ =	swait.ge [sflag:s24], $0x4000  }
0x65: {  	[sflag:s24] =	ssyncset.done $0x0  }
0x66: {  	s12 =	simm.s32 $0x14200;
	[sflag:s24] =	ssyncadd.s32 $0xFFFFC000  }
0x67: {  	[tilespmem:s14], [sflag:$0x1] =	stream.indirect.gather [hbm4b:s4+s18], $0x80, s12, s18, $0xb8;
	[tilespmem:$0x1D000] =	vst v63  }
0x68: {  	_ =	swait.ge [sflag:s26], $0x4000  }
0x69: {  	[sflag:s26] =	ssyncset.done $0x0  }
0x6a: {  	s12 =	simm.s32 $0x14280;
	[sflag:s26] =	ssyncadd.s32 $0xFFFFC000  }
0x6b: {  	[tilespmem:s20], [sflag:$0x2] =	stream.indirect.gather [hbm4b:s4+s18], $0x80, s12, s18, $0xb8;
	[tilespmem:$0x1D000] =	vst v63  }
0x6c: {  	_ =	swait.ge [sflag:s21], $0x4000  }
0x6d: {  	[sflag:s21] =	ssyncset.done $0x0  }
0x6e: {  	s12 =	simm.s32 $0x14A00;
	[sflag:s21] =	ssyncadd.s32 $0xFFFFC000  }
0x6f: {  	[spmem:s1] =	stream.indirect.scatter.add.s32 [tilespmem:s14], [sflag:$0x3], $0x80, s12, s18, $0xb8;
	[tilespmem:$0x1D000] =	vst v63  }
0x70: {  	_ =	swait.ge [sflag:s22], $0x4000  }
0x71: {  	[sflag:s22] =	ssyncset.done $0x0  }
0x72: {  	s12 =	simm.s32 $0x14A80;
	[sflag:s22] =	ssyncadd.s32 $0xFFFFC000  }
0x73: {  	[spmem:s1] =	stream.indirect.scatter.add.s32 [tilespmem:s20], [sflag:$0x4], $0x80, s12, s18, $0xb8;
	[tilespmem:$0x1D000] =	vst v63  }
0x74: {  	_ =	swait.ge [sflag:s24], $0x4000  }
0x75: {  	[sflag:s24] =	ssyncset.done $0x0  }
0x76: {  	s12 =	simm.s32 $0x14300;
	[sflag:s24] =	ssyncadd.s32 $0xFFFFC000  }
0x77: {  	[tilespmem:s14], [sflag:$0x1] =	stream.indirect.gather [hbm4b:s4+s18], $0x80, s12, s18, $0xb8;
	[tilespmem:$0x1D000] =	vst v63  }
0x78: {  	_ =	swait.ge [sflag:s26], $0x4000  }
0x79: {  	[sflag:s26] =	ssyncset.done $0x0  }
0x7a: {  	s12 =	simm.s32 $0x14380;
	[sflag:s26] =	ssyncadd.s32 $0xFFFFC000  }
0x7b: {  	[tilespmem:s20], [sflag:$0x2] =	stream.indirect.gather [hbm4b:s4+s18], $0x80, s12, s18, $0xb8;
	[tilespmem:$0x1D000] =	vst v63  }
0x7c: {  	_ =	swait.ge [sflag:s21], $0x4000  }
0x7d: {  	[sflag:s21] =	ssyncset.done $0x0  }
0x7e: {  	s12 =	simm.s32 $0x14B00;
	[sflag:s21] =	ssyncadd.s32 $0xFFFFC000  }
0x7f: {  	[spmem:s1] =	stream.indirect.scatter.add.s32 [tilespmem:s14], [sflag:$0x3], $0x80, s12, s18, $0xb8;
	[tilespmem:$0x1D000] =	vst v63  }
0x80: {  	_ =	swait.ge [sflag:s22], $0x4000  }
0x81: {  	[sflag:s22] =	ssyncset.done $0x0  }
0x82: {  	s12 =	simm.s32 $0x14B80;
	[sflag:s22] =	ssyncadd.s32 $0xFFFFC000  }
0x83: {  	[spmem:s1] =	stream.indirect.scatter.add.s32 [tilespmem:s20], [sflag:$0x4], $0x80, s12, s18, $0xb8;
	[tilespmem:$0x1D000] =	vst v63  }
0x84: {  	_ =	swait.ge [sflag:s24], $0x4000  }
0x85: {  	[sflag:s24] =	ssyncset.done $0x0  }
0x86: {  	s12 =	simm.s32 $0x14400;
	[sflag:s24] =	ssyncadd.s32 $0xFFFFC000  }
0x87: {  	[tilespmem:s14], [sflag:$0x1] =	stream.indirect.gather [hbm4b:s4+s18], $0x80, s12, s18, $0xb8;
	[tilespmem:$0x1D000] =	vst v63  }
0x88: {  	_ =	swait.ge [sflag:s26], $0x4000  }
0x89: {  	[sflag:s26] =	ssyncset.done $0x0  }
0x8a: {  	s12 =	simm.s32 $0x14480;
	[sflag:s26] =	ssyncadd.s32 $0xFFFFC000  }
0x8b: {  	[tilespmem:s20], [sflag:$0x2] =	stream.indirect.gather [hbm4b:s4+s18], $0x80, s12, s18, $0xb8;
	[tilespmem:$0x1D000] =	vst v63  }
0x8c: {  	_ =	swait.ge [sflag:s21], $0x4000  }
0x8d: {  	[sflag:s21] =	ssyncset.done $0x0  }
0x8e: {  	[sflag:s21] =	ssyncadd.s32 $0xFFFFC000  }
0x8f: {  	[spmem:s1] =	stream.indirect.scatter.add.s32 [tilespmem:s14], [sflag:$0x3], $0x80, s13, s18, $0xb8;
	[tilespmem:$0x1D000] =	vst v63  }
0x90: {  	_ =	swait.ge [sflag:s22], $0x4000  }
0x91: {  	[sflag:s22] =	ssyncset.done $0x0  }
0x92: {  	[sflag:s22] =	ssyncadd.s32 $0xFFFFC000  }
0x93: {  	[spmem:s1] =	stream.indirect.scatter.add.s32 [tilespmem:s20], [sflag:$0x4], $0x80, s5, s18, $0xb8;
	[tilespmem:$0x1D000] =	vst v63  }
0x94: {  	_ =	swait.ge [sflag:s24], $0x4000  }
0x95: {  	[sflag:s24] =	ssyncset.done $0x0  }
0x96: {  	[sflag:s24] =	ssyncadd.s32 $0xFFFFC000  }
0x97: {  	[tilespmem:s14], [sflag:$0x1] =	stream.indirect.gather [hbm4b:s4+s18], $0x80, s19, s18, $0xb8;
	[tilespmem:$0x1D000] =	vst v63  }
0x98: {  	_ =	swait.ge [sflag:s26], $0x4000  }
0x99: {  	[sflag:s26] =	ssyncset.done $0x0  }
0x9a: {  	[sflag:s26] =	ssyncadd.s32 $0xFFFFC000  }
0x9b: {  	[tilespmem:s20], [sflag:$0x2] =	stream.indirect.gather [hbm4b:s4+s18], $0x80, s23, s18, $0xb8;
	[tilespmem:$0x1D000] =	vst v63  }
0x9c: {  	_ =	swait.ge [sflag:s21], $0x4000  }
0x9d: {  	[sflag:s21] =	ssyncset.done $0x0  }
0x9e: {  	[sflag:s21] =	ssyncadd.s32 $0xFFFFC000  }
0x9f: {  	[spmem:s1] =	stream.indirect.scatter.add.s32 [tilespmem:s14], [sflag:$0x3], $0x80, s25, s18, $0xb8;
	[tilespmem:$0x1D000] =	vst v63  }
0xa0: {  	_ =	swait.ge [sflag:s22], $0x4000  }
0xa1: {  	[sflag:s22] =	ssyncset.done $0x0  }
0xa2: {  	[sflag:s22] =	ssyncadd.s32 $0xFFFFC000  }
0xa3: {  	[spmem:s1] =	stream.indirect.scatter.add.s32 [tilespmem:s20], [sflag:$0x4], $0x80, s28, s18, $0xb8;
	[tilespmem:$0x1D000] =	vst v63  }
0xa4: {  	_ =	swait.ge [sflag:s24], $0x4000  }
0xa5: {  	[sflag:s24] =	ssyncset.done $0x0  }
0xa6: {  	[sflag:s24] =	ssyncadd.s32 $0xFFFFC000  }
0xa7: {  	[tilespmem:s14], [sflag:$0x1] =	stream.indirect.gather [hbm4b:s4+s18], $0x80, s29, s18, $0xb8;
	[tilespmem:$0x1D000] =	vst v63  }
0xa8: {  	_ =	swait.ge [sflag:s26], $0x4000  }
0xa9: {  	[sflag:s26] =	ssyncset.done $0x0  }
0xaa: {  	[sflag:s26] =	ssyncadd.s32 $0xFFFFC000  }
0xab: {  	[tilespmem:s20], [sflag:$0x2] =	stream.indirect.gather [hbm4b:s4+s18], $0x80, s30, s18, $0xb8;
	[tilespmem:$0x1D000] =	vst v63  }
0xac: {  	_ =	swait.ge [sflag:s21], $0x4000  }
0xad: {  	[sflag:s21] =	ssyncset.done $0x0  }
0xae: {  	[sflag:s21] =	ssyncadd.s32 $0xFFFFC000  }
0xaf: {  	[spmem:s1] =	stream.indirect.scatter.add.s32 [tilespmem:s14], [sflag:$0x3], $0x80, s31, s18, $0xb8;
	[tilespmem:$0x1D000] =	vst v63  }
0xb0: {  	_ =	swait.ge [sflag:s22], $0x4000  }
0xb1: {  	[sflag:s22] =	ssyncset.done $0x0  }
0xb2: {  	[sflag:s22] =	ssyncadd.s32 $0xFFFFC000  }
0xb3: {  	[spmem:s1] =	stream.indirect.scatter.add.s32 [tilespmem:s20], [sflag:$0x4], $0x80, s0, s18, $0xb8;
	[tilespmem:$0x1D000] =	vst v63  }
0xb4: {  	_ =	swait.ge [sflag:s24], $0x4000  }
0xb5: {  	[sflag:s24] =	ssyncset.done $0x0  }
0xb6: {  	[sflag:s24] =	ssyncadd.s32 $0xFFFFC000  }
0xb7: {  	[tilespmem:s14], [sflag:$0x1] =	stream.indirect.gather [hbm4b:s4+s18], $0x80, s2, s18, $0xb8;
	[tilespmem:$0x1D000] =	vst v63  }
0xb8: {  	_ =	swait.ge [sflag:s26], $0x4000  }
0xb9: {  	[sflag:s26] =	ssyncset.done $0x0  }
0xba: {  	[sflag:s26] =	ssyncadd.s32 $0xFFFFC000  }
0xbb: {  	[tilespmem:s20], [sflag:$0x2] =	stream.indirect.gather [hbm4b:s4+s18], $0x80, s6, s18, $0xb8;
	[tilespmem:$0x1D000] =	vst v63  }
0xbc: {  	_ =	swait.ge [sflag:s21], $0x4000  }
0xbd: {  	[sflag:s21] =	ssyncset.done $0x0  }
0xbe: {  	[sflag:s21] =	ssyncadd.s32 $0xFFFFC000  }
0xbf: {  	[spmem:s1] =	stream.indirect.scatter.add.s32 [tilespmem:s14], [sflag:$0x3], $0x80, s7, s18, $0xb8;
	[tilespmem:$0x1D000] =	vst v63  }
0xc0: {  	_ =	swait.ge [sflag:s22], $0x4000  }
0xc1: {  	[sflag:s22] =	ssyncset.done $0x0  }
0xc2: {  	p1 =	slt.u32 @!p0 s11, $0x8;
	[sflag:s22] =	ssyncadd.s32 $0xFFFFC000  }
0xc3: {  	[spmem:s1] =	stream.indirect.scatter.add.s32 [tilespmem:s20], [sflag:$0x4], $0x80, s8, s18, $0xb8;
	[tilespmem:$0x1D000] =	vst v63  }
0xc4: {  	p1 =	por p0, !p1;
	_ =	swait.ge [sflag:s24], $0x4000  }
.Ltmp1:
0xc5: {  	[sflag:s24] =	ssyncset.done $0x0;
	(pc) =	sbr.rel @!p1 .LBB2_4-.Ltmp1, $4  }
0xc6: {  	[sflag:s24] =	ssyncadd.s32 $0xFFFFC000  }
0xc7: {  	_ =	swait.ge [sflag:s26], $0x4000  }
0xc8: {  	s11 =	sadd.s32 $0x1, s11;
	[sflag:s26] =	ssyncset.done $0x0  }
0xc9: {  	s9 =	sadd.s32 $0x100, s9;
	s10 =	sadd.s32 $0x100, s10;
	[sflag:s26] =	ssyncadd.s32 $0xFFFFC000  }
0xca: {  	s9 =	stileid.u32;
	[bflag:$0x0] =	sbarrier.arrive $0xFFFF  }
0xcb: {  	s9 =	sshll.u32 s9, $0x6;
	s7 =	rddreg [dreg:$0x3]  }
0xcc: {  	s11 =	rddreg [dreg:$0x4];
	s9 =	sor.u32 $0x1C05, s9;
	s10 =	sshrl.u32 s7, $0x3  }
0xcd: {  	[hbm:s11], [sflag:s9] =	dma.local [spmem:s10], $0x2800  }
0xce: {  	_ =	swait.ge [sflag:s15], $0x2800  }
0xcf: {  	s0 =	rddreg [dreg:$0xc]  }
0xd0: {  	s12 =	rddreg [dreg:$0x5];
	s0 =	sadd.s32 $0x1, s0  }
0xd1: {  	p1 =	sne.s32 s0, s12  }
.Ltmp2:
0xd2: {  	_ = 	snop;
	(pc) =	sbr.rel @p1 .LBB2_1-.Ltmp2, $3  }
0xd3: {  	_ =	sdelay $0x1  }
0xd4: {  	[sflag:s15] =	ssyncset.done $0x0  }
0xd5: {  	[sflag:s15] =	ssyncadd.s32 $0xFFFFD800  }
0xd6: {  	_ =	sfence.sel $0x180000  }
0xd7: {  	[bflag:$0x0] =	sbarrier.arrive $0xFFFF  }
0xd8: {  	_ =	strace $0x90000050  }
0xd9: {  	s0 =	stileid.u32;
	[bflag:$0x2] =	sbarrier.arrive $0xFFFF  }
0xda: {  	p0 =	sne.s32 s0, $0x0;
	s0 =	rddreg [dreg:$0x2]  }
0xdb: {  	s0 =	sadd.s32 @!p0 $0x100000, s0  }
0xdc: {  	[sflag:s0] =	ssyncadd.tile.s32 @!p0 $0x1;
	_ =	shalt  }
.Lfunc_end2:
_tile_overlayer_lowered:
.L_overlay_start_2:
0xdd: {  	(tag) =	ssettag $0x2  }
0xde: {  	s0 =	rddreg [dreg:$0x0];
	s2 =	stileid.u32  }
0xdf: {  	s1 =	rddreg [dreg:$0x1];
	p0 =	sne.s32 s2, $0x0  }
0xe0: {  	s3 =	rddreg [dreg:$0x2];
	[bflag:$0x3] =	sbarrier.arrive $0xFFFF;
	s2 =	simm.s32 @!p0 $0x1C05  }
0xe1: {  	[timem:s3], [sflag:s2] =	dma.local @!p0 [hbm:s0], s1  }
0xe2: {  	s0 =	simm.s32 @!p0 $0x5  }
0xe3: {  	_ =	swait.ge @!p0 [sflag:s0], s1  }
0xe4: {  	s1 =	ssub.s32 @!p0 $0x0, s1;
	[sflag:s0] =	ssyncset.done @!p0 $0x0  }
0xe5: {  	[sflag:s0] =	ssyncadd.s32 @!p0 s1  }
0xe6: {  	[bflag:$0x3] =	sbarrier.arrive $0xFFFF  }
0xe7: {  	_ =	shalt  }

</sc_bundles>
